<compile_context>
chip_gen: v7x
topology: tpu7x:2x2x1
jax: 0.10.2.dev20260603
libtpu: 0.0.44.dev20260713+nightly
codegen_flags: <defaults>
</compile_context>

<pallas_src>
import functools

import jax
import jax.numpy as jnp
from jax import lax
from jax.experimental import pallas as pl
from jax.experimental.pallas import tpu as pltpu
from jax.experimental.pallas import tpu_sc as plsc

_N_CODES = 1000000
_CODE_CH = 32
_BATCH = 16384

_info = plsc.get_sparse_core_info()
_NC = _info.num_cores
_NS = _info.num_subcores
_NW = _NC * _NS
_B_PER_W = _BATCH // _NW
_CHUNK = 8
_NCHUNK = _B_PER_W // _CHUNK

_mesh = plsc.VectorSubcoreMesh(core_axis_name="c", subcore_axis_name="s")


@functools.partial(
    pl.kernel,
    mesh=_mesh,
    out_type=jax.ShapeDtypeStruct((_CODE_CH, _BATCH), jnp.float32),
    scratch_types=[
        pltpu.VMEM((_B_PER_W + 16,), jnp.int32),
        pltpu.VMEM((16,), jnp.int32),
        pltpu.VMEM((_CHUNK, 4, 8, 128), jnp.float32),
        pltpu.VMEM((_CHUNK, 4, 8, 128), jnp.float32),
        pltpu.VMEM((_CODE_CH, _B_PER_W), jnp.float32),
        pltpu.SemaphoreType.DMA,
        pltpu.SemaphoreType.DMA,
        pltpu.SemaphoreType.DMA,
    ],
    compiler_params=pltpu.CompilerParams(
        needs_layout_passes=False, skip_device_barrier=True
    ),
)
def _gather_kernel(idx_hbm, table_hbm, out_hbm, idx_v, slab_v,
                   buf_a, buf_b, rows_v, sem_a, sem_b, sem_o):
    wid = lax.axis_index("s") * _NC + lax.axis_index("c")
    base = wid * _B_PER_W

    pltpu.sync_copy(idx_hbm.at[pl.ds(base, _B_PER_W)],
                    idx_v.at[pl.ds(0, _B_PER_W)])

    lanes = lax.iota(jnp.int32, 16)
    slab_v[...] = lanes

    pats = []
    for h in range(2):
        c = lanes + h * 16
        pats.append((c >> 3, c & 7, c))

    def fire(ch, buf, sem):
        rv = idx_v[pl.ds(ch * _CHUNK, 16)]
        for k in range(_CHUNK):
            r = rv[k]
            mo = pl.multiple_of((r >> 7) << 7, 128)
            pltpu.async_copy(
                table_hbm.at[slab_v.at[pl.ds(0, 4)], :, pl.ds(mo, 128)],
                buf.at[k],
                sem,
            )

    def drain(sem):
        pltpu.make_async_copy(out_hbm.at[:, pl.ds(0, _B_PER_W)], rows_v,
                              sem).wait()
        pltpu.make_async_copy(out_hbm.at[:, pl.ds(0, _B_PER_W)], rows_v,
                              sem).wait()

    def extract(ch, buf):
        rv = idx_v[pl.ds(ch * _CHUNK, 16)]
        for k in range(_CHUNK):
            i = ch * _CHUNK + k
            r = rv[k]
            o = jnp.full((16,), r & 127, jnp.int32)
            ii = jnp.full((16,), i, jnp.int32)
            for g, s, c in pats:
                vals = plsc.load_gather(buf.at[k], [g, s, o])
                plsc.store_scatter(rows_v, [c, ii], vals)

    fire(0, buf_a, sem_a)

    def pbody(p, carry):
        fire(2 * p + 1, buf_b, sem_b)
        drain(sem_a)
        extract(2 * p, buf_a)
        fire(2 * p + 2, buf_a, sem_a)
        drain(sem_b)
        extract(2 * p + 1, buf_b)
        return carry

    lax.fori_loop(0, _NCHUNK // 2 - 1, pbody, 0)

    fire(_NCHUNK - 1, buf_b, sem_b)
    drain(sem_a)
    extract(_NCHUNK - 2, buf_a)
    drain(sem_b)
    extract(_NCHUNK - 1, buf_b)

    copies = [
        pltpu.async_copy(
            rows_v.at[pl.ds(8 * g, 8), :],
            out_hbm.at[pl.ds(8 * g, 8), pl.ds(base, _B_PER_W)],
            sem_o,
        )
        for g in range(_CODE_CH // 8)
    ]
    for cp in copies:
        cp.wait()


def kernel(idx, table):
    table3 = table.T.reshape(4, 8, _N_CODES)
    out_t = _gather_kernel(idx.reshape(_BATCH), table3)
    return out_t.T

# --- scband reference (transcript-rebuilt; emitter-appended) ---
"""Pipeline reference for scband-optcodes-39702677684428 (READ-ONLY COPY).

The authoritative reference and input builder live on the scoring server;
editing this copy changes nothing except your own understanding.
"""

import jax, jax.numpy as jnp
import numpy as np

N_CODES = 1000000
CODE_CH = 32
BATCH = 16384


def setup_inputs(seed: int = 0) -> dict:
    key = jax.random.key(seed)
    k1, k2 = jax.random.split(key)
    idx = jax.random.randint(k1, (BATCH, 1), 0, N_CODES, dtype=jnp.int32)
    # xavier_normal_ init for the embedding table of shape (n_codes, code_ch)
    fan_in, fan_out = N_CODES, CODE_CH
    std = float(np.sqrt(2.0 / (fan_in + fan_out)))
    table = jax.random.normal(k2, (N_CODES, CODE_CH), dtype=jnp.float32) * std
    return {"idx": idx, "table": table}


def reference(idx, table):
    # Optcodes.forward with idx_map=None, transform_code=False, idx.shape[-1] == 1:
    #   codes = self.codes(idx.long()).squeeze(1)
    codes = jnp.take(table, idx, axis=0)  # [B, 1, code_ch]
    codes = jnp.squeeze(codes, axis=1)    # [B, code_ch]
    return codes

if __name__ == "__main__":
    import jax
    _d = setup_inputs()
    print(jax.jit(kernel)(*tuple(_d.values())))

</pallas_src>

<mosaic_0001>
#map = affine_map<(d0, d1) -> (0)>
#map1 = affine_map<(d0, d1) -> (0, 0, 0)>
#map2 = affine_map<(d0, d1) -> (0, 0)>
module attributes {stable_mosaic.version = 14 : i64} {
  func.func @_gather_kernel(%arg0: i32, %arg1: i32, %arg2: memref<16384xi32, #tpu.memory_space<hbm>>, %arg3: memref<4x8x1000000xf32, #tpu.memory_space<hbm>>, %arg4: memref<32x16384xf32, #tpu.memory_space<hbm>>, %arg5: memref<528xi32, #tpu.memory_space<vmem>>, %arg6: memref<16xi32, #tpu.memory_space<vmem>>, %arg7: memref<8x4x8x128xf32, #tpu.memory_space<vmem>>, %arg8: memref<8x4x8x128xf32, #tpu.memory_space<vmem>>, %arg9: memref<32x512xf32, #tpu.memory_space<vmem>>, %arg10: memref<!tpu.dma_semaphore, #tpu.memory_space<semaphore_mem>>, %arg11: memref<!tpu.dma_semaphore, #tpu.memory_space<semaphore_mem>>, %arg12: memref<!tpu.dma_semaphore, #tpu.memory_space<semaphore_mem>>) attributes {dimension_semantics = [#tpu.dimension_semantics<core_parallel>, #tpu.dimension_semantics<subcore_parallel>], iteration_bounds = array<i64: 2, 16>, scalar_prefetch = 0 : i64, scratch_operands = 8 : i64, tpu.core_type = #tpu.core_type<sc_vector_subcore>, window_params = [{transform_indices = #map}, {transform_indices = #map1}, {transform_indices = #map2}]} {
    %mul3A = arith.constant 2 : i32
    %mul3A_0 = arith.muli %arg1, %mul3A : i32
    %add3A = arith.addi %mul3A_0, %arg0 : i32
    %mul3A_1 = arith.constant 512 : i32
    %mul3A_2 = arith.muli %add3A, %mul3A_1 : i32
    "tpu.region"() ({
      %run_scoped3A = tpu.sem_alloc : memref<!tpu.dma_semaphore, #tpu.memory_space<semaphore_mem>>
      %dma_start3A_752 = arith.constant 0 : i32
      %dma_start3A_753 = tpu.memref_slice %arg5[%dma_start3A_752] : memref<528xi32, #tpu.memory_space<vmem>> -> memref<512xi32, #tpu.memory_space<vmem>>
      %dma_start3A_754 = tpu.memref_slice %arg2[%mul3A_2] : memref<16384xi32, #tpu.memory_space<hbm>> -> memref<512xi32, #tpu.memory_space<hbm>>
      %dma_start3A_755 = arith.constant 0 : i32
      %dma_start3A_756 = tpu.memref_slice %arg5[%dma_start3A_755] : memref<528xi32, #tpu.memory_space<vmem>> -> memref<512xi32, #tpu.memory_space<vmem>>
      %dma_start3A_757 = tpu.memref_slice %arg2[%mul3A_2] : memref<16384xi32, #tpu.memory_space<hbm>> -> memref<512xi32, #tpu.memory_space<hbm>>
      tpu.enqueue_dma source(%dma_start3A_757 : memref<512xi32, #tpu.memory_space<hbm>>) target(%dma_start3A_756 : memref<512xi32, #tpu.memory_space<vmem>>) target_semaphore(%run_scoped3A : memref<!tpu.dma_semaphore, #tpu.memory_space<semaphore_mem>>)
      %dma_wait3A_758 = arith.constant 0 : i32
      %dma_wait3A_759 = tpu.memref_slice %arg5[%dma_wait3A_758] : memref<528xi32, #tpu.memory_space<vmem>> -> memref<512xi32, #tpu.memory_space<vmem>>
      %dma_wait3A_760 = tpu.memref_slice %arg2[%mul3A_2] : memref<16384xi32, #tpu.memory_space<hbm>> -> memref<512xi32, #tpu.memory_space<hbm>>
      %dma_wait3A_761 = arith.constant 0 : i32
      %dma_wait3A_762 = tpu.memref_slice %arg5[%dma_wait3A_761] : memref<528xi32, #tpu.memory_space<vmem>> -> memref<512xi32, #tpu.memory_space<vmem>>
      %dma_wait3A_763 = tpu.memref_slice %arg2[%mul3A_2] : memref<16384xi32, #tpu.memory_space<hbm>> -> memref<512xi32, #tpu.memory_space<hbm>>
      tpu.wait_dma2 semaphore(%run_scoped3A : memref<!tpu.dma_semaphore, #tpu.memory_space<semaphore_mem>>) src(%dma_wait3A_763 : memref<512xi32, #tpu.memory_space<hbm>>) dst(%dma_wait3A_762 : memref<512xi32, #tpu.memory_space<vmem>>)
      tpu.yield
    }) : () -> ()
    %iota3A = tpu.iota {dimensions = array<i32: 0>} : vector<16xi32>
    %swap3A = arith.constant 0 : index
    %swap3A_3 = tpu.vector_load %arg6[%swap3A] {strides = array<i32>} : memref<16xi32, #tpu.memory_space<vmem>>, vector<16xi32>,
    tpu.vector_store %arg6[%swap3A], %iota3A {strides = array<i32>} : memref<16xi32, #tpu.memory_space<vmem>>, vector<16xi32>,
    %add3A_4 = arith.constant 0 : i32
    %add3A_5 = vector.broadcast %add3A_4 : i32 to vector<16xi32>
    %add3A_6 = arith.addi %iota3A, %add3A_5 : vector<16xi32>
    %shift_right_arithmetic3A = arith.constant 3 : i32
    %shift_right_arithmetic3A_7 = vector.broadcast %shift_right_arithmetic3A : i32 to vector<16xi32>
    %shift_right_arithmetic3A_8 = arith.shrsi %add3A_6, %shift_right_arithmetic3A_7 : vector<16xi32>
    %and3A = arith.constant 7 : i32
    %and3A_9 = vector.broadcast %and3A : i32 to vector<16xi32>
    %and3A_10 = arith.andi %add3A_6, %and3A_9 : vector<16xi32>
    %add3A_11 = arith.constant 16 : i32
    %add3A_12 = vector.broadcast %add3A_11 : i32 to vector<16xi32>
    %add3A_13 = arith.addi %iota3A, %add3A_12 : vector<16xi32>
    %shift_right_arithmetic3A_14 = arith.constant 3 : i32
    %shift_right_arithmetic3A_15 = vector.broadcast %shift_right_arithmetic3A_14 : i32 to vector<16xi32>
    %shift_right_arithmetic3A_16 = arith.shrsi %add3A_13, %shift_right_arithmetic3A_15 : vector<16xi32>
    %and3A_17 = arith.constant 7 : i32
    %and3A_18 = vector.broadcast %and3A_17 : i32 to vector<16xi32>
    %and3A_19 = arith.andi %add3A_13, %and3A_18 : vector<16xi32>
    %get3A = arith.constant 0 : index
    %get3A_20 = tpu.vector_load %arg5[%get3A] {strides = array<i32>} : memref<528xi32, #tpu.memory_space<vmem>>, vector<16xi32>,
    %slice3A = vector.extract_strided_slice %get3A_20 {offsets = [0], sizes = [1], strides = [1]} : vector<16xi32> to vector<1xi32>
    %squeeze3A = vector.extract %slice3A[0] : i32 from vector<1xi32>
    %shift_right_arithmetic3A_21 = arith.constant 7 : i32
    %shift_right_arithmetic3A_22 = arith.shrsi %squeeze3A, %shift_right_arithmetic3A_21 : i32
    %shift_left3A = arith.constant 7 : i32
    %shift_left3A_23 = arith.shli %shift_right_arithmetic3A_22, %shift_left3A : i32
    %multiple_of3A = tpu.assume_multiple %shift_left3A_23, 128 : i32
    %dma_start3A = arith.constant 0 : i32
    %dma_start3A_24 = arith.constant 0 : i32
    %dma_start3A_25 = arith.constant 0 : i32
    %dma_start3A_26 = arith.constant 0 : i32
    %dma_start3A_27 = tpu.memref_slice %arg7[%dma_start3A, %dma_start3A_24, %dma_start3A_25, %dma_start3A_26] : memref<8x4x8x128xf32, #tpu.memory_space<vmem>> -> memref<1x4x8x128xf32, #tpu.memory_space<vmem>>
    %dma_start3A_28 = tpu.memref_squeeze %dma_start3A_27 : memref<1x4x8x128xf32, #tpu.memory_space<vmem>> -> memref<4x8x128xf32, #tpu.memory_space<vmem>>
    %dma_start3A_29 = arith.constant 0 : i32
    %dma_start3A_30 = tpu.memref_slice %arg6[%dma_start3A_29] : memref<16xi32, #tpu.memory_space<vmem>> -> memref<4xi32, #tpu.memory_space<vmem>>
    %dma_start3A_31 = arith.constant 0 : i32
    %dma_start3A_32 = arith.constant 0 : i32
    %dma_start3A_33 = tpu.memref_slice %arg3[%dma_start3A_31, %dma_start3A_32, %multiple_of3A] : memref<4x8x1000000xf32, #tpu.memory_space<hbm>> -> memref<4x8x128xf32, #tpu.memory_space<hbm>>
    tpu.enqueue_indirect_dma source(%dma_start3A_33 : memref<4x8x128xf32, #tpu.memory_space<hbm>>) target(%dma_start3A_28 : memref<4x8x128xf32, #tpu.memory_space<vmem>>) offsets(%dma_start3A_30 : memref<4xi32, #tpu.memory_space<vmem>>) semaphore(%arg10 : memref<!tpu.dma_semaphore, #tpu.memory_space<semaphore_mem>>)
    %slice3A_34 = vector.extract_strided_slice %get3A_20 {offsets = [1], sizes = [1], strides = [1]} : vector<16xi32> to vector<1xi32>
    %squeeze3A_35 = vector.extract %slice3A_34[0] : i32 from vector<1xi32>
    %shift_right_arithmetic3A_36 = arith.constant 7 : i32
    %shift_right_arithmetic3A_37 = arith.shrsi %squeeze3A_35, %shift_right_arithmetic3A_36 : i32
    %shift_left3A_38 = arith.constant 7 : i32
    %shift_left3A_39 = arith.shli %shift_right_arithmetic3A_37, %shift_left3A_38 : i32
    %multiple_of3A_40 = tpu.assume_multiple %shift_left3A_39, 128 : i32
    %dma_start3A_41 = arith.constant 1 : i32
    %dma_start3A_42 = arith.constant 0 : i32
    %dma_start3A_43 = arith.constant 0 : i32
    %dma_start3A_44 = arith.constant 0 : i32
    %dma_start3A_45 = tpu.memref_slice %arg7[%dma_start3A_41, %dma_start3A_42, %dma_start3A_43, %dma_start3A_44] : memref<8x4x8x128xf32, #tpu.memory_space<vmem>> -> memref<1x4x8x128xf32, #tpu.memory_space<vmem>>
    %dma_start3A_46 = tpu.memref_squeeze %dma_start3A_45 : memref<1x4x8x128xf32, #tpu.memory_space<vmem>> -> memref<4x8x128xf32, #tpu.memory_space<vmem>>
    %dma_start3A_47 = arith.constant 0 : i32
    %dma_start3A_48 = tpu.memref_slice %arg6[%dma_start3A_47] : memref<16xi32, #tpu.memory_space<vmem>> -> memref<4xi32, #tpu.memory_space<vmem>>
    %dma_start3A_49 = arith.constant 0 : i32
    %dma_start3A_50 = arith.constant 0 : i32
    %dma_start3A_51 = tpu.memref_slice %arg3[%dma_start3A_49, %dma_start3A_50, %multiple_of3A_40] : memref<4x8x1000000xf32, #tpu.memory_space<hbm>> -> memref<4x8x128xf32, #tpu.memory_space<hbm>>
    tpu.enqueue_indirect_dma source(%dma_start3A_51 : memref<4x8x128xf32, #tpu.memory_space<hbm>>) target(%dma_start3A_46 : memref<4x8x128xf32, #tpu.memory_space<vmem>>) offsets(%dma_start3A_48 : memref<4xi32, #tpu.memory_space<vmem>>) semaphore(%arg10 : memref<!tpu.dma_semaphore, #tpu.memory_space<semaphore_mem>>)
    %slice3A_52 = vector.extract_strided_slice %get3A_20 {offsets = [2], sizes = [1], strides = [1]} : vector<16xi32> to vector<1xi32>
    %squeeze3A_53 = vector.extract %slice3A_52[0] : i32 from vector<1xi32>
    %shift_right_arithmetic3A_54 = arith.constant 7 : i32
    %shift_right_arithmetic3A_55 = arith.shrsi %squeeze3A_53, %shift_right_arithmetic3A_54 : i32
    %shift_left3A_56 = arith.constant 7 : i32
    %shift_left3A_57 = arith.shli %shift_right_arithmetic3A_55, %shift_left3A_56 : i32
    %multiple_of3A_58 = tpu.assume_multiple %shift_left3A_57, 128 : i32
    %dma_start3A_59 = arith.constant 2 : i32
    %dma_start3A_60 = arith.constant 0 : i32
    %dma_start3A_61 = arith.constant 0 : i32
    %dma_start3A_62 = arith.constant 0 : i32
    %dma_start3A_63 = tpu.memref_slice %arg7[%dma_start3A_59, %dma_start3A_60, %dma_start3A_61, %dma_start3A_62] : memref<8x4x8x128xf32, #tpu.memory_space<vmem>> -> memref<1x4x8x128xf32, #tpu.memory_space<vmem>>
    %dma_start3A_64 = tpu.memref_squeeze %dma_start3A_63 : memref<1x4x8x128xf32, #tpu.memory_space<vmem>> -> memref<4x8x128xf32, #tpu.memory_space<vmem>>
    %dma_start3A_65 = arith.constant 0 : i32
    %dma_start3A_66 = tpu.memref_slice %arg6[%dma_start3A_65] : memref<16xi32, #tpu.memory_space<vmem>> -> memref<4xi32, #tpu.memory_space<vmem>>
    %dma_start3A_67 = arith.constant 0 : i32
    %dma_start3A_68 = arith.constant 0 : i32
    %dma_start3A_69 = tpu.memref_slice %arg3[%dma_start3A_67, %dma_start3A_68, %multiple_of3A_58] : memref<4x8x1000000xf32, #tpu.memory_space<hbm>> -> memref<4x8x128xf32, #tpu.memory_space<hbm>>
    tpu.enqueue_indirect_dma source(%dma_start3A_69 : memref<4x8x128xf32, #tpu.memory_space<hbm>>) target(%dma_start3A_64 : memref<4x8x128xf32, #tpu.memory_space<vmem>>) offsets(%dma_start3A_66 : memref<4xi32, #tpu.memory_space<vmem>>) semaphore(%arg10 : memref<!tpu.dma_semaphore, #tpu.memory_space<semaphore_mem>>)
    %slice3A_70 = vector.extract_strided_slice %get3A_20 {offsets = [3], sizes = [1], strides = [1]} : vector<16xi32> to vector<1xi32>
    %squeeze3A_71 = vector.extract %slice3A_70[0] : i32 from vector<1xi32>
    %shift_right_arithmetic3A_72 = arith.constant 7 : i32
    %shift_right_arithmetic3A_73 = arith.shrsi %squeeze3A_71, %shift_right_arithmetic3A_72 : i32
    %shift_left3A_74 = arith.constant 7 : i32
    %shift_left3A_75 = arith.shli %shift_right_arithmetic3A_73, %shift_left3A_74 : i32
    %multiple_of3A_76 = tpu.assume_multiple %shift_left3A_75, 128 : i32
    %dma_start3A_77 = arith.constant 3 : i32
    %dma_start3A_78 = arith.constant 0 : i32
    %dma_start3A_79 = arith.constant 0 : i32
    %dma_start3A_80 = arith.constant 0 : i32
    %dma_start3A_81 = tpu.memref_slice %arg7[%dma_start3A_77, %dma_start3A_78, %dma_start3A_79, %dma_start3A_80] : memref<8x4x8x128xf32, #tpu.memory_space<vmem>> -> memref<1x4x8x128xf32, #tpu.memory_space<vmem>>
    %dma_start3A_82 = tpu.memref_squeeze %dma_start3A_81 : memref<1x4x8x128xf32, #tpu.memory_space<vmem>> -> memref<4x8x128xf32, #tpu.memory_space<vmem>>
    %dma_start3A_83 = arith.constant 0 : i32
    %dma_start3A_84 = tpu.memref_slice %arg6[%dma_start3A_83] : memref<16xi32, #tpu.memory_space<vmem>> -> memref<4xi32, #tpu.memory_space<vmem>>
    %dma_start3A_85 = arith.constant 0 : i32
    %dma_start3A_86 = arith.constant 0 : i32
    %dma_start3A_87 = tpu.memref_slice %arg3[%dma_start3A_85, %dma_start3A_86, %multiple_of3A_76] : memref<4x8x1000000xf32, #tpu.memory_space<hbm>> -> memref<4x8x128xf32, #tpu.memory_space<hbm>>
    tpu.enqueue_indirect_dma source(%dma_start3A_87 : memref<4x8x128xf32, #tpu.memory_space<hbm>>) target(%dma_start3A_82 : memref<4x8x128xf32, #tpu.memory_space<vmem>>) offsets(%dma_start3A_84 : memref<4xi32, #tpu.memory_space<vmem>>) semaphore(%arg10 : memref<!tpu.dma_semaphore, #tpu.memory_space<semaphore_mem>>)
    %slice3A_88 = vector.extract_strided_slice %get3A_20 {offsets = [4], sizes = [1], strides = [1]} : vector<16xi32> to vector<1xi32>
    %squeeze3A_89 = vector.extract %slice3A_88[0] : i32 from vector<1xi32>
    %shift_right_arithmetic3A_90 = arith.constant 7 : i32
    %shift_right_arithmetic3A_91 = arith.shrsi %squeeze3A_89, %shift_right_arithmetic3A_90 : i32
    %shift_left3A_92 = arith.constant 7 : i32
    %shift_left3A_93 = arith.shli %shift_right_arithmetic3A_91, %shift_left3A_92 : i32
    %multiple_of3A_94 = tpu.assume_multiple %shift_left3A_93, 128 : i32
    %dma_start3A_95 = arith.constant 4 : i32
    %dma_start3A_96 = arith.constant 0 : i32
    %dma_start3A_97 = arith.constant 0 : i32
    %dma_start3A_98 = arith.constant 0 : i32
    %dma_start3A_99 = tpu.memref_slice %arg7[%dma_start3A_95, %dma_start3A_96, %dma_start3A_97, %dma_start3A_98] : memref<8x4x8x128xf32, #tpu.memory_space<vmem>> -> memref<1x4x8x128xf32, #tpu.memory_space<vmem>>
    %dma_start3A_100 = tpu.memref_squeeze %dma_start3A_99 : memref<1x4x8x128xf32, #tpu.memory_space<vmem>> -> memref<4x8x128xf32, #tpu.memory_space<vmem>>
    %dma_start3A_101 = arith.constant 0 : i32
    %dma_start3A_102 = tpu.memref_slice %arg6[%dma_start3A_101] : memref<16xi32, #tpu.memory_space<vmem>> -> memref<4xi32, #tpu.memory_space<vmem>>
    %dma_start3A_103 = arith.constant 0 : i32
    %dma_start3A_104 = arith.constant 0 : i32
    %dma_start3A_105 = tpu.memref_slice %arg3[%dma_start3A_103, %dma_start3A_104, %multiple_of3A_94] : memref<4x8x1000000xf32, #tpu.memory_space<hbm>> -> memref<4x8x128xf32, #tpu.memory_space<hbm>>
    tpu.enqueue_indirect_dma source(%dma_start3A_105 : memref<4x8x128xf32, #tpu.memory_space<hbm>>) target(%dma_start3A_100 : memref<4x8x128xf32, #tpu.memory_space<vmem>>) offsets(%dma_start3A_102 : memref<4xi32, #tpu.memory_space<vmem>>) semaphore(%arg10 : memref<!tpu.dma_semaphore, #tpu.memory_space<semaphore_mem>>)
    %slice3A_106 = vector.extract_strided_slice %get3A_20 {offsets = [5], sizes = [1], strides = [1]} : vector<16xi32> to vector<1xi32>
    %squeeze3A_107 = vector.extract %slice3A_106[0] : i32 from vector<1xi32>
    %shift_right_arithmetic3A_108 = arith.constant 7 : i32
    %shift_right_arithmetic3A_109 = arith.shrsi %squeeze3A_107, %shift_right_arithmetic3A_108 : i32
    %shift_left3A_110 = arith.constant 7 : i32
    %shift_left3A_111 = arith.shli %shift_right_arithmetic3A_109, %shift_left3A_110 : i32
    %multiple_of3A_112 = tpu.assume_multiple %shift_left3A_111, 128 : i32
    %dma_start3A_113 = arith.constant 5 : i32
    %dma_start3A_114 = arith.constant 0 : i32
    %dma_start3A_115 = arith.constant 0 : i32
    %dma_start3A_116 = arith.constant 0 : i32
    %dma_start3A_117 = tpu.memref_slice %arg7[%dma_start3A_113, %dma_start3A_114, %dma_start3A_115, %dma_start3A_116] : memref<8x4x8x128xf32, #tpu.memory_space<vmem>> -> memref<1x4x8x128xf32, #tpu.memory_space<vmem>>
    %dma_start3A_118 = tpu.memref_squeeze %dma_start3A_117 : memref<1x4x8x128xf32, #tpu.memory_space<vmem>> -> memref<4x8x128xf32, #tpu.memory_space<vmem>>
    %dma_start3A_119 = arith.constant 0 : i32
    %dma_start3A_120 = tpu.memref_slice %arg6[%dma_start3A_119] : memref<16xi32, #tpu.memory_space<vmem>> -> memref<4xi32, #tpu.memory_space<vmem>>
    %dma_start3A_121 = arith.constant 0 : i32
    %dma_start3A_122 = arith.constant 0 : i32
    %dma_start3A_123 = tpu.memref_slice %arg3[%dma_start3A_121, %dma_start3A_122, %multiple_of3A_112] : memref<4x8x1000000xf32, #tpu.memory_space<hbm>> -> memref<4x8x128xf32, #tpu.memory_space<hbm>>
    tpu.enqueue_indirect_dma source(%dma_start3A_123 : memref<4x8x128xf32, #tpu.memory_space<hbm>>) target(%dma_start3A_118 : memref<4x8x128xf32, #tpu.memory_space<vmem>>) offsets(%dma_start3A_120 : memref<4xi32, #tpu.memory_space<vmem>>) semaphore(%arg10 : memref<!tpu.dma_semaphore, #tpu.memory_space<semaphore_mem>>)
    %slice3A_124 = vector.extract_strided_slice %get3A_20 {offsets = [6], sizes = [1], strides = [1]} : vector<16xi32> to vector<1xi32>
    %squeeze3A_125 = vector.extract %slice3A_124[0] : i32 from vector<1xi32>
    %shift_right_arithmetic3A_126 = arith.constant 7 : i32
    %shift_right_arithmetic3A_127 = arith.shrsi %squeeze3A_125, %shift_right_arithmetic3A_126 : i32
    %shift_left3A_128 = arith.constant 7 : i32
    %shift_left3A_129 = arith.shli %shift_right_arithmetic3A_127, %shift_left3A_128 : i32
    %multiple_of3A_130 = tpu.assume_multiple %shift_left3A_129, 128 : i32
    %dma_start3A_131 = arith.constant 6 : i32
    %dma_start3A_132 = arith.constant 0 : i32
    %dma_start3A_133 = arith.constant 0 : i32
    %dma_start3A_134 = arith.constant 0 : i32
    %dma_start3A_135 = tpu.memref_slice %arg7[%dma_start3A_131, %dma_start3A_132, %dma_start3A_133, %dma_start3A_134] : memref<8x4x8x128xf32, #tpu.memory_space<vmem>> -> memref<1x4x8x128xf32, #tpu.memory_space<vmem>>
    %dma_start3A_136 = tpu.memref_squeeze %dma_start3A_135 : memref<1x4x8x128xf32, #tpu.memory_space<vmem>> -> memref<4x8x128xf32, #tpu.memory_space<vmem>>
    %dma_start3A_137 = arith.constant 0 : i32
    %dma_start3A_138 = tpu.memref_slice %arg6[%dma_start3A_137] : memref<16xi32, #tpu.memory_space<vmem>> -> memref<4xi32, #tpu.memory_space<vmem>>
    %dma_start3A_139 = arith.constant 0 : i32
    %dma_start3A_140 = arith.constant 0 : i32
    %dma_start3A_141 = tpu.memref_slice %arg3[%dma_start3A_139, %dma_start3A_140, %multiple_of3A_130] : memref<4x8x1000000xf32, #tpu.memory_space<hbm>> -> memref<4x8x128xf32, #tpu.memory_space<hbm>>
    tpu.enqueue_indirect_dma source(%dma_start3A_141 : memref<4x8x128xf32, #tpu.memory_space<hbm>>) target(%dma_start3A_136 : memref<4x8x128xf32, #tpu.memory_space<vmem>>) offsets(%dma_start3A_138 : memref<4xi32, #tpu.memory_space<vmem>>) semaphore(%arg10 : memref<!tpu.dma_semaphore, #tpu.memory_space<semaphore_mem>>)
    %slice3A_142 = vector.extract_strided_slice %get3A_20 {offsets = [7], sizes = [1], strides = [1]} : vector<16xi32> to vector<1xi32>
    %squeeze3A_143 = vector.extract %slice3A_142[0] : i32 from vector<1xi32>
    %shift_right_arithmetic3A_144 = arith.constant 7 : i32
    %shift_right_arithmetic3A_145 = arith.shrsi %squeeze3A_143, %shift_right_arithmetic3A_144 : i32
    %shift_left3A_146 = arith.constant 7 : i32
    %shift_left3A_147 = arith.shli %shift_right_arithmetic3A_145, %shift_left3A_146 : i32
    %multiple_of3A_148 = tpu.assume_multiple %shift_left3A_147, 128 : i32
    %dma_start3A_149 = arith.constant 7 : i32
    %dma_start3A_150 = arith.constant 0 : i32
    %dma_start3A_151 = arith.constant 0 : i32
    %dma_start3A_152 = arith.constant 0 : i32
    %dma_start3A_153 = tpu.memref_slice %arg7[%dma_start3A_149, %dma_start3A_150, %dma_start3A_151, %dma_start3A_152] : memref<8x4x8x128xf32, #tpu.memory_space<vmem>> -> memref<1x4x8x128xf32, #tpu.memory_space<vmem>>
    %dma_start3A_154 = tpu.memref_squeeze %dma_start3A_153 : memref<1x4x8x128xf32, #tpu.memory_space<vmem>> -> memref<4x8x128xf32, #tpu.memory_space<vmem>>
    %dma_start3A_155 = arith.constant 0 : i32
    %dma_start3A_156 = tpu.memref_slice %arg6[%dma_start3A_155] : memref<16xi32, #tpu.memory_space<vmem>> -> memref<4xi32, #tpu.memory_space<vmem>>
    %dma_start3A_157 = arith.constant 0 : i32
    %dma_start3A_158 = arith.constant 0 : i32
    %dma_start3A_159 = tpu.memref_slice %arg3[%dma_start3A_157, %dma_start3A_158, %multiple_of3A_148] : memref<4x8x1000000xf32, #tpu.memory_space<hbm>> -> memref<4x8x128xf32, #tpu.memory_space<hbm>>
    tpu.enqueue_indirect_dma source(%dma_start3A_159 : memref<4x8x128xf32, #tpu.memory_space<hbm>>) target(%dma_start3A_154 : memref<4x8x128xf32, #tpu.memory_space<vmem>>) offsets(%dma_start3A_156 : memref<4xi32, #tpu.memory_space<vmem>>) semaphore(%arg10 : memref<!tpu.dma_semaphore, #tpu.memory_space<semaphore_mem>>)
    %scan3A = arith.constant 0 : i32
    %scan3A_160 = arith.constant 0 : i32
    %scan3A_161 = arith.constant 31 : i32
    %scan3A_162 = arith.addi %scan3A_160, %scan3A_161 : i32
    %scan3A_163 = arith.constant 1 : i32
    scf.for %scan3A_752 = %scan3A_160 to %scan3A_162 step %scan3A_163  : i32 {
      %mul3A_753 = arith.constant 2 : i32
      %mul3A_754 = arith.muli %mul3A_753, %scan3A_752 : i32
      %add3A_755 = arith.constant 1 : i32
      %add3A_756 = arith.addi %mul3A_754, %add3A_755 : i32
      %mul3A_757 = arith.constant 8 : i32
      %mul3A_758 = arith.muli %add3A_756, %mul3A_757 : i32
      %get3A_759 = arith.index_cast %mul3A_758 : i32 to index
      %get3A_760 = tpu.vector_load %arg5[%get3A_759] {strides = array<i32>} : memref<528xi32, #tpu.memory_space<vmem>>, vector<16xi32>,
      %slice3A_761 = vector.extract_strided_slice %get3A_760 {offsets = [0], sizes = [1], strides = [1]} : vector<16xi32> to vector<1xi32>
      %squeeze3A_762 = vector.extract %slice3A_761[0] : i32 from vector<1xi32>
      %shift_right_arithmetic3A_763 = arith.constant 7 : i32
      %shift_right_arithmetic3A_764 = arith.shrsi %squeeze3A_762, %shift_right_arithmetic3A_763 : i32
      %shift_left3A_765 = arith.constant 7 : i32
      %shift_left3A_766 = arith.shli %shift_right_arithmetic3A_764, %shift_left3A_765 : i32
      %multiple_of3A_767 = tpu.assume_multiple %shift_left3A_766, 128 : i32
      %dma_start3A_768 = arith.constant 0 : i32
      %dma_start3A_769 = arith.constant 0 : i32
      %dma_start3A_770 = arith.constant 0 : i32
      %dma_start3A_771 = arith.constant 0 : i32
      %dma_start3A_772 = tpu.memref_slice %arg8[%dma_start3A_768, %dma_start3A_769, %dma_start3A_770, %dma_start3A_771] : memref<8x4x8x128xf32, #tpu.memory_space<vmem>> -> memref<1x4x8x128xf32, #tpu.memory_space<vmem>>
      %dma_start3A_773 = tpu.memref_squeeze %dma_start3A_772 : memref<1x4x8x128xf32, #tpu.memory_space<vmem>> -> memref<4x8x128xf32, #tpu.memory_space<vmem>>
      %dma_start3A_774 = arith.constant 0 : i32
      %dma_start3A_775 = tpu.memref_slice %arg6[%dma_start3A_774] : memref<16xi32, #tpu.memory_space<vmem>> -> memref<4xi32, #tpu.memory_space<vmem>>
      %dma_start3A_776 = arith.constant 0 : i32
      %dma_start3A_777 = arith.constant 0 : i32
      %dma_start3A_778 = tpu.memref_slice %arg3[%dma_start3A_776, %dma_start3A_777, %multiple_of3A_767] : memref<4x8x1000000xf32, #tpu.memory_space<hbm>> -> memref<4x8x128xf32, #tpu.memory_space<hbm>>
      tpu.enqueue_indirect_dma source(%dma_start3A_778 : memref<4x8x128xf32, #tpu.memory_space<hbm>>) target(%dma_start3A_773 : memref<4x8x128xf32, #tpu.memory_space<vmem>>) offsets(%dma_start3A_775 : memref<4xi32, #tpu.memory_space<vmem>>) semaphore(%arg11 : memref<!tpu.dma_semaphore, #tpu.memory_space<semaphore_mem>>)
      %slice3A_779 = vector.extract_strided_slice %get3A_760 {offsets = [1], sizes = [1], strides = [1]} : vector<16xi32> to vector<1xi32>
      %squeeze3A_780 = vector.extract %slice3A_779[0] : i32 from vector<1xi32>
      %shift_right_arithmetic3A_781 = arith.constant 7 : i32
      %shift_right_arithmetic3A_782 = arith.shrsi %squeeze3A_780, %shift_right_arithmetic3A_781 : i32
      %shift_left3A_783 = arith.constant 7 : i32
      %shift_left3A_784 = arith.shli %shift_right_arithmetic3A_782, %shift_left3A_783 : i32
      %multiple_of3A_785 = tpu.assume_multiple %shift_left3A_784, 128 : i32
      %dma_start3A_786 = arith.constant 1 : i32
      %dma_start3A_787 = arith.constant 0 : i32
      %dma_start3A_788 = arith.constant 0 : i32
      %dma_start3A_789 = arith.constant 0 : i32
      %dma_start3A_790 = tpu.memref_slice %arg8[%dma_start3A_786, %dma_start3A_787, %dma_start3A_788, %dma_start3A_789] : memref<8x4x8x128xf32, #tpu.memory_space<vmem>> -> memref<1x4x8x128xf32, #tpu.memory_space<vmem>>
      %dma_start3A_791 = tpu.memref_squeeze %dma_start3A_790 : memref<1x4x8x128xf32, #tpu.memory_space<vmem>> -> memref<4x8x128xf32, #tpu.memory_space<vmem>>
      %dma_start3A_792 = arith.constant 0 : i32
      %dma_start3A_793 = tpu.memref_slice %arg6[%dma_start3A_792] : memref<16xi32, #tpu.memory_space<vmem>> -> memref<4xi32, #tpu.memory_space<vmem>>
      %dma_start3A_794 = arith.constant 0 : i32
      %dma_start3A_795 = arith.constant 0 : i32
      %dma_start3A_796 = tpu.memref_slice %arg3[%dma_start3A_794, %dma_start3A_795, %multiple_of3A_785] : memref<4x8x1000000xf32, #tpu.memory_space<hbm>> -> memref<4x8x128xf32, #tpu.memory_space<hbm>>
      tpu.enqueue_indirect_dma source(%dma_start3A_796 : memref<4x8x128xf32, #tpu.memory_space<hbm>>) target(%dma_start3A_791 : memref<4x8x128xf32, #tpu.memory_space<vmem>>) offsets(%dma_start3A_793 : memref<4xi32, #tpu.memory_space<vmem>>) semaphore(%arg11 : memref<!tpu.dma_semaphore, #tpu.memory_space<semaphore_mem>>)
      %slice3A_797 = vector.extract_strided_slice %get3A_760 {offsets = [2], sizes = [1], strides = [1]} : vector<16xi32> to vector<1xi32>
      %squeeze3A_798 = vector.extract %slice3A_797[0] : i32 from vector<1xi32>
      %shift_right_arithmetic3A_799 = arith.constant 7 : i32
      %shift_right_arithmetic3A_800 = arith.shrsi %squeeze3A_798, %shift_right_arithmetic3A_799 : i32
      %shift_left3A_801 = arith.constant 7 : i32
      %shift_left3A_802 = arith.shli %shift_right_arithmetic3A_800, %shift_left3A_801 : i32
      %multiple_of3A_803 = tpu.assume_multiple %shift_left3A_802, 128 : i32
      %dma_start3A_804 = arith.constant 2 : i32
      %dma_start3A_805 = arith.constant 0 : i32
      %dma_start3A_806 = arith.constant 0 : i32
      %dma_start3A_807 = arith.constant 0 : i32
      %dma_start3A_808 = tpu.memref_slice %arg8[%dma_start3A_804, %dma_start3A_805, %dma_start3A_806, %dma_start3A_807] : memref<8x4x8x128xf32, #tpu.memory_space<vmem>> -> memref<1x4x8x128xf32, #tpu.memory_space<vmem>>
      %dma_start3A_809 = tpu.memref_squeeze %dma_start3A_808 : memref<1x4x8x128xf32, #tpu.memory_space<vmem>> -> memref<4x8x128xf32, #tpu.memory_space<vmem>>
      %dma_start3A_810 = arith.constant 0 : i32
      %dma_start3A_811 = tpu.memref_slice %arg6[%dma_start3A_810] : memref<16xi32, #tpu.memory_space<vmem>> -> memref<4xi32, #tpu.memory_space<vmem>>
      %dma_start3A_812 = arith.constant 0 : i32
      %dma_start3A_813 = arith.constant 0 : i32
      %dma_start3A_814 = tpu.memref_slice %arg3[%dma_start3A_812, %dma_start3A_813, %multiple_of3A_803] : memref<4x8x1000000xf32, #tpu.memory_space<hbm>> -> memref<4x8x128xf32, #tpu.memory_space<hbm>>
      tpu.enqueue_indirect_dma source(%dma_start3A_814 : memref<4x8x128xf32, #tpu.memory_space<hbm>>) target(%dma_start3A_809 : memref<4x8x128xf32, #tpu.memory_space<vmem>>) offsets(%dma_start3A_811 : memref<4xi32, #tpu.memory_space<vmem>>) semaphore(%arg11 : memref<!tpu.dma_semaphore, #tpu.memory_space<semaphore_mem>>)
      %slice3A_815 = vector.extract_strided_slice %get3A_760 {offsets = [3], sizes = [1], strides = [1]} : vector<16xi32> to vector<1xi32>
      %squeeze3A_816 = vector.extract %slice3A_815[0] : i32 from vector<1xi32>
      %shift_right_arithmetic3A_817 = arith.constant 7 : i32
      %shift_right_arithmetic3A_818 = arith.shrsi %squeeze3A_816, %shift_right_arithmetic3A_817 : i32
      %shift_left3A_819 = arith.constant 7 : i32
      %shift_left3A_820 = arith.shli %shift_right_arithmetic3A_818, %shift_left3A_819 : i32
      %multiple_of3A_821 = tpu.assume_multiple %shift_left3A_820, 128 : i32
      %dma_start3A_822 = arith.constant 3 : i32
      %dma_start3A_823 = arith.constant 0 : i32
      %dma_start3A_824 = arith.constant 0 : i32
      %dma_start3A_825 = arith.constant 0 : i32
      %dma_start3A_826 = tpu.memref_slice %arg8[%dma_start3A_822, %dma_start3A_823, %dma_start3A_824, %dma_start3A_825] : memref<8x4x8x128xf32, #tpu.memory_space<vmem>> -> memref<1x4x8x128xf32, #tpu.memory_space<vmem>>
      %dma_start3A_827 = tpu.memref_squeeze %dma_start3A_826 : memref<1x4x8x128xf32, #tpu.memory_space<vmem>> -> memref<4x8x128xf32, #tpu.memory_space<vmem>>
      %dma_start3A_828 = arith.constant 0 : i32
      %dma_start3A_829 = tpu.memref_slice %arg6[%dma_start3A_828] : memref<16xi32, #tpu.memory_space<vmem>> -> memref<4xi32, #tpu.memory_space<vmem>>
      %dma_start3A_830 = arith.constant 0 : i32
      %dma_start3A_831 = arith.constant 0 : i32
      %dma_start3A_832 = tpu.memref_slice %arg3[%dma_start3A_830, %dma_start3A_831, %multiple_of3A_821] : memref<4x8x1000000xf32, #tpu.memory_space<hbm>> -> memref<4x8x128xf32, #tpu.memory_space<hbm>>
      tpu.enqueue_indirect_dma source(%dma_start3A_832 : memref<4x8x128xf32, #tpu.memory_space<hbm>>) target(%dma_start3A_827 : memref<4x8x128xf32, #tpu.memory_space<vmem>>) offsets(%dma_start3A_829 : memref<4xi32, #tpu.memory_space<vmem>>) semaphore(%arg11 : memref<!tpu.dma_semaphore, #tpu.memory_space<semaphore_mem>>)
      %slice3A_833 = vector.extract_strided_slice %get3A_760 {offsets = [4], sizes = [1], strides = [1]} : vector<16xi32> to vector<1xi32>
      %squeeze3A_834 = vector.extract %slice3A_833[0] : i32 from vector<1xi32>
      %shift_right_arithmetic3A_835 = arith.constant 7 : i32
      %shift_right_arithmetic3A_836 = arith.shrsi %squeeze3A_834, %shift_right_arithmetic3A_835 : i32
      %shift_left3A_837 = arith.constant 7 : i32
      %shift_left3A_838 = arith.shli %shift_right_arithmetic3A_836, %shift_left3A_837 : i32
      %multiple_of3A_839 = tpu.assume_multiple %shift_left3A_838, 128 : i32
      %dma_start3A_840 = arith.constant 4 : i32
      %dma_start3A_841 = arith.constant 0 : i32
      %dma_start3A_842 = arith.constant 0 : i32
      %dma_start3A_843 = arith.constant 0 : i32
      %dma_start3A_844 = tpu.memref_slice %arg8[%dma_start3A_840, %dma_start3A_841, %dma_start3A_842, %dma_start3A_843] : memref<8x4x8x128xf32, #tpu.memory_space<vmem>> -> memref<1x4x8x128xf32, #tpu.memory_space<vmem>>
      %dma_start3A_845 = tpu.memref_squeeze %dma_start3A_844 : memref<1x4x8x128xf32, #tpu.memory_space<vmem>> -> memref<4x8x128xf32, #tpu.memory_space<vmem>>
      %dma_start3A_846 = arith.constant 0 : i32
      %dma_start3A_847 = tpu.memref_slice %arg6[%dma_start3A_846] : memref<16xi32, #tpu.memory_space<vmem>> -> memref<4xi32, #tpu.memory_space<vmem>>
      %dma_start3A_848 = arith.constant 0 : i32
      %dma_start3A_849 = arith.constant 0 : i32
      %dma_start3A_850 = tpu.memref_slice %arg3[%dma_start3A_848, %dma_start3A_849, %multiple_of3A_839] : memref<4x8x1000000xf32, #tpu.memory_space<hbm>> -> memref<4x8x128xf32, #tpu.memory_space<hbm>>
      tpu.enqueue_indirect_dma source(%dma_start3A_850 : memref<4x8x128xf32, #tpu.memory_space<hbm>>) target(%dma_start3A_845 : memref<4x8x128xf32, #tpu.memory_space<vmem>>) offsets(%dma_start3A_847 : memref<4xi32, #tpu.memory_space<vmem>>) semaphore(%arg11 : memref<!tpu.dma_semaphore, #tpu.memory_space<semaphore_mem>>)
      %slice3A_851 = vector.extract_strided_slice %get3A_760 {offsets = [5], sizes = [1], strides = [1]} : vector<16xi32> to vector<1xi32>
      %squeeze3A_852 = vector.extract %slice3A_851[0] : i32 from vector<1xi32>
      %shift_right_arithmetic3A_853 = arith.constant 7 : i32
      %shift_right_arithmetic3A_854 = arith.shrsi %squeeze3A_852, %shift_right_arithmetic3A_853 : i32
      %shift_left3A_855 = arith.constant 7 : i32
      %shift_left3A_856 = arith.shli %shift_right_arithmetic3A_854, %shift_left3A_855 : i32
      %multiple_of3A_857 = tpu.assume_multiple %shift_left3A_856, 128 : i32
      %dma_start3A_858 = arith.constant 5 : i32
      %dma_start3A_859 = arith.constant 0 : i32
      %dma_start3A_860 = arith.constant 0 : i32
      %dma_start3A_861 = arith.constant 0 : i32
      %dma_start3A_862 = tpu.memref_slice %arg8[%dma_start3A_858, %dma_start3A_859, %dma_start3A_860, %dma_start3A_861] : memref<8x4x8x128xf32, #tpu.memory_space<vmem>> -> memref<1x4x8x128xf32, #tpu.memory_space<vmem>>
      %dma_start3A_863 = tpu.memref_squeeze %dma_start3A_862 : memref<1x4x8x128xf32, #tpu.memory_space<vmem>> -> memref<4x8x128xf32, #tpu.memory_space<vmem>>
      %dma_start3A_864 = arith.constant 0 : i32
      %dma_start3A_865 = tpu.memref_slice %arg6[%dma_start3A_864] : memref<16xi32, #tpu.memory_space<vmem>> -> memref<4xi32, #tpu.memory_space<vmem>>
      %dma_start3A_866 = arith.constant 0 : i32
      %dma_start3A_867 = arith.constant 0 : i32
      %dma_start3A_868 = tpu.memref_slice %arg3[%dma_start3A_866, %dma_start3A_867, %multiple_of3A_857] : memref<4x8x1000000xf32, #tpu.memory_space<hbm>> -> memref<4x8x128xf32, #tpu.memory_space<hbm>>
      tpu.enqueue_indirect_dma source(%dma_start3A_868 : memref<4x8x128xf32, #tpu.memory_space<hbm>>) target(%dma_start3A_863 : memref<4x8x128xf32, #tpu.memory_space<vmem>>) offsets(%dma_start3A_865 : memref<4xi32, #tpu.memory_space<vmem>>) semaphore(%arg11 : memref<!tpu.dma_semaphore, #tpu.memory_space<semaphore_mem>>)
      %slice3A_869 = vector.extract_strided_slice %get3A_760 {offsets = [6], sizes = [1], strides = [1]} : vector<16xi32> to vector<1xi32>
      %squeeze3A_870 = vector.extract %slice3A_869[0] : i32 from vector<1xi32>
      %shift_right_arithmetic3A_871 = arith.constant 7 : i32
      %shift_right_arithmetic3A_872 = arith.shrsi %squeeze3A_870, %shift_right_arithmetic3A_871 : i32
      %shift_left3A_873 = arith.constant 7 : i32
      %shift_left3A_874 = arith.shli %shift_right_arithmetic3A_872, %shift_left3A_873 : i32
      %multiple_of3A_875 = tpu.assume_multiple %shift_left3A_874, 128 : i32
      %dma_start3A_876 = arith.constant 6 : i32
      %dma_start3A_877 = arith.constant 0 : i32
      %dma_start3A_878 = arith.constant 0 : i32
      %dma_start3A_879 = arith.constant 0 : i32
      %dma_start3A_880 = tpu.memref_slice %arg8[%dma_start3A_876, %dma_start3A_877, %dma_start3A_878, %dma_start3A_879] : memref<8x4x8x128xf32, #tpu.memory_space<vmem>> -> memref<1x4x8x128xf32, #tpu.memory_space<vmem>>
      %dma_start3A_881 = tpu.memref_squeeze %dma_start3A_880 : memref<1x4x8x128xf32, #tpu.memory_space<vmem>> -> memref<4x8x128xf32, #tpu.memory_space<vmem>>
      %dma_start3A_882 = arith.constant 0 : i32
      %dma_start3A_883 = tpu.memref_slice %arg6[%dma_start3A_882] : memref<16xi32, #tpu.memory_space<vmem>> -> memref<4xi32, #tpu.memory_space<vmem>>
      %dma_start3A_884 = arith.constant 0 : i32
      %dma_start3A_885 = arith.constant 0 : i32
      %dma_start3A_886 = tpu.memref_slice %arg3[%dma_start3A_884, %dma_start3A_885, %multiple_of3A_875] : memref<4x8x1000000xf32, #tpu.memory_space<hbm>> -> memref<4x8x128xf32, #tpu.memory_space<hbm>>
      tpu.enqueue_indirect_dma source(%dma_start3A_886 : memref<4x8x128xf32, #tpu.memory_space<hbm>>) target(%dma_start3A_881 : memref<4x8x128xf32, #tpu.memory_space<vmem>>) offsets(%dma_start3A_883 : memref<4xi32, #tpu.memory_space<vmem>>) semaphore(%arg11 : memref<!tpu.dma_semaphore, #tpu.memory_space<semaphore_mem>>)
      %slice3A_887 = vector.extract_strided_slice %get3A_760 {offsets = [7], sizes = [1], strides = [1]} : vector<16xi32> to vector<1xi32>
      %squeeze3A_888 = vector.extract %slice3A_887[0] : i32 from vector<1xi32>
      %shift_right_arithmetic3A_889 = arith.constant 7 : i32
      %shift_right_arithmetic3A_890 = arith.shrsi %squeeze3A_888, %shift_right_arithmetic3A_889 : i32
      %shift_left3A_891 = arith.constant 7 : i32
      %shift_left3A_892 = arith.shli %shift_right_arithmetic3A_890, %shift_left3A_891 : i32
      %multiple_of3A_893 = tpu.assume_multiple %shift_left3A_892, 128 : i32
      %dma_start3A_894 = arith.constant 7 : i32
      %dma_start3A_895 = arith.constant 0 : i32
      %dma_start3A_896 = arith.constant 0 : i32
      %dma_start3A_897 = arith.constant 0 : i32
      %dma_start3A_898 = tpu.memref_slice %arg8[%dma_start3A_894, %dma_start3A_895, %dma_start3A_896, %dma_start3A_897] : memref<8x4x8x128xf32, #tpu.memory_space<vmem>> -> memref<1x4x8x128xf32, #tpu.memory_space<vmem>>
      %dma_start3A_899 = tpu.memref_squeeze %dma_start3A_898 : memref<1x4x8x128xf32, #tpu.memory_space<vmem>> -> memref<4x8x128xf32, #tpu.memory_space<vmem>>
      %dma_start3A_900 = arith.constant 0 : i32
      %dma_start3A_901 = tpu.memref_slice %arg6[%dma_start3A_900] : memref<16xi32, #tpu.memory_space<vmem>> -> memref<4xi32, #tpu.memory_space<vmem>>
      %dma_start3A_902 = arith.constant 0 : i32
      %dma_start3A_903 = arith.constant 0 : i32
      %dma_start3A_904 = tpu.memref_slice %arg3[%dma_start3A_902, %dma_start3A_903, %multiple_of3A_893] : memref<4x8x1000000xf32, #tpu.memory_space<hbm>> -> memref<4x8x128xf32, #tpu.memory_space<hbm>>
      tpu.enqueue_indirect_dma source(%dma_start3A_904 : memref<4x8x128xf32, #tpu.memory_space<hbm>>) target(%dma_start3A_899 : memref<4x8x128xf32, #tpu.memory_space<vmem>>) offsets(%dma_start3A_901 : memref<4xi32, #tpu.memory_space<vmem>>) semaphore(%arg11 : memref<!tpu.dma_semaphore, #tpu.memory_space<semaphore_mem>>)
      %dma_wait3A_905 = arith.constant 0 : i32
      %dma_wait3A_906 = arith.constant 0 : i32
      %dma_wait3A_907 = tpu.memref_slice %arg4[%dma_wait3A_905, %dma_wait3A_906] : memref<32x16384xf32, #tpu.memory_space<hbm>> -> memref<32x512xf32, #tpu.memory_space<hbm>>
      %dma_wait3A_908 = arith.constant 0 : i32
      %dma_wait3A_909 = arith.constant 0 : i32
      %dma_wait3A_910 = tpu.memref_slice %arg4[%dma_wait3A_908, %dma_wait3A_909] : memref<32x16384xf32, #tpu.memory_space<hbm>> -> memref<32x512xf32, #tpu.memory_space<hbm>>
      tpu.wait_dma2 semaphore(%arg10 : memref<!tpu.dma_semaphore, #tpu.memory_space<semaphore_mem>>) src(%dma_wait3A_910 : memref<32x512xf32, #tpu.memory_space<hbm>>) dst(%arg9 : memref<32x512xf32, #tpu.memory_space<vmem>>)
      %dma_wait3A_911 = arith.constant 0 : i32
      %dma_wait3A_912 = arith.constant 0 : i32
      %dma_wait3A_913 = tpu.memref_slice %arg4[%dma_wait3A_911, %dma_wait3A_912] : memref<32x16384xf32, #tpu.memory_space<hbm>> -> memref<32x512xf32, #tpu.memory_space<hbm>>
      %dma_wait3A_914 = arith.constant 0 : i32
      %dma_wait3A_915 = arith.constant 0 : i32
      %dma_wait3A_916 = tpu.memref_slice %arg4[%dma_wait3A_914, %dma_wait3A_915] : memref<32x16384xf32, #tpu.memory_space<hbm>> -> memref<32x512xf32, #tpu.memory_space<hbm>>
      tpu.wait_dma2 semaphore(%arg10 : memref<!tpu.dma_semaphore, #tpu.memory_space<semaphore_mem>>) src(%dma_wait3A_916 : memref<32x512xf32, #tpu.memory_space<hbm>>) dst(%arg9 : memref<32x512xf32, #tpu.memory_space<vmem>>)
      %mul3A_917 = arith.constant 2 : i32
      %mul3A_918 = arith.muli %mul3A_917, %scan3A_752 : i32
      %mul3A_919 = arith.constant 8 : i32
      %mul3A_920 = arith.muli %mul3A_918, %mul3A_919 : i32
      %get3A_921 = arith.index_cast %mul3A_920 : i32 to index
      %get3A_922 = tpu.vector_load %arg5[%get3A_921] {strides = array<i32>} : memref<528xi32, #tpu.memory_space<vmem>>, vector<16xi32>,
      %mul3A_923 = arith.constant 8 : i32
      %mul3A_924 = arith.muli %mul3A_918, %mul3A_923 : i32
      %add3A_925 = arith.constant 0 : i32
      %add3A_926 = arith.addi %mul3A_924, %add3A_925 : i32
      %slice3A_927 = vector.extract_strided_slice %get3A_922 {offsets = [0], sizes = [1], strides = [1]} : vector<16xi32> to vector<1xi32>
      %squeeze3A_928 = vector.extract %slice3A_927[0] : i32 from vector<1xi32>
      %and3A_929 = arith.constant 127 : i32
      %and3A_930 = arith.andi %squeeze3A_928, %and3A_929 : i32
      %broadcast_in_dim3A_931 = vector.broadcast %and3A_930 : i32 to vector<16xi32>
      %broadcast_in_dim3A_932 = vector.broadcast %add3A_926 : i32 to vector<16xi32>
      %gather3A_933 = arith.constant 0 : i32
      %gather3A_934 = arith.constant 0 : i32
      %gather3A_935 = arith.constant 0 : i32
      %gather3A_936 = arith.constant 0 : i32
      %gather3A_937 = tpu.memref_slice %arg7[%gather3A_933, %gather3A_934, %gather3A_935, %gather3A_936] : memref<8x4x8x128xf32, #tpu.memory_space<vmem>> -> memref<1x4x8x128xf32, #tpu.memory_space<vmem>>
      %gather3A_938 = tpu.memref_squeeze %gather3A_937 : memref<1x4x8x128xf32, #tpu.memory_space<vmem>> -> memref<4x8x128xf32, #tpu.memory_space<vmem>>
      %gather3A_939 = tpu.vector_load_idx %gather3A_938[%shift_right_arithmetic3A_8, %and3A_10, %broadcast_in_dim3A_931] : memref<4x8x128xf32, #tpu.memory_space<vmem>>[vector<16xi32>, vector<16xi32>, vector<16xi32>], vector<16xf32>,
      tpu.vector_store_idx %arg9[%add3A_6, %broadcast_in_dim3A_932], %gather3A_939 : memref<32x512xf32, #tpu.memory_space<vmem>>[vector<16xi32>, vector<16xi32>], vector<16xf32>,
      %gather3A_940 = arith.constant 0 : i32
      %gather3A_941 = arith.constant 0 : i32
      %gather3A_942 = arith.constant 0 : i32
      %gather3A_943 = arith.constant 0 : i32
      %gather3A_944 = tpu.memref_slice %arg7[%gather3A_940, %gather3A_941, %gather3A_942, %gather3A_943] : memref<8x4x8x128xf32, #tpu.memory_space<vmem>> -> memref<1x4x8x128xf32, #tpu.memory_space<vmem>>
      %gather3A_945 = tpu.memref_squeeze %gather3A_944 : memref<1x4x8x128xf32, #tpu.memory_space<vmem>> -> memref<4x8x128xf32, #tpu.memory_space<vmem>>
      %gather3A_946 = tpu.vector_load_idx %gather3A_945[%shift_right_arithmetic3A_16, %and3A_19, %broadcast_in_dim3A_931] : memref<4x8x128xf32, #tpu.memory_space<vmem>>[vector<16xi32>, vector<16xi32>, vector<16xi32>], vector<16xf32>,
      tpu.vector_store_idx %arg9[%add3A_13, %broadcast_in_dim3A_932], %gather3A_946 : memref<32x512xf32, #tpu.memory_space<vmem>>[vector<16xi32>, vector<16xi32>], vector<16xf32>,
      %mul3A_947 = arith.constant 8 : i32
      %mul3A_948 = arith.muli %mul3A_918, %mul3A_947 : i32
      %add3A_949 = arith.constant 1 : i32
      %add3A_950 = arith.addi %mul3A_948, %add3A_949 : i32
      %slice3A_951 = vector.extract_strided_slice %get3A_922 {offsets = [1], sizes = [1], strides = [1]} : vector<16xi32> to vector<1xi32>
      %squeeze3A_952 = vector.extract %slice3A_951[0] : i32 from vector<1xi32>
      %and3A_953 = arith.constant 127 : i32
      %and3A_954 = arith.andi %squeeze3A_952, %and3A_953 : i32
      %broadcast_in_dim3A_955 = vector.broadcast %and3A_954 : i32 to vector<16xi32>
      %broadcast_in_dim3A_956 = vector.broadcast %add3A_950 : i32 to vector<16xi32>
      %gather3A_957 = arith.constant 1 : i32
      %gather3A_958 = arith.constant 0 : i32
      %gather3A_959 = arith.constant 0 : i32
      %gather3A_960 = arith.constant 0 : i32
      %gather3A_961 = tpu.memref_slice %arg7[%gather3A_957, %gather3A_958, %gather3A_959, %gather3A_960] : memref<8x4x8x128xf32, #tpu.memory_space<vmem>> -> memref<1x4x8x128xf32, #tpu.memory_space<vmem>>
      %gather3A_962 = tpu.memref_squeeze %gather3A_961 : memref<1x4x8x128xf32, #tpu.memory_space<vmem>> -> memref<4x8x128xf32, #tpu.memory_space<vmem>>
      %gather3A_963 = tpu.vector_load_idx %gather3A_962[%shift_right_arithmetic3A_8, %and3A_10, %broadcast_in_dim3A_955] : memref<4x8x128xf32, #tpu.memory_space<vmem>>[vector<16xi32>, vector<16xi32>, vector<16xi32>], vector<16xf32>,
      tpu.vector_store_idx %arg9[%add3A_6, %broadcast_in_dim3A_956], %gather3A_963 : memref<32x512xf32, #tpu.memory_space<vmem>>[vector<16xi32>, vector<16xi32>], vector<16xf32>,
      %gather3A_964 = arith.constant 1 : i32
      %gather3A_965 = arith.constant 0 : i32
      %gather3A_966 = arith.constant 0 : i32
      %gather3A_967 = arith.constant 0 : i32
      %gather3A_968 = tpu.memref_slice %arg7[%gather3A_964, %gather3A_965, %gather3A_966, %gather3A_967] : memref<8x4x8x128xf32, #tpu.memory_space<vmem>> -> memref<1x4x8x128xf32, #tpu.memory_space<vmem>>
      %gather3A_969 = tpu.memref_squeeze %gather3A_968 : memref<1x4x8x128xf32, #tpu.memory_space<vmem>> -> memref<4x8x128xf32, #tpu.memory_space<vmem>>
      %gather3A_970 = tpu.vector_load_idx %gather3A_969[%shift_right_arithmetic3A_16, %and3A_19, %broadcast_in_dim3A_955] : memref<4x8x128xf32, #tpu.memory_space<vmem>>[vector<16xi32>, vector<16xi32>, vector<16xi32>], vector<16xf32>,
      tpu.vector_store_idx %arg9[%add3A_13, %broadcast_in_dim3A_956], %gather3A_970 : memref<32x512xf32, #tpu.memory_space<vmem>>[vector<16xi32>, vector<16xi32>], vector<16xf32>,
      %mul3A_971 = arith.constant 8 : i32
      %mul3A_972 = arith.muli %mul3A_918, %mul3A_971 : i32
      %add3A_973 = arith.constant 2 : i32
      %add3A_974 = arith.addi %mul3A_972, %add3A_973 : i32
      %slice3A_975 = vector.extract_strided_slice %get3A_922 {offsets = [2], sizes = [1], strides = [1]} : vector<16xi32> to vector<1xi32>
      %squeeze3A_976 = vector.extract %slice3A_975[0] : i32 from vector<1xi32>
      %and3A_977 = arith.constant 127 : i32
      %and3A_978 = arith.andi %squeeze3A_976, %and3A_977 : i32
      %broadcast_in_dim3A_979 = vector.broadcast %and3A_978 : i32 to vector<16xi32>
      %broadcast_in_dim3A_980 = vector.broadcast %add3A_974 : i32 to vector<16xi32>
      %gather3A_981 = arith.constant 2 : i32
      %gather3A_982 = arith.constant 0 : i32
      %gather3A_983 = arith.constant 0 : i32
      %gather3A_984 = arith.constant 0 : i32
      %gather3A_985 = tpu.memref_slice %arg7[%gather3A_981, %gather3A_982, %gather3A_983, %gather3A_984] : memref<8x4x8x128xf32, #tpu.memory_space<vmem>> -> memref<1x4x8x128xf32, #tpu.memory_space<vmem>>
      %gather3A_986 = tpu.memref_squeeze %gather3A_985 : memref<1x4x8x128xf32, #tpu.memory_space<vmem>> -> memref<4x8x128xf32, #tpu.memory_space<vmem>>
      %gather3A_987 = tpu.vector_load_idx %gather3A_986[%shift_right_arithmetic3A_8, %and3A_10, %broadcast_in_dim3A_979] : memref<4x8x128xf32, #tpu.memory_space<vmem>>[vector<16xi32>, vector<16xi32>, vector<16xi32>], vector<16xf32>,
      tpu.vector_store_idx %arg9[%add3A_6, %broadcast_in_dim3A_980], %gather3A_987 : memref<32x512xf32, #tpu.memory_space<vmem>>[vector<16xi32>, vector<16xi32>], vector<16xf32>,
      %gather3A_988 = arith.constant 2 : i32
      %gather3A_989 = arith.constant 0 : i32
      %gather3A_990 = arith.constant 0 : i32
      %gather3A_991 = arith.constant 0 : i32
      %gather3A_992 = tpu.memref_slice %arg7[%gather3A_988, %gather3A_989, %gather3A_990, %gather3A_991] : memref<8x4x8x128xf32, #tpu.memory_space<vmem>> -> memref<1x4x8x128xf32, #tpu.memory_space<vmem>>
      %gather3A_993 = tpu.memref_squeeze %gather3A_992 : memref<1x4x8x128xf32, #tpu.memory_space<vmem>> -> memref<4x8x128xf32, #tpu.memory_space<vmem>>
      %gather3A_994 = tpu.vector_load_idx %gather3A_993[%shift_right_arithmetic3A_16, %and3A_19, %broadcast_in_dim3A_979] : memref<4x8x128xf32, #tpu.memory_space<vmem>>[vector<16xi32>, vector<16xi32>, vector<16xi32>], vector<16xf32>,
      tpu.vector_store_idx %arg9[%add3A_13, %broadcast_in_dim3A_980], %gather3A_994 : memref<32x512xf32, #tpu.memory_space<vmem>>[vector<16xi32>, vector<16xi32>], vector<16xf32>,
      %mul3A_995 = arith.constant 8 : i32
      %mul3A_996 = arith.muli %mul3A_918, %mul3A_995 : i32
      %add3A_997 = arith.constant 3 : i32
      %add3A_998 = arith.addi %mul3A_996, %add3A_997 : i32
      %slice3A_999 = vector.extract_strided_slice %get3A_922 {offsets = [3], sizes = [1], strides = [1]} : vector<16xi32> to vector<1xi32>
      %squeeze3A_1000 = vector.extract %slice3A_999[0] : i32 from vector<1xi32>
      %and3A_1001 = arith.constant 127 : i32
      %and3A_1002 = arith.andi %squeeze3A_1000, %and3A_1001 : i32
      %broadcast_in_dim3A_1003 = vector.broadcast %and3A_1002 : i32 to vector<16xi32>
      %broadcast_in_dim3A_1004 = vector.broadcast %add3A_998 : i32 to vector<16xi32>
      %gather3A_1005 = arith.constant 3 : i32
      %gather3A_1006 = arith.constant 0 : i32
      %gather3A_1007 = arith.constant 0 : i32
      %gather3A_1008 = arith.constant 0 : i32
      %gather3A_1009 = tpu.memref_slice %arg7[%gather3A_1005, %gather3A_1006, %gather3A_1007, %gather3A_1008] : memref<8x4x8x128xf32, #tpu.memory_space<vmem>> -> memref<1x4x8x128xf32, #tpu.memory_space<vmem>>
      %gather3A_1010 = tpu.memref_squeeze %gather3A_1009 : memref<1x4x8x128xf32, #tpu.memory_space<vmem>> -> memref<4x8x128xf32, #tpu.memory_space<vmem>>
      %gather3A_1011 = tpu.vector_load_idx %gather3A_1010[%shift_right_arithmetic3A_8, %and3A_10, %broadcast_in_dim3A_1003] : memref<4x8x128xf32, #tpu.memory_space<vmem>>[vector<16xi32>, vector<16xi32>, vector<16xi32>], vector<16xf32>,
      tpu.vector_store_idx %arg9[%add3A_6, %broadcast_in_dim3A_1004], %gather3A_1011 : memref<32x512xf32, #tpu.memory_space<vmem>>[vector<16xi32>, vector<16xi32>], vector<16xf32>,
      %gather3A_1012 = arith.constant 3 : i32
      %gather3A_1013 = arith.constant 0 : i32
      %gather3A_1014 = arith.constant 0 : i32
      %gather3A_1015 = arith.constant 0 : i32
      %gather3A_1016 = tpu.memref_slice %arg7[%gather3A_1012, %gather3A_1013, %gather3A_1014, %gather3A_1015] : memref<8x4x8x128xf32, #tpu.memory_space<vmem>> -> memref<1x4x8x128xf32, #tpu.memory_space<vmem>>
      %gather3A_1017 = tpu.memref_squeeze %gather3A_1016 : memref<1x4x8x128xf32, #tpu.memory_space<vmem>> -> memref<4x8x128xf32, #tpu.memory_space<vmem>>
      %gather3A_1018 = tpu.vector_load_idx %gather3A_1017[%shift_right_arithmetic3A_16, %and3A_19, %broadcast_in_dim3A_1003] : memref<4x8x128xf32, #tpu.memory_space<vmem>>[vector<16xi32>, vector<16xi32>, vector<16xi32>], vector<16xf32>,
      tpu.vector_store_idx %arg9[%add3A_13, %broadcast_in_dim3A_1004], %gather3A_1018 : memref<32x512xf32, #tpu.memory_space<vmem>>[vector<16xi32>, vector<16xi32>], vector<16xf32>,
      %mul3A_1019 = arith.constant 8 : i32
      %mul3A_1020 = arith.muli %mul3A_918, %mul3A_1019 : i32
      %add3A_1021 = arith.constant 4 : i32
      %add3A_1022 = arith.addi %mul3A_1020, %add3A_1021 : i32
      %slice3A_1023 = vector.extract_strided_slice %get3A_922 {offsets = [4], sizes = [1], strides = [1]} : vector<16xi32> to vector<1xi32>
      %squeeze3A_1024 = vector.extract %slice3A_1023[0] : i32 from vector<1xi32>
      %and3A_1025 = arith.constant 127 : i32
      %and3A_1026 = arith.andi %squeeze3A_1024, %and3A_1025 : i32
      %broadcast_in_dim3A_1027 = vector.broadcast %and3A_1026 : i32 to vector<16xi32>
      %broadcast_in_dim3A_1028 = vector.broadcast %add3A_1022 : i32 to vector<16xi32>
      %gather3A_1029 = arith.constant 4 : i32
      %gather3A_1030 = arith.constant 0 : i32
      %gather3A_1031 = arith.constant 0 : i32
      %gather3A_1032 = arith.constant 0 : i32
      %gather3A_1033 = tpu.memref_slice %arg7[%gather3A_1029, %gather3A_1030, %gather3A_1031, %gather3A_1032] : memref<8x4x8x128xf32, #tpu.memory_space<vmem>> -> memref<1x4x8x128xf32, #tpu.memory_space<vmem>>
      %gather3A_1034 = tpu.memref_squeeze %gather3A_1033 : memref<1x4x8x128xf32, #tpu.memory_space<vmem>> -> memref<4x8x128xf32, #tpu.memory_space<vmem>>
      %gather3A_1035 = tpu.vector_load_idx %gather3A_1034[%shift_right_arithmetic3A_8, %and3A_10, %broadcast_in_dim3A_1027] : memref<4x8x128xf32, #tpu.memory_space<vmem>>[vector<16xi32>, vector<16xi32>, vector<16xi32>], vector<16xf32>,
      tpu.vector_store_idx %arg9[%add3A_6, %broadcast_in_dim3A_1028], %gather3A_1035 : memref<32x512xf32, #tpu.memory_space<vmem>>[vector<16xi32>, vector<16xi32>], vector<16xf32>,
      %gather3A_1036 = arith.constant 4 : i32
      %gather3A_1037 = arith.constant 0 : i32
      %gather3A_1038 = arith.constant 0 : i32
      %gather3A_1039 = arith.constant 0 : i32
      %gather3A_1040 = tpu.memref_slice %arg7[%gather3A_1036, %gather3A_1037, %gather3A_1038, %gather3A_1039] : memref<8x4x8x128xf32, #tpu.memory_space<vmem>> -> memref<1x4x8x128xf32, #tpu.memory_space<vmem>>
      %gather3A_1041 = tpu.memref_squeeze %gather3A_1040 : memref<1x4x8x128xf32, #tpu.memory_space<vmem>> -> memref<4x8x128xf32, #tpu.memory_space<vmem>>
      %gather3A_1042 = tpu.vector_load_idx %gather3A_1041[%shift_right_arithmetic3A_16, %and3A_19, %broadcast_in_dim3A_1027] : memref<4x8x128xf32, #tpu.memory_space<vmem>>[vector<16xi32>, vector<16xi32>, vector<16xi32>], vector<16xf32>,
      tpu.vector_store_idx %arg9[%add3A_13, %broadcast_in_dim3A_1028], %gather3A_1042 : memref<32x512xf32, #tpu.memory_space<vmem>>[vector<16xi32>, vector<16xi32>], vector<16xf32>,
      %mul3A_1043 = arith.constant 8 : i32
      %mul3A_1044 = arith.muli %mul3A_918, %mul3A_1043 : i32
      %add3A_1045 = arith.constant 5 : i32
      %add3A_1046 = arith.addi %mul3A_1044, %add3A_1045 : i32
      %slice3A_1047 = vector.extract_strided_slice %get3A_922 {offsets = [5], sizes = [1], strides = [1]} : vector<16xi32> to vector<1xi32>
      %squeeze3A_1048 = vector.extract %slice3A_1047[0] : i32 from vector<1xi32>
      %and3A_1049 = arith.constant 127 : i32
      %and3A_1050 = arith.andi %squeeze3A_1048, %and3A_1049 : i32
      %broadcast_in_dim3A_1051 = vector.broadcast %and3A_1050 : i32 to vector<16xi32>
      %broadcast_in_dim3A_1052 = vector.broadcast %add3A_1046 : i32 to vector<16xi32>
      %gather3A_1053 = arith.constant 5 : i32
      %gather3A_1054 = arith.constant 0 : i32
      %gather3A_1055 = arith.constant 0 : i32
      %gather3A_1056 = arith.constant 0 : i32
      %gather3A_1057 = tpu.memref_slice %arg7[%gather3A_1053, %gather3A_1054, %gather3A_1055, %gather3A_1056] : memref<8x4x8x128xf32, #tpu.memory_space<vmem>> -> memref<1x4x8x128xf32, #tpu.memory_space<vmem>>
      %gather3A_1058 = tpu.memref_squeeze %gather3A_1057 : memref<1x4x8x128xf32, #tpu.memory_space<vmem>> -> memref<4x8x128xf32, #tpu.memory_space<vmem>>
      %gather3A_1059 = tpu.vector_load_idx %gather3A_1058[%shift_right_arithmetic3A_8, %and3A_10, %broadcast_in_dim3A_1051] : memref<4x8x128xf32, #tpu.memory_space<vmem>>[vector<16xi32>, vector<16xi32>, vector<16xi32>], vector<16xf32>,
      tpu.vector_store_idx %arg9[%add3A_6, %broadcast_in_dim3A_1052], %gather3A_1059 : memref<32x512xf32, #tpu.memory_space<vmem>>[vector<16xi32>, vector<16xi32>], vector<16xf32>,
      %gather3A_1060 = arith.constant 5 : i32
      %gather3A_1061 = arith.constant 0 : i32
      %gather3A_1062 = arith.constant 0 : i32
      %gather3A_1063 = arith.constant 0 : i32
      %gather3A_1064 = tpu.memref_slice %arg7[%gather3A_1060, %gather3A_1061, %gather3A_1062, %gather3A_1063] : memref<8x4x8x128xf32, #tpu.memory_space<vmem>> -> memref<1x4x8x128xf32, #tpu.memory_space<vmem>>
      %gather3A_1065 = tpu.memref_squeeze %gather3A_1064 : memref<1x4x8x128xf32, #tpu.memory_space<vmem>> -> memref<4x8x128xf32, #tpu.memory_space<vmem>>
      %gather3A_1066 = tpu.vector_load_idx %gather3A_1065[%shift_right_arithmetic3A_16, %and3A_19, %broadcast_in_dim3A_1051] : memref<4x8x128xf32, #tpu.memory_space<vmem>>[vector<16xi32>, vector<16xi32>, vector<16xi32>], vector<16xf32>,
      tpu.vector_store_idx %arg9[%add3A_13, %broadcast_in_dim3A_1052], %gather3A_1066 : memref<32x512xf32, #tpu.memory_space<vmem>>[vector<16xi32>, vector<16xi32>], vector<16xf32>,
      %mul3A_1067 = arith.constant 8 : i32
      %mul3A_1068 = arith.muli %mul3A_918, %mul3A_1067 : i32
      %add3A_1069 = arith.constant 6 : i32
      %add3A_1070 = arith.addi %mul3A_1068, %add3A_1069 : i32
      %slice3A_1071 = vector.extract_strided_slice %get3A_922 {offsets = [6], sizes = [1], strides = [1]} : vector<16xi32> to vector<1xi32>
      %squeeze3A_1072 = vector.extract %slice3A_1071[0] : i32 from vector<1xi32>
      %and3A_1073 = arith.constant 127 : i32
      %and3A_1074 = arith.andi %squeeze3A_1072, %and3A_1073 : i32
      %broadcast_in_dim3A_1075 = vector.broadcast %and3A_1074 : i32 to vector<16xi32>
      %broadcast_in_dim3A_1076 = vector.broadcast %add3A_1070 : i32 to vector<16xi32>
      %gather3A_1077 = arith.constant 6 : i32
      %gather3A_1078 = arith.constant 0 : i32
      %gather3A_1079 = arith.constant 0 : i32
      %gather3A_1080 = arith.constant 0 : i32
      %gather3A_1081 = tpu.memref_slice %arg7[%gather3A_1077, %gather3A_1078, %gather3A_1079, %gather3A_1080] : memref<8x4x8x128xf32, #tpu.memory_space<vmem>> -> memref<1x4x8x128xf32, #tpu.memory_space<vmem>>
      %gather3A_1082 = tpu.memref_squeeze %gather3A_1081 : memref<1x4x8x128xf32, #tpu.memory_space<vmem>> -> memref<4x8x128xf32, #tpu.memory_space<vmem>>
      %gather3A_1083 = tpu.vector_load_idx %gather3A_1082[%shift_right_arithmetic3A_8, %and3A_10, %broadcast_in_dim3A_1075] : memref<4x8x128xf32, #tpu.memory_space<vmem>>[vector<16xi32>, vector<16xi32>, vector<16xi32>], vector<16xf32>,
      tpu.vector_store_idx %arg9[%add3A_6, %broadcast_in_dim3A_1076], %gather3A_1083 : memref<32x512xf32, #tpu.memory_space<vmem>>[vector<16xi32>, vector<16xi32>], vector<16xf32>,
      %gather3A_1084 = arith.constant 6 : i32
      %gather3A_1085 = arith.constant 0 : i32
      %gather3A_1086 = arith.constant 0 : i32
      %gather3A_1087 = arith.constant 0 : i32
      %gather3A_1088 = tpu.memref_slice %arg7[%gather3A_1084, %gather3A_1085, %gather3A_1086, %gather3A_1087] : memref<8x4x8x128xf32, #tpu.memory_space<vmem>> -> memref<1x4x8x128xf32, #tpu.memory_space<vmem>>
      %gather3A_1089 = tpu.memref_squeeze %gather3A_1088 : memref<1x4x8x128xf32, #tpu.memory_space<vmem>> -> memref<4x8x128xf32, #tpu.memory_space<vmem>>
      %gather3A_1090 = tpu.vector_load_idx %gather3A_1089[%shift_right_arithmetic3A_16, %and3A_19, %broadcast_in_dim3A_1075] : memref<4x8x128xf32, #tpu.memory_space<vmem>>[vector<16xi32>, vector<16xi32>, vector<16xi32>], vector<16xf32>,
      tpu.vector_store_idx %arg9[%add3A_13, %broadcast_in_dim3A_1076], %gather3A_1090 : memref<32x512xf32, #tpu.memory_space<vmem>>[vector<16xi32>, vector<16xi32>], vector<16xf32>,
      %mul3A_1091 = arith.constant 8 : i32
      %mul3A_1092 = arith.muli %mul3A_918, %mul3A_1091 : i32
      %add3A_1093 = arith.constant 7 : i32
      %add3A_1094 = arith.addi %mul3A_1092, %add3A_1093 : i32
      %slice3A_1095 = vector.extract_strided_slice %get3A_922 {offsets = [7], sizes = [1], strides = [1]} : vector<16xi32> to vector<1xi32>
      %squeeze3A_1096 = vector.extract %slice3A_1095[0] : i32 from vector<1xi32>
      %and3A_1097 = arith.constant 127 : i32
      %and3A_1098 = arith.andi %squeeze3A_1096, %and3A_1097 : i32
      %broadcast_in_dim3A_1099 = vector.broadcast %and3A_1098 : i32 to vector<16xi32>
      %broadcast_in_dim3A_1100 = vector.broadcast %add3A_1094 : i32 to vector<16xi32>
      %gather3A_1101 = arith.constant 7 : i32
      %gather3A_1102 = arith.constant 0 : i32
      %gather3A_1103 = arith.constant 0 : i32
      %gather3A_1104 = arith.constant 0 : i32
      %gather3A_1105 = tpu.memref_slice %arg7[%gather3A_1101, %gather3A_1102, %gather3A_1103, %gather3A_1104] : memref<8x4x8x128xf32, #tpu.memory_space<vmem>> -> memref<1x4x8x128xf32, #tpu.memory_space<vmem>>
      %gather3A_1106 = tpu.memref_squeeze %gather3A_1105 : memref<1x4x8x128xf32, #tpu.memory_space<vmem>> -> memref<4x8x128xf32, #tpu.memory_space<vmem>>
      %gather3A_1107 = tpu.vector_load_idx %gather3A_1106[%shift_right_arithmetic3A_8, %and3A_10, %broadcast_in_dim3A_1099] : memref<4x8x128xf32, #tpu.memory_space<vmem>>[vector<16xi32>, vector<16xi32>, vector<16xi32>], vector<16xf32>,
      tpu.vector_store_idx %arg9[%add3A_6, %broadcast_in_dim3A_1100], %gather3A_1107 : memref<32x512xf32, #tpu.memory_space<vmem>>[vector<16xi32>, vector<16xi32>], vector<16xf32>,
      %gather3A_1108 = arith.constant 7 : i32
      %gather3A_1109 = arith.constant 0 : i32
      %gather3A_1110 = arith.constant 0 : i32
      %gather3A_1111 = arith.constant 0 : i32
      %gather3A_1112 = tpu.memref_slice %arg7[%gather3A_1108, %gather3A_1109, %gather3A_1110, %gather3A_1111] : memref<8x4x8x128xf32, #tpu.memory_space<vmem>> -> memref<1x4x8x128xf32, #tpu.memory_space<vmem>>
      %gather3A_1113 = tpu.memref_squeeze %gather3A_1112 : memref<1x4x8x128xf32, #tpu.memory_space<vmem>> -> memref<4x8x128xf32, #tpu.memory_space<vmem>>
      %gather3A_1114 = tpu.vector_load_idx %gather3A_1113[%shift_right_arithmetic3A_16, %and3A_19, %broadcast_in_dim3A_1099] : memref<4x8x128xf32, #tpu.memory_space<vmem>>[vector<16xi32>, vector<16xi32>, vector<16xi32>], vector<16xf32>,
      tpu.vector_store_idx %arg9[%add3A_13, %broadcast_in_dim3A_1100], %gather3A_1114 : memref<32x512xf32, #tpu.memory_space<vmem>>[vector<16xi32>, vector<16xi32>], vector<16xf32>,
      %mul3A_1115 = arith.constant 2 : i32
      %mul3A_1116 = arith.muli %mul3A_1115, %scan3A_752 : i32
      %add3A_1117 = arith.constant 2 : i32
      %add3A_1118 = arith.addi %mul3A_1116, %add3A_1117 : i32
      %mul3A_1119 = arith.constant 8 : i32
      %mul3A_1120 = arith.muli %add3A_1118, %mul3A_1119 : i32
      %get3A_1121 = arith.index_cast %mul3A_1120 : i32 to index
      %get3A_1122 = tpu.vector_load %arg5[%get3A_1121] {strides = array<i32>} : memref<528xi32, #tpu.memory_space<vmem>>, vector<16xi32>,
      %slice3A_1123 = vector.extract_strided_slice %get3A_1122 {offsets = [0], sizes = [1], strides = [1]} : vector<16xi32> to vector<1xi32>
      %squeeze3A_1124 = vector.extract %slice3A_1123[0] : i32 from vector<1xi32>
      %shift_right_arithmetic3A_1125 = arith.constant 7 : i32
      %shift_right_arithmetic3A_1126 = arith.shrsi %squeeze3A_1124, %shift_right_arithmetic3A_1125 : i32
      %shift_left3A_1127 = arith.constant 7 : i32
      %shift_left3A_1128 = arith.shli %shift_right_arithmetic3A_1126, %shift_left3A_1127 : i32
      %multiple_of3A_1129 = tpu.assume_multiple %shift_left3A_1128, 128 : i32
      %dma_start3A_1130 = arith.constant 0 : i32
      %dma_start3A_1131 = arith.constant 0 : i32
      %dma_start3A_1132 = arith.constant 0 : i32
      %dma_start3A_1133 = arith.constant 0 : i32
      %dma_start3A_1134 = tpu.memref_slice %arg7[%dma_start3A_1130, %dma_start3A_1131, %dma_start3A_1132, %dma_start3A_1133] : memref<8x4x8x128xf32, #tpu.memory_space<vmem>> -> memref<1x4x8x128xf32, #tpu.memory_space<vmem>>
      %dma_start3A_1135 = tpu.memref_squeeze %dma_start3A_1134 : memref<1x4x8x128xf32, #tpu.memory_space<vmem>> -> memref<4x8x128xf32, #tpu.memory_space<vmem>>
      %dma_start3A_1136 = arith.constant 0 : i32
      %dma_start3A_1137 = tpu.memref_slice %arg6[%dma_start3A_1136] : memref<16xi32, #tpu.memory_space<vmem>> -> memref<4xi32, #tpu.memory_space<vmem>>
      %dma_start3A_1138 = arith.constant 0 : i32
      %dma_start3A_1139 = arith.constant 0 : i32
      %dma_start3A_1140 = tpu.memref_slice %arg3[%dma_start3A_1138, %dma_start3A_1139, %multiple_of3A_1129] : memref<4x8x1000000xf32, #tpu.memory_space<hbm>> -> memref<4x8x128xf32, #tpu.memory_space<hbm>>
      tpu.enqueue_indirect_dma source(%dma_start3A_1140 : memref<4x8x128xf32, #tpu.memory_space<hbm>>) target(%dma_start3A_1135 : memref<4x8x128xf32, #tpu.memory_space<vmem>>) offsets(%dma_start3A_1137 : memref<4xi32, #tpu.memory_space<vmem>>) semaphore(%arg10 : memref<!tpu.dma_semaphore, #tpu.memory_space<semaphore_mem>>)
      %slice3A_1141 = vector.extract_strided_slice %get3A_1122 {offsets = [1], sizes = [1], strides = [1]} : vector<16xi32> to vector<1xi32>
      %squeeze3A_1142 = vector.extract %slice3A_1141[0] : i32 from vector<1xi32>
      %shift_right_arithmetic3A_1143 = arith.constant 7 : i32
      %shift_right_arithmetic3A_1144 = arith.shrsi %squeeze3A_1142, %shift_right_arithmetic3A_1143 : i32
      %shift_left3A_1145 = arith.constant 7 : i32
      %shift_left3A_1146 = arith.shli %shift_right_arithmetic3A_1144, %shift_left3A_1145 : i32
      %multiple_of3A_1147 = tpu.assume_multiple %shift_left3A_1146, 128 : i32
      %dma_start3A_1148 = arith.constant 1 : i32
      %dma_start3A_1149 = arith.constant 0 : i32
      %dma_start3A_1150 = arith.constant 0 : i32
      %dma_start3A_1151 = arith.constant 0 : i32
      %dma_start3A_1152 = tpu.memref_slice %arg7[%dma_start3A_1148, %dma_start3A_1149, %dma_start3A_1150, %dma_start3A_1151] : memref<8x4x8x128xf32, #tpu.memory_space<vmem>> -> memref<1x4x8x128xf32, #tpu.memory_space<vmem>>
      %dma_start3A_1153 = tpu.memref_squeeze %dma_start3A_1152 : memref<1x4x8x128xf32, #tpu.memory_space<vmem>> -> memref<4x8x128xf32, #tpu.memory_space<vmem>>
      %dma_start3A_1154 = arith.constant 0 : i32
      %dma_start3A_1155 = tpu.memref_slice %arg6[%dma_start3A_1154] : memref<16xi32, #tpu.memory_space<vmem>> -> memref<4xi32, #tpu.memory_space<vmem>>
      %dma_start3A_1156 = arith.constant 0 : i32
      %dma_start3A_1157 = arith.constant 0 : i32
      %dma_start3A_1158 = tpu.memref_slice %arg3[%dma_start3A_1156, %dma_start3A_1157, %multiple_of3A_1147] : memref<4x8x1000000xf32, #tpu.memory_space<hbm>> -> memref<4x8x128xf32, #tpu.memory_space<hbm>>
      tpu.enqueue_indirect_dma source(%dma_start3A_1158 : memref<4x8x128xf32, #tpu.memory_space<hbm>>) target(%dma_start3A_1153 : memref<4x8x128xf32, #tpu.memory_space<vmem>>) offsets(%dma_start3A_1155 : memref<4xi32, #tpu.memory_space<vmem>>) semaphore(%arg10 : memref<!tpu.dma_semaphore, #tpu.memory_space<semaphore_mem>>)
      %slice3A_1159 = vector.extract_strided_slice %get3A_1122 {offsets = [2], sizes = [1], strides = [1]} : vector<16xi32> to vector<1xi32>
      %squeeze3A_1160 = vector.extract %slice3A_1159[0] : i32 from vector<1xi32>
      %shift_right_arithmetic3A_1161 = arith.constant 7 : i32
      %shift_right_arithmetic3A_1162 = arith.shrsi %squeeze3A_1160, %shift_right_arithmetic3A_1161 : i32
      %shift_left3A_1163 = arith.constant 7 : i32
      %shift_left3A_1164 = arith.shli %shift_right_arithmetic3A_1162, %shift_left3A_1163 : i32
      %multiple_of3A_1165 = tpu.assume_multiple %shift_left3A_1164, 128 : i32
      %dma_start3A_1166 = arith.constant 2 : i32
      %dma_start3A_1167 = arith.constant 0 : i32
      %dma_start3A_1168 = arith.constant 0 : i32
      %dma_start3A_1169 = arith.constant 0 : i32
      %dma_start3A_1170 = tpu.memref_slice %arg7[%dma_start3A_1166, %dma_start3A_1167, %dma_start3A_1168, %dma_start3A_1169] : memref<8x4x8x128xf32, #tpu.memory_space<vmem>> -> memref<1x4x8x128xf32, #tpu.memory_space<vmem>>
      %dma_start3A_1171 = tpu.memref_squeeze %dma_start3A_1170 : memref<1x4x8x128xf32, #tpu.memory_space<vmem>> -> memref<4x8x128xf32, #tpu.memory_space<vmem>>
      %dma_start3A_1172 = arith.constant 0 : i32
      %dma_start3A_1173 = tpu.memref_slice %arg6[%dma_start3A_1172] : memref<16xi32, #tpu.memory_space<vmem>> -> memref<4xi32, #tpu.memory_space<vmem>>
      %dma_start3A_1174 = arith.constant 0 : i32
      %dma_start3A_1175 = arith.constant 0 : i32
      %dma_start3A_1176 = tpu.memref_slice %arg3[%dma_start3A_1174, %dma_start3A_1175, %multiple_of3A_1165] : memref<4x8x1000000xf32, #tpu.memory_space<hbm>> -> memref<4x8x128xf32, #tpu.memory_space<hbm>>
      tpu.enqueue_indirect_dma source(%dma_start3A_1176 : memref<4x8x128xf32, #tpu.memory_space<hbm>>) target(%dma_start3A_1171 : memref<4x8x128xf32, #tpu.memory_space<vmem>>) offsets(%dma_start3A_1173 : memref<4xi32, #tpu.memory_space<vmem>>) semaphore(%arg10 : memref<!tpu.dma_semaphore, #tpu.memory_space<semaphore_mem>>)
      %slice3A_1177 = vector.extract_strided_slice %get3A_1122 {offsets = [3], sizes = [1], strides = [1]} : vector<16xi32> to vector<1xi32>
      %squeeze3A_1178 = vector.extract %slice3A_1177[0] : i32 from vector<1xi32>
      %shift_right_arithmetic3A_1179 = arith.constant 7 : i32
      %shift_right_arithmetic3A_1180 = arith.shrsi %squeeze3A_1178, %shift_right_arithmetic3A_1179 : i32
      %shift_left3A_1181 = arith.constant 7 : i32
      %shift_left3A_1182 = arith.shli %shift_right_arithmetic3A_1180, %shift_left3A_1181 : i32
      %multiple_of3A_1183 = tpu.assume_multiple %shift_left3A_1182, 128 : i32
      %dma_start3A_1184 = arith.constant 3 : i32
      %dma_start3A_1185 = arith.constant 0 : i32
      %dma_start3A_1186 = arith.constant 0 : i32
      %dma_start3A_1187 = arith.constant 0 : i32
      %dma_start3A_1188 = tpu.memref_slice %arg7[%dma_start3A_1184, %dma_start3A_1185, %dma_start3A_1186, %dma_start3A_1187] : memref<8x4x8x128xf32, #tpu.memory_space<vmem>> -> memref<1x4x8x128xf32, #tpu.memory_space<vmem>>
      %dma_start3A_1189 = tpu.memref_squeeze %dma_start3A_1188 : memref<1x4x8x128xf32, #tpu.memory_space<vmem>> -> memref<4x8x128xf32, #tpu.memory_space<vmem>>
      %dma_start3A_1190 = arith.constant 0 : i32
      %dma_start3A_1191 = tpu.memref_slice %arg6[%dma_start3A_1190] : memref<16xi32, #tpu.memory_space<vmem>> -> memref<4xi32, #tpu.memory_space<vmem>>
      %dma_start3A_1192 = arith.constant 0 : i32
      %dma_start3A_1193 = arith.constant 0 : i32
      %dma_start3A_1194 = tpu.memref_slice %arg3[%dma_start3A_1192, %dma_start3A_1193, %multiple_of3A_1183] : memref<4x8x1000000xf32, #tpu.memory_space<hbm>> -> memref<4x8x128xf32, #tpu.memory_space<hbm>>
      tpu.enqueue_indirect_dma source(%dma_start3A_1194 : memref<4x8x128xf32, #tpu.memory_space<hbm>>) target(%dma_start3A_1189 : memref<4x8x128xf32, #tpu.memory_space<vmem>>) offsets(%dma_start3A_1191 : memref<4xi32, #tpu.memory_space<vmem>>) semaphore(%arg10 : memref<!tpu.dma_semaphore, #tpu.memory_space<semaphore_mem>>)
      %slice3A_1195 = vector.extract_strided_slice %get3A_1122 {offsets = [4], sizes = [1], strides = [1]} : vector<16xi32> to vector<1xi32>
      %squeeze3A_1196 = vector.extract %slice3A_1195[0] : i32 from vector<1xi32>
      %shift_right_arithmetic3A_1197 = arith.constant 7 : i32
      %shift_right_arithmetic3A_1198 = arith.shrsi %squeeze3A_1196, %shift_right_arithmetic3A_1197 : i32
      %shift_left3A_1199 = arith.constant 7 : i32
      %shift_left3A_1200 = arith.shli %shift_right_arithmetic3A_1198, %shift_left3A_1199 : i32
      %multiple_of3A_1201 = tpu.assume_multiple %shift_left3A_1200, 128 : i32
      %dma_start3A_1202 = arith.constant 4 : i32
      %dma_start3A_1203 = arith.constant 0 : i32
      %dma_start3A_1204 = arith.constant 0 : i32
      %dma_start3A_1205 = arith.constant 0 : i32
      %dma_start3A_1206 = tpu.memref_slice %arg7[%dma_start3A_1202, %dma_start3A_1203, %dma_start3A_1204, %dma_start3A_1205] : memref<8x4x8x128xf32, #tpu.memory_space<vmem>> -> memref<1x4x8x128xf32, #tpu.memory_space<vmem>>
      %dma_start3A_1207 = tpu.memref_squeeze %dma_start3A_1206 : memref<1x4x8x128xf32, #tpu.memory_space<vmem>> -> memref<4x8x128xf32, #tpu.memory_space<vmem>>
      %dma_start3A_1208 = arith.constant 0 : i32
      %dma_start3A_1209 = tpu.memref_slice %arg6[%dma_start3A_1208] : memref<16xi32, #tpu.memory_space<vmem>> -> memref<4xi32, #tpu.memory_space<vmem>>
      %dma_start3A_1210 = arith.constant 0 : i32
      %dma_start3A_1211 = arith.constant 0 : i32
      %dma_start3A_1212 = tpu.memref_slice %arg3[%dma_start3A_1210, %dma_start3A_1211, %multiple_of3A_1201] : memref<4x8x1000000xf32, #tpu.memory_space<hbm>> -> memref<4x8x128xf32, #tpu.memory_space<hbm>>
      tpu.enqueue_indirect_dma source(%dma_start3A_1212 : memref<4x8x128xf32, #tpu.memory_space<hbm>>) target(%dma_start3A_1207 : memref<4x8x128xf32, #tpu.memory_space<vmem>>) offsets(%dma_start3A_1209 : memref<4xi32, #tpu.memory_space<vmem>>) semaphore(%arg10 : memref<!tpu.dma_semaphore, #tpu.memory_space<semaphore_mem>>)
      %slice3A_1213 = vector.extract_strided_slice %get3A_1122 {offsets = [5], sizes = [1], strides = [1]} : vector<16xi32> to vector<1xi32>
      %squeeze3A_1214 = vector.extract %slice3A_1213[0] : i32 from vector<1xi32>
      %shift_right_arithmetic3A_1215 = arith.constant 7 : i32
      %shift_right_arithmetic3A_1216 = arith.shrsi %squeeze3A_1214, %shift_right_arithmetic3A_1215 : i32
      %shift_left3A_1217 = arith.constant 7 : i32
      %shift_left3A_1218 = arith.shli %shift_right_arithmetic3A_1216, %shift_left3A_1217 : i32
      %multiple_of3A_1219 = tpu.assume_multiple %shift_left3A_1218, 128 : i32
      %dma_start3A_1220 = arith.constant 5 : i32
      %dma_start3A_1221 = arith.constant 0 : i32
      %dma_start3A_1222 = arith.constant 0 : i32
      %dma_start3A_1223 = arith.constant 0 : i32
      %dma_start3A_1224 = tpu.memref_slice %arg7[%dma_start3A_1220, %dma_start3A_1221, %dma_start3A_1222, %dma_start3A_1223] : memref<8x4x8x128xf32, #tpu.memory_space<vmem>> -> memref<1x4x8x128xf32, #tpu.memory_space<vmem>>
      %dma_start3A_1225 = tpu.memref_squeeze %dma_start3A_1224 : memref<1x4x8x128xf32, #tpu.memory_space<vmem>> -> memref<4x8x128xf32, #tpu.memory_space<vmem>>
      %dma_start3A_1226 = arith.constant 0 : i32
      %dma_start3A_1227 = tpu.memref_slice %arg6[%dma_start3A_1226] : memref<16xi32, #tpu.memory_space<vmem>> -> memref<4xi32, #tpu.memory_space<vmem>>
      %dma_start3A_1228 = arith.constant 0 : i32
      %dma_start3A_1229 = arith.constant 0 : i32
      %dma_start3A_1230 = tpu.memref_slice %arg3[%dma_start3A_1228, %dma_start3A_1229, %multiple_of3A_1219] : memref<4x8x1000000xf32, #tpu.memory_space<hbm>> -> memref<4x8x128xf32, #tpu.memory_space<hbm>>
      tpu.enqueue_indirect_dma source(%dma_start3A_1230 : memref<4x8x128xf32, #tpu.memory_space<hbm>>) target(%dma_start3A_1225 : memref<4x8x128xf32, #tpu.memory_space<vmem>>) offsets(%dma_start3A_1227 : memref<4xi32, #tpu.memory_space<vmem>>) semaphore(%arg10 : memref<!tpu.dma_semaphore, #tpu.memory_space<semaphore_mem>>)
      %slice3A_1231 = vector.extract_strided_slice %get3A_1122 {offsets = [6], sizes = [1], strides = [1]} : vector<16xi32> to vector<1xi32>
      %squeeze3A_1232 = vector.extract %slice3A_1231[0] : i32 from vector<1xi32>
      %shift_right_arithmetic3A_1233 = arith.constant 7 : i32
      %shift_right_arithmetic3A_1234 = arith.shrsi %squeeze3A_1232, %shift_right_arithmetic3A_1233 : i32
      %shift_left3A_1235 = arith.constant 7 : i32
      %shift_left3A_1236 = arith.shli %shift_right_arithmetic3A_1234, %shift_left3A_1235 : i32
      %multiple_of3A_1237 = tpu.assume_multiple %shift_left3A_1236, 128 : i32
      %dma_start3A_1238 = arith.constant 6 : i32
      %dma_start3A_1239 = arith.constant 0 : i32
      %dma_start3A_1240 = arith.constant 0 : i32
      %dma_start3A_1241 = arith.constant 0 : i32
      %dma_start3A_1242 = tpu.memref_slice %arg7[%dma_start3A_1238, %dma_start3A_1239, %dma_start3A_1240, %dma_start3A_1241] : memref<8x4x8x128xf32, #tpu.memory_space<vmem>> -> memref<1x4x8x128xf32, #tpu.memory_space<vmem>>
      %dma_start3A_1243 = tpu.memref_squeeze %dma_start3A_1242 : memref<1x4x8x128xf32, #tpu.memory_space<vmem>> -> memref<4x8x128xf32, #tpu.memory_space<vmem>>
      %dma_start3A_1244 = arith.constant 0 : i32
      %dma_start3A_1245 = tpu.memref_slice %arg6[%dma_start3A_1244] : memref<16xi32, #tpu.memory_space<vmem>> -> memref<4xi32, #tpu.memory_space<vmem>>
      %dma_start3A_1246 = arith.constant 0 : i32
      %dma_start3A_1247 = arith.constant 0 : i32
      %dma_start3A_1248 = tpu.memref_slice %arg3[%dma_start3A_1246, %dma_start3A_1247, %multiple_of3A_1237] : memref<4x8x1000000xf32, #tpu.memory_space<hbm>> -> memref<4x8x128xf32, #tpu.memory_space<hbm>>
      tpu.enqueue_indirect_dma source(%dma_start3A_1248 : memref<4x8x128xf32, #tpu.memory_space<hbm>>) target(%dma_start3A_1243 : memref<4x8x128xf32, #tpu.memory_space<vmem>>) offsets(%dma_start3A_1245 : memref<4xi32, #tpu.memory_space<vmem>>) semaphore(%arg10 : memref<!tpu.dma_semaphore, #tpu.memory_space<semaphore_mem>>)
      %slice3A_1249 = vector.extract_strided_slice %get3A_1122 {offsets = [7], sizes = [1], strides = [1]} : vector<16xi32> to vector<1xi32>
      %squeeze3A_1250 = vector.extract %slice3A_1249[0] : i32 from vector<1xi32>
      %shift_right_arithmetic3A_1251 = arith.constant 7 : i32
      %shift_right_arithmetic3A_1252 = arith.shrsi %squeeze3A_1250, %shift_right_arithmetic3A_1251 : i32
      %shift_left3A_1253 = arith.constant 7 : i32
      %shift_left3A_1254 = arith.shli %shift_right_arithmetic3A_1252, %shift_left3A_1253 : i32
      %multiple_of3A_1255 = tpu.assume_multiple %shift_left3A_1254, 128 : i32
      %dma_start3A_1256 = arith.constant 7 : i32
      %dma_start3A_1257 = arith.constant 0 : i32
      %dma_start3A_1258 = arith.constant 0 : i32
      %dma_start3A_1259 = arith.constant 0 : i32
      %dma_start3A_1260 = tpu.memref_slice %arg7[%dma_start3A_1256, %dma_start3A_1257, %dma_start3A_1258, %dma_start3A_1259] : memref<8x4x8x128xf32, #tpu.memory_space<vmem>> -> memref<1x4x8x128xf32, #tpu.memory_space<vmem>>
      %dma_start3A_1261 = tpu.memref_squeeze %dma_start3A_1260 : memref<1x4x8x128xf32, #tpu.memory_space<vmem>> -> memref<4x8x128xf32, #tpu.memory_space<vmem>>
      %dma_start3A_1262 = arith.constant 0 : i32
      %dma_start3A_1263 = tpu.memref_slice %arg6[%dma_start3A_1262] : memref<16xi32, #tpu.memory_space<vmem>> -> memref<4xi32, #tpu.memory_space<vmem>>
      %dma_start3A_1264 = arith.constant 0 : i32
      %dma_start3A_1265 = arith.constant 0 : i32
      %dma_start3A_1266 = tpu.memref_slice %arg3[%dma_start3A_1264, %dma_start3A_1265, %multiple_of3A_1255] : memref<4x8x1000000xf32, #tpu.memory_space<hbm>> -> memref<4x8x128xf32, #tpu.memory_space<hbm>>
      tpu.enqueue_indirect_dma source(%dma_start3A_1266 : memref<4x8x128xf32, #tpu.memory_space<hbm>>) target(%dma_start3A_1261 : memref<4x8x128xf32, #tpu.memory_space<vmem>>) offsets(%dma_start3A_1263 : memref<4xi32, #tpu.memory_space<vmem>>) semaphore(%arg10 : memref<!tpu.dma_semaphore, #tpu.memory_space<semaphore_mem>>)
      %dma_wait3A_1267 = arith.constant 0 : i32
      %dma_wait3A_1268 = arith.constant 0 : i32
      %dma_wait3A_1269 = tpu.memref_slice %arg4[%dma_wait3A_1267, %dma_wait3A_1268] : memref<32x16384xf32, #tpu.memory_space<hbm>> -> memref<32x512xf32, #tpu.memory_space<hbm>>
      %dma_wait3A_1270 = arith.constant 0 : i32
      %dma_wait3A_1271 = arith.constant 0 : i32
      %dma_wait3A_1272 = tpu.memref_slice %arg4[%dma_wait3A_1270, %dma_wait3A_1271] : memref<32x16384xf32, #tpu.memory_space<hbm>> -> memref<32x512xf32, #tpu.memory_space<hbm>>
      tpu.wait_dma2 semaphore(%arg11 : memref<!tpu.dma_semaphore, #tpu.memory_space<semaphore_mem>>) src(%dma_wait3A_1272 : memref<32x512xf32, #tpu.memory_space<hbm>>) dst(%arg9 : memref<32x512xf32, #tpu.memory_space<vmem>>)
      %dma_wait3A_1273 = arith.constant 0 : i32
      %dma_wait3A_1274 = arith.constant 0 : i32
      %dma_wait3A_1275 = tpu.memref_slice %arg4[%dma_wait3A_1273, %dma_wait3A_1274] : memref<32x16384xf32, #tpu.memory_space<hbm>> -> memref<32x512xf32, #tpu.memory_space<hbm>>
      %dma_wait3A_1276 = arith.constant 0 : i32
      %dma_wait3A_1277 = arith.constant 0 : i32
      %dma_wait3A_1278 = tpu.memref_slice %arg4[%dma_wait3A_1276, %dma_wait3A_1277] : memref<32x16384xf32, #tpu.memory_space<hbm>> -> memref<32x512xf32, #tpu.memory_space<hbm>>
      tpu.wait_dma2 semaphore(%arg11 : memref<!tpu.dma_semaphore, #tpu.memory_space<semaphore_mem>>) src(%dma_wait3A_1278 : memref<32x512xf32, #tpu.memory_space<hbm>>) dst(%arg9 : memref<32x512xf32, #tpu.memory_space<vmem>>)
      %mul3A_1279 = arith.constant 2 : i32
      %mul3A_1280 = arith.muli %mul3A_1279, %scan3A_752 : i32
      %add3A_1281 = arith.constant 1 : i32
      %add3A_1282 = arith.addi %mul3A_1280, %add3A_1281 : i32
      %mul3A_1283 = arith.constant 8 : i32
      %mul3A_1284 = arith.muli %add3A_1282, %mul3A_1283 : i32
      %get3A_1285 = arith.index_cast %mul3A_1284 : i32 to index
      %get3A_1286 = tpu.vector_load %arg5[%get3A_1285] {strides = array<i32>} : memref<528xi32, #tpu.memory_space<vmem>>, vector<16xi32>,
      %mul3A_1287 = arith.constant 8 : i32
      %mul3A_1288 = arith.muli %add3A_1282, %mul3A_1287 : i32
      %add3A_1289 = arith.constant 0 : i32
      %add3A_1290 = arith.addi %mul3A_1288, %add3A_1289 : i32
      %slice3A_1291 = vector.extract_strided_slice %get3A_1286 {offsets = [0], sizes = [1], strides = [1]} : vector<16xi32> to vector<1xi32>
      %squeeze3A_1292 = vector.extract %slice3A_1291[0] : i32 from vector<1xi32>
      %and3A_1293 = arith.constant 127 : i32
      %and3A_1294 = arith.andi %squeeze3A_1292, %and3A_1293 : i32
      %broadcast_in_dim3A_1295 = vector.broadcast %and3A_1294 : i32 to vector<16xi32>
      %broadcast_in_dim3A_1296 = vector.broadcast %add3A_1290 : i32 to vector<16xi32>
      %gather3A_1297 = arith.constant 0 : i32
      %gather3A_1298 = arith.constant 0 : i32
      %gather3A_1299 = arith.constant 0 : i32
      %gather3A_1300 = arith.constant 0 : i32
      %gather3A_1301 = tpu.memref_slice %arg8[%gather3A_1297, %gather3A_1298, %gather3A_1299, %gather3A_1300] : memref<8x4x8x128xf32, #tpu.memory_space<vmem>> -> memref<1x4x8x128xf32, #tpu.memory_space<vmem>>
      %gather3A_1302 = tpu.memref_squeeze %gather3A_1301 : memref<1x4x8x128xf32, #tpu.memory_space<vmem>> -> memref<4x8x128xf32, #tpu.memory_space<vmem>>
      %gather3A_1303 = tpu.vector_load_idx %gather3A_1302[%shift_right_arithmetic3A_8, %and3A_10, %broadcast_in_dim3A_1295] : memref<4x8x128xf32, #tpu.memory_space<vmem>>[vector<16xi32>, vector<16xi32>, vector<16xi32>], vector<16xf32>,
      tpu.vector_store_idx %arg9[%add3A_6, %broadcast_in_dim3A_1296], %gather3A_1303 : memref<32x512xf32, #tpu.memory_space<vmem>>[vector<16xi32>, vector<16xi32>], vector<16xf32>,
      %gather3A_1304 = arith.constant 0 : i32
      %gather3A_1305 = arith.constant 0 : i32
      %gather3A_1306 = arith.constant 0 : i32
      %gather3A_1307 = arith.constant 0 : i32
      %gather3A_1308 = tpu.memref_slice %arg8[%gather3A_1304, %gather3A_1305, %gather3A_1306, %gather3A_1307] : memref<8x4x8x128xf32, #tpu.memory_space<vmem>> -> memref<1x4x8x128xf32, #tpu.memory_space<vmem>>
      %gather3A_1309 = tpu.memref_squeeze %gather3A_1308 : memref<1x4x8x128xf32, #tpu.memory_space<vmem>> -> memref<4x8x128xf32, #tpu.memory_space<vmem>>
      %gather3A_1310 = tpu.vector_load_idx %gather3A_1309[%shift_right_arithmetic3A_16, %and3A_19, %broadcast_in_dim3A_1295] : memref<4x8x128xf32, #tpu.memory_space<vmem>>[vector<16xi32>, vector<16xi32>, vector<16xi32>], vector<16xf32>,
      tpu.vector_store_idx %arg9[%add3A_13, %broadcast_in_dim3A_1296], %gather3A_1310 : memref<32x512xf32, #tpu.memory_space<vmem>>[vector<16xi32>, vector<16xi32>], vector<16xf32>,
      %mul3A_1311 = arith.constant 8 : i32
      %mul3A_1312 = arith.muli %add3A_1282, %mul3A_1311 : i32
      %add3A_1313 = arith.constant 1 : i32
      %add3A_1314 = arith.addi %mul3A_1312, %add3A_1313 : i32
      %slice3A_1315 = vector.extract_strided_slice %get3A_1286 {offsets = [1], sizes = [1], strides = [1]} : vector<16xi32> to vector<1xi32>
      %squeeze3A_1316 = vector.extract %slice3A_1315[0] : i32 from vector<1xi32>
      %and3A_1317 = arith.constant 127 : i32
      %and3A_1318 = arith.andi %squeeze3A_1316, %and3A_1317 : i32
      %broadcast_in_dim3A_1319 = vector.broadcast %and3A_1318 : i32 to vector<16xi32>
      %broadcast_in_dim3A_1320 = vector.broadcast %add3A_1314 : i32 to vector<16xi32>
      %gather3A_1321 = arith.constant 1 : i32
      %gather3A_1322 = arith.constant 0 : i32
      %gather3A_1323 = arith.constant 0 : i32
      %gather3A_1324 = arith.constant 0 : i32
      %gather3A_1325 = tpu.memref_slice %arg8[%gather3A_1321, %gather3A_1322, %gather3A_1323, %gather3A_1324] : memref<8x4x8x128xf32, #tpu.memory_space<vmem>> -> memref<1x4x8x128xf32, #tpu.memory_space<vmem>>
      %gather3A_1326 = tpu.memref_squeeze %gather3A_1325 : memref<1x4x8x128xf32, #tpu.memory_space<vmem>> -> memref<4x8x128xf32, #tpu.memory_space<vmem>>
      %gather3A_1327 = tpu.vector_load_idx %gather3A_1326[%shift_right_arithmetic3A_8, %and3A_10, %broadcast_in_dim3A_1319] : memref<4x8x128xf32, #tpu.memory_space<vmem>>[vector<16xi32>, vector<16xi32>, vector<16xi32>], vector<16xf32>,
      tpu.vector_store_idx %arg9[%add3A_6, %broadcast_in_dim3A_1320], %gather3A_1327 : memref<32x512xf32, #tpu.memory_space<vmem>>[vector<16xi32>, vector<16xi32>], vector<16xf32>,
      %gather3A_1328 = arith.constant 1 : i32
      %gather3A_1329 = arith.constant 0 : i32
      %gather3A_1330 = arith.constant 0 : i32
      %gather3A_1331 = arith.constant 0 : i32
      %gather3A_1332 = tpu.memref_slice %arg8[%gather3A_1328, %gather3A_1329, %gather3A_1330, %gather3A_1331] : memref<8x4x8x128xf32, #tpu.memory_space<vmem>> -> memref<1x4x8x128xf32, #tpu.memory_space<vmem>>
      %gather3A_1333 = tpu.memref_squeeze %gather3A_1332 : memref<1x4x8x128xf32, #tpu.memory_space<vmem>> -> memref<4x8x128xf32, #tpu.memory_space<vmem>>
      %gather3A_1334 = tpu.vector_load_idx %gather3A_1333[%shift_right_arithmetic3A_16, %and3A_19, %broadcast_in_dim3A_1319] : memref<4x8x128xf32, #tpu.memory_space<vmem>>[vector<16xi32>, vector<16xi32>, vector<16xi32>], vector<16xf32>,
      tpu.vector_store_idx %arg9[%add3A_13, %broadcast_in_dim3A_1320], %gather3A_1334 : memref<32x512xf32, #tpu.memory_space<vmem>>[vector<16xi32>, vector<16xi32>], vector<16xf32>,
      %mul3A_1335 = arith.constant 8 : i32
      %mul3A_1336 = arith.muli %add3A_1282, %mul3A_1335 : i32
      %add3A_1337 = arith.constant 2 : i32
      %add3A_1338 = arith.addi %mul3A_1336, %add3A_1337 : i32
      %slice3A_1339 = vector.extract_strided_slice %get3A_1286 {offsets = [2], sizes = [1], strides = [1]} : vector<16xi32> to vector<1xi32>
      %squeeze3A_1340 = vector.extract %slice3A_1339[0] : i32 from vector<1xi32>
      %and3A_1341 = arith.constant 127 : i32
      %and3A_1342 = arith.andi %squeeze3A_1340, %and3A_1341 : i32
      %broadcast_in_dim3A_1343 = vector.broadcast %and3A_1342 : i32 to vector<16xi32>
      %broadcast_in_dim3A_1344 = vector.broadcast %add3A_1338 : i32 to vector<16xi32>
      %gather3A_1345 = arith.constant 2 : i32
      %gather3A_1346 = arith.constant 0 : i32
      %gather3A_1347 = arith.constant 0 : i32
      %gather3A_1348 = arith.constant 0 : i32
      %gather3A_1349 = tpu.memref_slice %arg8[%gather3A_1345, %gather3A_1346, %gather3A_1347, %gather3A_1348] : memref<8x4x8x128xf32, #tpu.memory_space<vmem>> -> memref<1x4x8x128xf32, #tpu.memory_space<vmem>>
      %gather3A_1350 = tpu.memref_squeeze %gather3A_1349 : memref<1x4x8x128xf32, #tpu.memory_space<vmem>> -> memref<4x8x128xf32, #tpu.memory_space<vmem>>
      %gather3A_1351 = tpu.vector_load_idx %gather3A_1350[%shift_right_arithmetic3A_8, %and3A_10, %broadcast_in_dim3A_1343] : memref<4x8x128xf32, #tpu.memory_space<vmem>>[vector<16xi32>, vector<16xi32>, vector<16xi32>], vector<16xf32>,
      tpu.vector_store_idx %arg9[%add3A_6, %broadcast_in_dim3A_1344], %gather3A_1351 : memref<32x512xf32, #tpu.memory_space<vmem>>[vector<16xi32>, vector<16xi32>], vector<16xf32>,
      %gather3A_1352 = arith.constant 2 : i32
      %gather3A_1353 = arith.constant 0 : i32
      %gather3A_1354 = arith.constant 0 : i32
      %gather3A_1355 = arith.constant 0 : i32
      %gather3A_1356 = tpu.memref_slice %arg8[%gather3A_1352, %gather3A_1353, %gather3A_1354, %gather3A_1355] : memref<8x4x8x128xf32, #tpu.memory_space<vmem>> -> memref<1x4x8x128xf32, #tpu.memory_space<vmem>>
      %gather3A_1357 = tpu.memref_squeeze %gather3A_1356 : memref<1x4x8x128xf32, #tpu.memory_space<vmem>> -> memref<4x8x128xf32, #tpu.memory_space<vmem>>
      %gather3A_1358 = tpu.vector_load_idx %gather3A_1357[%shift_right_arithmetic3A_16, %and3A_19, %broadcast_in_dim3A_1343] : memref<4x8x128xf32, #tpu.memory_space<vmem>>[vector<16xi32>, vector<16xi32>, vector<16xi32>], vector<16xf32>,
      tpu.vector_store_idx %arg9[%add3A_13, %broadcast_in_dim3A_1344], %gather3A_1358 : memref<32x512xf32, #tpu.memory_space<vmem>>[vector<16xi32>, vector<16xi32>], vector<16xf32>,
      %mul3A_1359 = arith.constant 8 : i32
      %mul3A_1360 = arith.muli %add3A_1282, %mul3A_1359 : i32
      %add3A_1361 = arith.constant 3 : i32
      %add3A_1362 = arith.addi %mul3A_1360, %add3A_1361 : i32
      %slice3A_1363 = vector.extract_strided_slice %get3A_1286 {offsets = [3], sizes = [1], strides = [1]} : vector<16xi32> to vector<1xi32>
      %squeeze3A_1364 = vector.extract %slice3A_1363[0] : i32 from vector<1xi32>
      %and3A_1365 = arith.constant 127 : i32
      %and3A_1366 = arith.andi %squeeze3A_1364, %and3A_1365 : i32
      %broadcast_in_dim3A_1367 = vector.broadcast %and3A_1366 : i32 to vector<16xi32>
      %broadcast_in_dim3A_1368 = vector.broadcast %add3A_1362 : i32 to vector<16xi32>
      %gather3A_1369 = arith.constant 3 : i32
      %gather3A_1370 = arith.constant 0 : i32
      %gather3A_1371 = arith.constant 0 : i32
      %gather3A_1372 = arith.constant 0 : i32
      %gather3A_1373 = tpu.memref_slice %arg8[%gather3A_1369, %gather3A_1370, %gather3A_1371, %gather3A_1372] : memref<8x4x8x128xf32, #tpu.memory_space<vmem>> -> memref<1x4x8x128xf32, #tpu.memory_space<vmem>>
      %gather3A_1374 = tpu.memref_squeeze %gather3A_1373 : memref<1x4x8x128xf32, #tpu.memory_space<vmem>> -> memref<4x8x128xf32, #tpu.memory_space<vmem>>
      %gather3A_1375 = tpu.vector_load_idx %gather3A_1374[%shift_right_arithmetic3A_8, %and3A_10, %broadcast_in_dim3A_1367] : memref<4x8x128xf32, #tpu.memory_space<vmem>>[vector<16xi32>, vector<16xi32>, vector<16xi32>], vector<16xf32>,
      tpu.vector_store_idx %arg9[%add3A_6, %broadcast_in_dim3A_1368], %gather3A_1375 : memref<32x512xf32, #tpu.memory_space<vmem>>[vector<16xi32>, vector<16xi32>], vector<16xf32>,
      %gather3A_1376 = arith.constant 3 : i32
      %gather3A_1377 = arith.constant 0 : i32
      %gather3A_1378 = arith.constant 0 : i32
      %gather3A_1379 = arith.constant 0 : i32
      %gather3A_1380 = tpu.memref_slice %arg8[%gather3A_1376, %gather3A_1377, %gather3A_1378, %gather3A_1379] : memref<8x4x8x128xf32, #tpu.memory_space<vmem>> -> memref<1x4x8x128xf32, #tpu.memory_space<vmem>>
      %gather3A_1381 = tpu.memref_squeeze %gather3A_1380 : memref<1x4x8x128xf32, #tpu.memory_space<vmem>> -> memref<4x8x128xf32, #tpu.memory_space<vmem>>
      %gather3A_1382 = tpu.vector_load_idx %gather3A_1381[%shift_right_arithmetic3A_16, %and3A_19, %broadcast_in_dim3A_1367] : memref<4x8x128xf32, #tpu.memory_space<vmem>>[vector<16xi32>, vector<16xi32>, vector<16xi32>], vector<16xf32>,
      tpu.vector_store_idx %arg9[%add3A_13, %broadcast_in_dim3A_1368], %gather3A_1382 : memref<32x512xf32, #tpu.memory_space<vmem>>[vector<16xi32>, vector<16xi32>], vector<16xf32>,
      %mul3A_1383 = arith.constant 8 : i32
      %mul3A_1384 = arith.muli %add3A_1282, %mul3A_1383 : i32
      %add3A_1385 = arith.constant 4 : i32
      %add3A_1386 = arith.addi %mul3A_1384, %add3A_1385 : i32
      %slice3A_1387 = vector.extract_strided_slice %get3A_1286 {offsets = [4], sizes = [1], strides = [1]} : vector<16xi32> to vector<1xi32>
      %squeeze3A_1388 = vector.extract %slice3A_1387[0] : i32 from vector<1xi32>
      %and3A_1389 = arith.constant 127 : i32
      %and3A_1390 = arith.andi %squeeze3A_1388, %and3A_1389 : i32
      %broadcast_in_dim3A_1391 = vector.broadcast %and3A_1390 : i32 to vector<16xi32>
      %broadcast_in_dim3A_1392 = vector.broadcast %add3A_1386 : i32 to vector<16xi32>
      %gather3A_1393 = arith.constant 4 : i32
      %gather3A_1394 = arith.constant 0 : i32
      %gather3A_1395 = arith.constant 0 : i32
      %gather3A_1396 = arith.constant 0 : i32
      %gather3A_1397 = tpu.memref_slice %arg8[%gather3A_1393, %gather3A_1394, %gather3A_1395, %gather3A_1396] : memref<8x4x8x128xf32, #tpu.memory_space<vmem>> -> memref<1x4x8x128xf32, #tpu.memory_space<vmem>>
      %gather3A_1398 = tpu.memref_squeeze %gather3A_1397 : memref<1x4x8x128xf32, #tpu.memory_space<vmem>> -> memref<4x8x128xf32, #tpu.memory_space<vmem>>
      %gather3A_1399 = tpu.vector_load_idx %gather3A_1398[%shift_right_arithmetic3A_8, %and3A_10, %broadcast_in_dim3A_1391] : memref<4x8x128xf32, #tpu.memory_space<vmem>>[vector<16xi32>, vector<16xi32>, vector<16xi32>], vector<16xf32>,
      tpu.vector_store_idx %arg9[%add3A_6, %broadcast_in_dim3A_1392], %gather3A_1399 : memref<32x512xf32, #tpu.memory_space<vmem>>[vector<16xi32>, vector<16xi32>], vector<16xf32>,
      %gather3A_1400 = arith.constant 4 : i32
      %gather3A_1401 = arith.constant 0 : i32
      %gather3A_1402 = arith.constant 0 : i32
      %gather3A_1403 = arith.constant 0 : i32
      %gather3A_1404 = tpu.memref_slice %arg8[%gather3A_1400, %gather3A_1401, %gather3A_1402, %gather3A_1403] : memref<8x4x8x128xf32, #tpu.memory_space<vmem>> -> memref<1x4x8x128xf32, #tpu.memory_space<vmem>>
      %gather3A_1405 = tpu.memref_squeeze %gather3A_1404 : memref<1x4x8x128xf32, #tpu.memory_space<vmem>> -> memref<4x8x128xf32, #tpu.memory_space<vmem>>
      %gather3A_1406 = tpu.vector_load_idx %gather3A_1405[%shift_right_arithmetic3A_16, %and3A_19, %broadcast_in_dim3A_1391] : memref<4x8x128xf32, #tpu.memory_space<vmem>>[vector<16xi32>, vector<16xi32>, vector<16xi32>], vector<16xf32>,
      tpu.vector_store_idx %arg9[%add3A_13, %broadcast_in_dim3A_1392], %gather3A_1406 : memref<32x512xf32, #tpu.memory_space<vmem>>[vector<16xi32>, vector<16xi32>], vector<16xf32>,
      %mul3A_1407 = arith.constant 8 : i32
      %mul3A_1408 = arith.muli %add3A_1282, %mul3A_1407 : i32
      %add3A_1409 = arith.constant 5 : i32
      %add3A_1410 = arith.addi %mul3A_1408, %add3A_1409 : i32
      %slice3A_1411 = vector.extract_strided_slice %get3A_1286 {offsets = [5], sizes = [1], strides = [1]} : vector<16xi32> to vector<1xi32>
      %squeeze3A_1412 = vector.extract %slice3A_1411[0] : i32 from vector<1xi32>
      %and3A_1413 = arith.constant 127 : i32
      %and3A_1414 = arith.andi %squeeze3A_1412, %and3A_1413 : i32
      %broadcast_in_dim3A_1415 = vector.broadcast %and3A_1414 : i32 to vector<16xi32>
      %broadcast_in_dim3A_1416 = vector.broadcast %add3A_1410 : i32 to vector<16xi32>
      %gather3A_1417 = arith.constant 5 : i32
      %gather3A_1418 = arith.constant 0 : i32
      %gather3A_1419 = arith.constant 0 : i32
      %gather3A_1420 = arith.constant 0 : i32
      %gather3A_1421 = tpu.memref_slice %arg8[%gather3A_1417, %gather3A_1418, %gather3A_1419, %gather3A_1420] : memref<8x4x8x128xf32, #tpu.memory_space<vmem>> -> memref<1x4x8x128xf32, #tpu.memory_space<vmem>>
      %gather3A_1422 = tpu.memref_squeeze %gather3A_1421 : memref<1x4x8x128xf32, #tpu.memory_space<vmem>> -> memref<4x8x128xf32, #tpu.memory_space<vmem>>
      %gather3A_1423 = tpu.vector_load_idx %gather3A_1422[%shift_right_arithmetic3A_8, %and3A_10, %broadcast_in_dim3A_1415] : memref<4x8x128xf32, #tpu.memory_space<vmem>>[vector<16xi32>, vector<16xi32>, vector<16xi32>], vector<16xf32>,
      tpu.vector_store_idx %arg9[%add3A_6, %broadcast_in_dim3A_1416], %gather3A_1423 : memref<32x512xf32, #tpu.memory_space<vmem>>[vector<16xi32>, vector<16xi32>], vector<16xf32>,
      %gather3A_1424 = arith.constant 5 : i32
      %gather3A_1425 = arith.constant 0 : i32
      %gather3A_1426 = arith.constant 0 : i32
      %gather3A_1427 = arith.constant 0 : i32
      %gather3A_1428 = tpu.memref_slice %arg8[%gather3A_1424, %gather3A_1425, %gather3A_1426, %gather3A_1427] : memref<8x4x8x128xf32, #tpu.memory_space<vmem>> -> memref<1x4x8x128xf32, #tpu.memory_space<vmem>>
      %gather3A_1429 = tpu.memref_squeeze %gather3A_1428 : memref<1x4x8x128xf32, #tpu.memory_space<vmem>> -> memref<4x8x128xf32, #tpu.memory_space<vmem>>
      %gather3A_1430 = tpu.vector_load_idx %gather3A_1429[%shift_right_arithmetic3A_16, %and3A_19, %broadcast_in_dim3A_1415] : memref<4x8x128xf32, #tpu.memory_space<vmem>>[vector<16xi32>, vector<16xi32>, vector<16xi32>], vector<16xf32>,
      tpu.vector_store_idx %arg9[%add3A_13, %broadcast_in_dim3A_1416], %gather3A_1430 : memref<32x512xf32, #tpu.memory_space<vmem>>[vector<16xi32>, vector<16xi32>], vector<16xf32>,
      %mul3A_1431 = arith.constant 8 : i32
      %mul3A_1432 = arith.muli %add3A_1282, %mul3A_1431 : i32
      %add3A_1433 = arith.constant 6 : i32
      %add3A_1434 = arith.addi %mul3A_1432, %add3A_1433 : i32
      %slice3A_1435 = vector.extract_strided_slice %get3A_1286 {offsets = [6], sizes = [1], strides = [1]} : vector<16xi32> to vector<1xi32>
      %squeeze3A_1436 = vector.extract %slice3A_1435[0] : i32 from vector<1xi32>
      %and3A_1437 = arith.constant 127 : i32
      %and3A_1438 = arith.andi %squeeze3A_1436, %and3A_1437 : i32
      %broadcast_in_dim3A_1439 = vector.broadcast %and3A_1438 : i32 to vector<16xi32>
      %broadcast_in_dim3A_1440 = vector.broadcast %add3A_1434 : i32 to vector<16xi32>
      %gather3A_1441 = arith.constant 6 : i32
      %gather3A_1442 = arith.constant 0 : i32
      %gather3A_1443 = arith.constant 0 : i32
      %gather3A_1444 = arith.constant 0 : i32
      %gather3A_1445 = tpu.memref_slice %arg8[%gather3A_1441, %gather3A_1442, %gather3A_1443, %gather3A_1444] : memref<8x4x8x128xf32, #tpu.memory_space<vmem>> -> memref<1x4x8x128xf32, #tpu.memory_space<vmem>>
      %gather3A_1446 = tpu.memref_squeeze %gather3A_1445 : memref<1x4x8x128xf32, #tpu.memory_space<vmem>> -> memref<4x8x128xf32, #tpu.memory_space<vmem>>
      %gather3A_1447 = tpu.vector_load_idx %gather3A_1446[%shift_right_arithmetic3A_8, %and3A_10, %broadcast_in_dim3A_1439] : memref<4x8x128xf32, #tpu.memory_space<vmem>>[vector<16xi32>, vector<16xi32>, vector<16xi32>], vector<16xf32>,
      tpu.vector_store_idx %arg9[%add3A_6, %broadcast_in_dim3A_1440], %gather3A_1447 : memref<32x512xf32, #tpu.memory_space<vmem>>[vector<16xi32>, vector<16xi32>], vector<16xf32>,
      %gather3A_1448 = arith.constant 6 : i32
      %gather3A_1449 = arith.constant 0 : i32
      %gather3A_1450 = arith.constant 0 : i32
      %gather3A_1451 = arith.constant 0 : i32
      %gather3A_1452 = tpu.memref_slice %arg8[%gather3A_1448, %gather3A_1449, %gather3A_1450, %gather3A_1451] : memref<8x4x8x128xf32, #tpu.memory_space<vmem>> -> memref<1x4x8x128xf32, #tpu.memory_space<vmem>>
      %gather3A_1453 = tpu.memref_squeeze %gather3A_1452 : memref<1x4x8x128xf32, #tpu.memory_space<vmem>> -> memref<4x8x128xf32, #tpu.memory_space<vmem>>
      %gather3A_1454 = tpu.vector_load_idx %gather3A_1453[%shift_right_arithmetic3A_16, %and3A_19, %broadcast_in_dim3A_1439] : memref<4x8x128xf32, #tpu.memory_space<vmem>>[vector<16xi32>, vector<16xi32>, vector<16xi32>], vector<16xf32>,
      tpu.vector_store_idx %arg9[%add3A_13, %broadcast_in_dim3A_1440], %gather3A_1454 : memref<32x512xf32, #tpu.memory_space<vmem>>[vector<16xi32>, vector<16xi32>], vector<16xf32>,
      %mul3A_1455 = arith.constant 8 : i32
      %mul3A_1456 = arith.muli %add3A_1282, %mul3A_1455 : i32
      %add3A_1457 = arith.constant 7 : i32
      %add3A_1458 = arith.addi %mul3A_1456, %add3A_1457 : i32
      %slice3A_1459 = vector.extract_strided_slice %get3A_1286 {offsets = [7], sizes = [1], strides = [1]} : vector<16xi32> to vector<1xi32>
      %squeeze3A_1460 = vector.extract %slice3A_1459[0] : i32 from vector<1xi32>
      %and3A_1461 = arith.constant 127 : i32
      %and3A_1462 = arith.andi %squeeze3A_1460, %and3A_1461 : i32
      %broadcast_in_dim3A_1463 = vector.broadcast %and3A_1462 : i32 to vector<16xi32>
      %broadcast_in_dim3A_1464 = vector.broadcast %add3A_1458 : i32 to vector<16xi32>
      %gather3A_1465 = arith.constant 7 : i32
      %gather3A_1466 = arith.constant 0 : i32
      %gather3A_1467 = arith.constant 0 : i32
      %gather3A_1468 = arith.constant 0 : i32
      %gather3A_1469 = tpu.memref_slice %arg8[%gather3A_1465, %gather3A_1466, %gather3A_1467, %gather3A_1468] : memref<8x4x8x128xf32, #tpu.memory_space<vmem>> -> memref<1x4x8x128xf32, #tpu.memory_space<vmem>>
      %gather3A_1470 = tpu.memref_squeeze %gather3A_1469 : memref<1x4x8x128xf32, #tpu.memory_space<vmem>> -> memref<4x8x128xf32, #tpu.memory_space<vmem>>
      %gather3A_1471 = tpu.vector_load_idx %gather3A_1470[%shift_right_arithmetic3A_8, %and3A_10, %broadcast_in_dim3A_1463] : memref<4x8x128xf32, #tpu.memory_space<vmem>>[vector<16xi32>, vector<16xi32>, vector<16xi32>], vector<16xf32>,
      tpu.vector_store_idx %arg9[%add3A_6, %broadcast_in_dim3A_1464], %gather3A_1471 : memref<32x512xf32, #tpu.memory_space<vmem>>[vector<16xi32>, vector<16xi32>], vector<16xf32>,
      %gather3A_1472 = arith.constant 7 : i32
      %gather3A_1473 = arith.constant 0 : i32
      %gather3A_1474 = arith.constant 0 : i32
      %gather3A_1475 = arith.constant 0 : i32
      %gather3A_1476 = tpu.memref_slice %arg8[%gather3A_1472, %gather3A_1473, %gather3A_1474, %gather3A_1475] : memref<8x4x8x128xf32, #tpu.memory_space<vmem>> -> memref<1x4x8x128xf32, #tpu.memory_space<vmem>>
      %gather3A_1477 = tpu.memref_squeeze %gather3A_1476 : memref<1x4x8x128xf32, #tpu.memory_space<vmem>> -> memref<4x8x128xf32, #tpu.memory_space<vmem>>
      %gather3A_1478 = tpu.vector_load_idx %gather3A_1477[%shift_right_arithmetic3A_16, %and3A_19, %broadcast_in_dim3A_1463] : memref<4x8x128xf32, #tpu.memory_space<vmem>>[vector<16xi32>, vector<16xi32>, vector<16xi32>], vector<16xf32>,
      tpu.vector_store_idx %arg9[%add3A_13, %broadcast_in_dim3A_1464], %gather3A_1478 : memref<32x512xf32, #tpu.memory_space<vmem>>[vector<16xi32>, vector<16xi32>], vector<16xf32>,
    }
    %scan3A_164 = arith.constant 31 : i32
    %get3A_165 = arith.constant 504 : index
    %get3A_166 = tpu.vector_load %arg5[%get3A_165] {strides = array<i32>} : memref<528xi32, #tpu.memory_space<vmem>>, vector<16xi32>,
    %slice3A_167 = vector.extract_strided_slice %get3A_166 {offsets = [0], sizes = [1], strides = [1]} : vector<16xi32> to vector<1xi32>
    %squeeze3A_168 = vector.extract %slice3A_167[0] : i32 from vector<1xi32>
    %shift_right_arithmetic3A_169 = arith.constant 7 : i32
    %shift_right_arithmetic3A_170 = arith.shrsi %squeeze3A_168, %shift_right_arithmetic3A_169 : i32
    %shift_left3A_171 = arith.constant 7 : i32
    %shift_left3A_172 = arith.shli %shift_right_arithmetic3A_170, %shift_left3A_171 : i32
    %multiple_of3A_173 = tpu.assume_multiple %shift_left3A_172, 128 : i32
    %dma_start3A_174 = arith.constant 0 : i32
    %dma_start3A_175 = arith.constant 0 : i32
    %dma_start3A_176 = arith.constant 0 : i32
    %dma_start3A_177 = arith.constant 0 : i32
    %dma_start3A_178 = tpu.memref_slice %arg8[%dma_start3A_174, %dma_start3A_175, %dma_start3A_176, %dma_start3A_177] : memref<8x4x8x128xf32, #tpu.memory_space<vmem>> -> memref<1x4x8x128xf32, #tpu.memory_space<vmem>>
    %dma_start3A_179 = tpu.memref_squeeze %dma_start3A_178 : memref<1x4x8x128xf32, #tpu.memory_space<vmem>> -> memref<4x8x128xf32, #tpu.memory_space<vmem>>
    %dma_start3A_180 = arith.constant 0 : i32
    %dma_start3A_181 = tpu.memref_slice %arg6[%dma_start3A_180] : memref<16xi32, #tpu.memory_space<vmem>> -> memref<4xi32, #tpu.memory_space<vmem>>
    %dma_start3A_182 = arith.constant 0 : i32
    %dma_start3A_183 = arith.constant 0 : i32
    %dma_start3A_184 = tpu.memref_slice %arg3[%dma_start3A_182, %dma_start3A_183, %multiple_of3A_173] : memref<4x8x1000000xf32, #tpu.memory_space<hbm>> -> memref<4x8x128xf32, #tpu.memory_space<hbm>>
    tpu.enqueue_indirect_dma source(%dma_start3A_184 : memref<4x8x128xf32, #tpu.memory_space<hbm>>) target(%dma_start3A_179 : memref<4x8x128xf32, #tpu.memory_space<vmem>>) offsets(%dma_start3A_181 : memref<4xi32, #tpu.memory_space<vmem>>) semaphore(%arg11 : memref<!tpu.dma_semaphore, #tpu.memory_space<semaphore_mem>>)
    %slice3A_185 = vector.extract_strided_slice %get3A_166 {offsets = [1], sizes = [1], strides = [1]} : vector<16xi32> to vector<1xi32>
    %squeeze3A_186 = vector.extract %slice3A_185[0] : i32 from vector<1xi32>
    %shift_right_arithmetic3A_187 = arith.constant 7 : i32
    %shift_right_arithmetic3A_188 = arith.shrsi %squeeze3A_186, %shift_right_arithmetic3A_187 : i32
    %shift_left3A_189 = arith.constant 7 : i32
    %shift_left3A_190 = arith.shli %shift_right_arithmetic3A_188, %shift_left3A_189 : i32
    %multiple_of3A_191 = tpu.assume_multiple %shift_left3A_190, 128 : i32
    %dma_start3A_192 = arith.constant 1 : i32
    %dma_start3A_193 = arith.constant 0 : i32
    %dma_start3A_194 = arith.constant 0 : i32
    %dma_start3A_195 = arith.constant 0 : i32
    %dma_start3A_196 = tpu.memref_slice %arg8[%dma_start3A_192, %dma_start3A_193, %dma_start3A_194, %dma_start3A_195] : memref<8x4x8x128xf32, #tpu.memory_space<vmem>> -> memref<1x4x8x128xf32, #tpu.memory_space<vmem>>
    %dma_start3A_197 = tpu.memref_squeeze %dma_start3A_196 : memref<1x4x8x128xf32, #tpu.memory_space<vmem>> -> memref<4x8x128xf32, #tpu.memory_space<vmem>>
    %dma_start3A_198 = arith.constant 0 : i32
    %dma_start3A_199 = tpu.memref_slice %arg6[%dma_start3A_198] : memref<16xi32, #tpu.memory_space<vmem>> -> memref<4xi32, #tpu.memory_space<vmem>>
    %dma_start3A_200 = arith.constant 0 : i32
    %dma_start3A_201 = arith.constant 0 : i32
    %dma_start3A_202 = tpu.memref_slice %arg3[%dma_start3A_200, %dma_start3A_201, %multiple_of3A_191] : memref<4x8x1000000xf32, #tpu.memory_space<hbm>> -> memref<4x8x128xf32, #tpu.memory_space<hbm>>
    tpu.enqueue_indirect_dma source(%dma_start3A_202 : memref<4x8x128xf32, #tpu.memory_space<hbm>>) target(%dma_start3A_197 : memref<4x8x128xf32, #tpu.memory_space<vmem>>) offsets(%dma_start3A_199 : memref<4xi32, #tpu.memory_space<vmem>>) semaphore(%arg11 : memref<!tpu.dma_semaphore, #tpu.memory_space<semaphore_mem>>)
    %slice3A_203 = vector.extract_strided_slice %get3A_166 {offsets = [2], sizes = [1], strides = [1]} : vector<16xi32> to vector<1xi32>
    %squeeze3A_204 = vector.extract %slice3A_203[0] : i32 from vector<1xi32>
    %shift_right_arithmetic3A_205 = arith.constant 7 : i32
    %shift_right_arithmetic3A_206 = arith.shrsi %squeeze3A_204, %shift_right_arithmetic3A_205 : i32
    %shift_left3A_207 = arith.constant 7 : i32
    %shift_left3A_208 = arith.shli %shift_right_arithmetic3A_206, %shift_left3A_207 : i32
    %multiple_of3A_209 = tpu.assume_multiple %shift_left3A_208, 128 : i32
    %dma_start3A_210 = arith.constant 2 : i32
    %dma_start3A_211 = arith.constant 0 : i32
    %dma_start3A_212 = arith.constant 0 : i32
    %dma_start3A_213 = arith.constant 0 : i32
    %dma_start3A_214 = tpu.memref_slice %arg8[%dma_start3A_210, %dma_start3A_211, %dma_start3A_212, %dma_start3A_213] : memref<8x4x8x128xf32, #tpu.memory_space<vmem>> -> memref<1x4x8x128xf32, #tpu.memory_space<vmem>>
    %dma_start3A_215 = tpu.memref_squeeze %dma_start3A_214 : memref<1x4x8x128xf32, #tpu.memory_space<vmem>> -> memref<4x8x128xf32, #tpu.memory_space<vmem>>
    %dma_start3A_216 = arith.constant 0 : i32
    %dma_start3A_217 = tpu.memref_slice %arg6[%dma_start3A_216] : memref<16xi32, #tpu.memory_space<vmem>> -> memref<4xi32, #tpu.memory_space<vmem>>
    %dma_start3A_218 = arith.constant 0 : i32
    %dma_start3A_219 = arith.constant 0 : i32
    %dma_start3A_220 = tpu.memref_slice %arg3[%dma_start3A_218, %dma_start3A_219, %multiple_of3A_209] : memref<4x8x1000000xf32, #tpu.memory_space<hbm>> -> memref<4x8x128xf32, #tpu.memory_space<hbm>>
    tpu.enqueue_indirect_dma source(%dma_start3A_220 : memref<4x8x128xf32, #tpu.memory_space<hbm>>) target(%dma_start3A_215 : memref<4x8x128xf32, #tpu.memory_space<vmem>>) offsets(%dma_start3A_217 : memref<4xi32, #tpu.memory_space<vmem>>) semaphore(%arg11 : memref<!tpu.dma_semaphore, #tpu.memory_space<semaphore_mem>>)
    %slice3A_221 = vector.extract_strided_slice %get3A_166 {offsets = [3], sizes = [1], strides = [1]} : vector<16xi32> to vector<1xi32>
    %squeeze3A_222 = vector.extract %slice3A_221[0] : i32 from vector<1xi32>
    %shift_right_arithmetic3A_223 = arith.constant 7 : i32
    %shift_right_arithmetic3A_224 = arith.shrsi %squeeze3A_222, %shift_right_arithmetic3A_223 : i32
    %shift_left3A_225 = arith.constant 7 : i32
    %shift_left3A_226 = arith.shli %shift_right_arithmetic3A_224, %shift_left3A_225 : i32
    %multiple_of3A_227 = tpu.assume_multiple %shift_left3A_226, 128 : i32
    %dma_start3A_228 = arith.constant 3 : i32
    %dma_start3A_229 = arith.constant 0 : i32
    %dma_start3A_230 = arith.constant 0 : i32
    %dma_start3A_231 = arith.constant 0 : i32
    %dma_start3A_232 = tpu.memref_slice %arg8[%dma_start3A_228, %dma_start3A_229, %dma_start3A_230, %dma_start3A_231] : memref<8x4x8x128xf32, #tpu.memory_space<vmem>> -> memref<1x4x8x128xf32, #tpu.memory_space<vmem>>
    %dma_start3A_233 = tpu.memref_squeeze %dma_start3A_232 : memref<1x4x8x128xf32, #tpu.memory_space<vmem>> -> memref<4x8x128xf32, #tpu.memory_space<vmem>>
    %dma_start3A_234 = arith.constant 0 : i32
    %dma_start3A_235 = tpu.memref_slice %arg6[%dma_start3A_234] : memref<16xi32, #tpu.memory_space<vmem>> -> memref<4xi32, #tpu.memory_space<vmem>>
    %dma_start3A_236 = arith.constant 0 : i32
    %dma_start3A_237 = arith.constant 0 : i32
    %dma_start3A_238 = tpu.memref_slice %arg3[%dma_start3A_236, %dma_start3A_237, %multiple_of3A_227] : memref<4x8x1000000xf32, #tpu.memory_space<hbm>> -> memref<4x8x128xf32, #tpu.memory_space<hbm>>
    tpu.enqueue_indirect_dma source(%dma_start3A_238 : memref<4x8x128xf32, #tpu.memory_space<hbm>>) target(%dma_start3A_233 : memref<4x8x128xf32, #tpu.memory_space<vmem>>) offsets(%dma_start3A_235 : memref<4xi32, #tpu.memory_space<vmem>>) semaphore(%arg11 : memref<!tpu.dma_semaphore, #tpu.memory_space<semaphore_mem>>)
    %slice3A_239 = vector.extract_strided_slice %get3A_166 {offsets = [4], sizes = [1], strides = [1]} : vector<16xi32> to vector<1xi32>
    %squeeze3A_240 = vector.extract %slice3A_239[0] : i32 from vector<1xi32>
    %shift_right_arithmetic3A_241 = arith.constant 7 : i32
    %shift_right_arithmetic3A_242 = arith.shrsi %squeeze3A_240, %shift_right_arithmetic3A_241 : i32
    %shift_left3A_243 = arith.constant 7 : i32
    %shift_left3A_244 = arith.shli %shift_right_arithmetic3A_242, %shift_left3A_243 : i32
    %multiple_of3A_245 = tpu.assume_multiple %shift_left3A_244, 128 : i32
    %dma_start3A_246 = arith.constant 4 : i32
    %dma_start3A_247 = arith.constant 0 : i32
    %dma_start3A_248 = arith.constant 0 : i32
    %dma_start3A_249 = arith.constant 0 : i32
    %dma_start3A_250 = tpu.memref_slice %arg8[%dma_start3A_246, %dma_start3A_247, %dma_start3A_248, %dma_start3A_249] : memref<8x4x8x128xf32, #tpu.memory_space<vmem>> -> memref<1x4x8x128xf32, #tpu.memory_space<vmem>>
    %dma_start3A_251 = tpu.memref_squeeze %dma_start3A_250 : memref<1x4x8x128xf32, #tpu.memory_space<vmem>> -> memref<4x8x128xf32, #tpu.memory_space<vmem>>
    %dma_start3A_252 = arith.constant 0 : i32
    %dma_start3A_253 = tpu.memref_slice %arg6[%dma_start3A_252] : memref<16xi32, #tpu.memory_space<vmem>> -> memref<4xi32, #tpu.memory_space<vmem>>
    %dma_start3A_254 = arith.constant 0 : i32
    %dma_start3A_255 = arith.constant 0 : i32
    %dma_start3A_256 = tpu.memref_slice %arg3[%dma_start3A_254, %dma_start3A_255, %multiple_of3A_245] : memref<4x8x1000000xf32, #tpu.memory_space<hbm>> -> memref<4x8x128xf32, #tpu.memory_space<hbm>>
    tpu.enqueue_indirect_dma source(%dma_start3A_256 : memref<4x8x128xf32, #tpu.memory_space<hbm>>) target(%dma_start3A_251 : memref<4x8x128xf32, #tpu.memory_space<vmem>>) offsets(%dma_start3A_253 : memref<4xi32, #tpu.memory_space<vmem>>) semaphore(%arg11 : memref<!tpu.dma_semaphore, #tpu.memory_space<semaphore_mem>>)
    %slice3A_257 = vector.extract_strided_slice %get3A_166 {offsets = [5], sizes = [1], strides = [1]} : vector<16xi32> to vector<1xi32>
    %squeeze3A_258 = vector.extract %slice3A_257[0] : i32 from vector<1xi32>
    %shift_right_arithmetic3A_259 = arith.constant 7 : i32
    %shift_right_arithmetic3A_260 = arith.shrsi %squeeze3A_258, %shift_right_arithmetic3A_259 : i32
    %shift_left3A_261 = arith.constant 7 : i32
    %shift_left3A_262 = arith.shli %shift_right_arithmetic3A_260, %shift_left3A_261 : i32
    %multiple_of3A_263 = tpu.assume_multiple %shift_left3A_262, 128 : i32
    %dma_start3A_264 = arith.constant 5 : i32
    %dma_start3A_265 = arith.constant 0 : i32
    %dma_start3A_266 = arith.constant 0 : i32
    %dma_start3A_267 = arith.constant 0 : i32
    %dma_start3A_268 = tpu.memref_slice %arg8[%dma_start3A_264, %dma_start3A_265, %dma_start3A_266, %dma_start3A_267] : memref<8x4x8x128xf32, #tpu.memory_space<vmem>> -> memref<1x4x8x128xf32, #tpu.memory_space<vmem>>
    %dma_start3A_269 = tpu.memref_squeeze %dma_start3A_268 : memref<1x4x8x128xf32, #tpu.memory_space<vmem>> -> memref<4x8x128xf32, #tpu.memory_space<vmem>>
    %dma_start3A_270 = arith.constant 0 : i32
    %dma_start3A_271 = tpu.memref_slice %arg6[%dma_start3A_270] : memref<16xi32, #tpu.memory_space<vmem>> -> memref<4xi32, #tpu.memory_space<vmem>>
    %dma_start3A_272 = arith.constant 0 : i32
    %dma_start3A_273 = arith.constant 0 : i32
    %dma_start3A_274 = tpu.memref_slice %arg3[%dma_start3A_272, %dma_start3A_273, %multiple_of3A_263] : memref<4x8x1000000xf32, #tpu.memory_space<hbm>> -> memref<4x8x128xf32, #tpu.memory_space<hbm>>
    tpu.enqueue_indirect_dma source(%dma_start3A_274 : memref<4x8x128xf32, #tpu.memory_space<hbm>>) target(%dma_start3A_269 : memref<4x8x128xf32, #tpu.memory_space<vmem>>) offsets(%dma_start3A_271 : memref<4xi32, #tpu.memory_space<vmem>>) semaphore(%arg11 : memref<!tpu.dma_semaphore, #tpu.memory_space<semaphore_mem>>)
    %slice3A_275 = vector.extract_strided_slice %get3A_166 {offsets = [6], sizes = [1], strides = [1]} : vector<16xi32> to vector<1xi32>
    %squeeze3A_276 = vector.extract %slice3A_275[0] : i32 from vector<1xi32>
    %shift_right_arithmetic3A_277 = arith.constant 7 : i32
    %shift_right_arithmetic3A_278 = arith.shrsi %squeeze3A_276, %shift_right_arithmetic3A_277 : i32
    %shift_left3A_279 = arith.constant 7 : i32
    %shift_left3A_280 = arith.shli %shift_right_arithmetic3A_278, %shift_left3A_279 : i32
    %multiple_of3A_281 = tpu.assume_multiple %shift_left3A_280, 128 : i32
    %dma_start3A_282 = arith.constant 6 : i32
    %dma_start3A_283 = arith.constant 0 : i32
    %dma_start3A_284 = arith.constant 0 : i32
    %dma_start3A_285 = arith.constant 0 : i32
    %dma_start3A_286 = tpu.memref_slice %arg8[%dma_start3A_282, %dma_start3A_283, %dma_start3A_284, %dma_start3A_285] : memref<8x4x8x128xf32, #tpu.memory_space<vmem>> -> memref<1x4x8x128xf32, #tpu.memory_space<vmem>>
    %dma_start3A_287 = tpu.memref_squeeze %dma_start3A_286 : memref<1x4x8x128xf32, #tpu.memory_space<vmem>> -> memref<4x8x128xf32, #tpu.memory_space<vmem>>
    %dma_start3A_288 = arith.constant 0 : i32
    %dma_start3A_289 = tpu.memref_slice %arg6[%dma_start3A_288] : memref<16xi32, #tpu.memory_space<vmem>> -> memref<4xi32, #tpu.memory_space<vmem>>
    %dma_start3A_290 = arith.constant 0 : i32
    %dma_start3A_291 = arith.constant 0 : i32
    %dma_start3A_292 = tpu.memref_slice %arg3[%dma_start3A_290, %dma_start3A_291, %multiple_of3A_281] : memref<4x8x1000000xf32, #tpu.memory_space<hbm>> -> memref<4x8x128xf32, #tpu.memory_space<hbm>>
    tpu.enqueue_indirect_dma source(%dma_start3A_292 : memref<4x8x128xf32, #tpu.memory_space<hbm>>) target(%dma_start3A_287 : memref<4x8x128xf32, #tpu.memory_space<vmem>>) offsets(%dma_start3A_289 : memref<4xi32, #tpu.memory_space<vmem>>) semaphore(%arg11 : memref<!tpu.dma_semaphore, #tpu.memory_space<semaphore_mem>>)
    %slice3A_293 = vector.extract_strided_slice %get3A_166 {offsets = [7], sizes = [1], strides = [1]} : vector<16xi32> to vector<1xi32>
    %squeeze3A_294 = vector.extract %slice3A_293[0] : i32 from vector<1xi32>
    %shift_right_arithmetic3A_295 = arith.constant 7 : i32
    %shift_right_arithmetic3A_296 = arith.shrsi %squeeze3A_294, %shift_right_arithmetic3A_295 : i32
    %shift_left3A_297 = arith.constant 7 : i32
    %shift_left3A_298 = arith.shli %shift_right_arithmetic3A_296, %shift_left3A_297 : i32
    %multiple_of3A_299 = tpu.assume_multiple %shift_left3A_298, 128 : i32
    %dma_start3A_300 = arith.constant 7 : i32
    %dma_start3A_301 = arith.constant 0 : i32
    %dma_start3A_302 = arith.constant 0 : i32
    %dma_start3A_303 = arith.constant 0 : i32
    %dma_start3A_304 = tpu.memref_slice %arg8[%dma_start3A_300, %dma_start3A_301, %dma_start3A_302, %dma_start3A_303] : memref<8x4x8x128xf32, #tpu.memory_space<vmem>> -> memref<1x4x8x128xf32, #tpu.memory_space<vmem>>
    %dma_start3A_305 = tpu.memref_squeeze %dma_start3A_304 : memref<1x4x8x128xf32, #tpu.memory_space<vmem>> -> memref<4x8x128xf32, #tpu.memory_space<vmem>>
    %dma_start3A_306 = arith.constant 0 : i32
    %dma_start3A_307 = tpu.memref_slice %arg6[%dma_start3A_306] : memref<16xi32, #tpu.memory_space<vmem>> -> memref<4xi32, #tpu.memory_space<vmem>>
    %dma_start3A_308 = arith.constant 0 : i32
    %dma_start3A_309 = arith.constant 0 : i32
    %dma_start3A_310 = tpu.memref_slice %arg3[%dma_start3A_308, %dma_start3A_309, %multiple_of3A_299] : memref<4x8x1000000xf32, #tpu.memory_space<hbm>> -> memref<4x8x128xf32, #tpu.memory_space<hbm>>
    tpu.enqueue_indirect_dma source(%dma_start3A_310 : memref<4x8x128xf32, #tpu.memory_space<hbm>>) target(%dma_start3A_305 : memref<4x8x128xf32, #tpu.memory_space<vmem>>) offsets(%dma_start3A_307 : memref<4xi32, #tpu.memory_space<vmem>>) semaphore(%arg11 : memref<!tpu.dma_semaphore, #tpu.memory_space<semaphore_mem>>)
    %dma_wait3A = arith.constant 0 : i32
    %dma_wait3A_311 = arith.constant 0 : i32
    %dma_wait3A_312 = tpu.memref_slice %arg4[%dma_wait3A, %dma_wait3A_311] : memref<32x16384xf32, #tpu.memory_space<hbm>> -> memref<32x512xf32, #tpu.memory_space<hbm>>
    %dma_wait3A_313 = arith.constant 0 : i32
    %dma_wait3A_314 = arith.constant 0 : i32
    %dma_wait3A_315 = tpu.memref_slice %arg4[%dma_wait3A_313, %dma_wait3A_314] : memref<32x16384xf32, #tpu.memory_space<hbm>> -> memref<32x512xf32, #tpu.memory_space<hbm>>
    tpu.wait_dma2 semaphore(%arg10 : memref<!tpu.dma_semaphore, #tpu.memory_space<semaphore_mem>>) src(%dma_wait3A_315 : memref<32x512xf32, #tpu.memory_space<hbm>>) dst(%arg9 : memref<32x512xf32, #tpu.memory_space<vmem>>)
    %dma_wait3A_316 = arith.constant 0 : i32
    %dma_wait3A_317 = arith.constant 0 : i32
    %dma_wait3A_318 = tpu.memref_slice %arg4[%dma_wait3A_316, %dma_wait3A_317] : memref<32x16384xf32, #tpu.memory_space<hbm>> -> memref<32x512xf32, #tpu.memory_space<hbm>>
    %dma_wait3A_319 = arith.constant 0 : i32
    %dma_wait3A_320 = arith.constant 0 : i32
    %dma_wait3A_321 = tpu.memref_slice %arg4[%dma_wait3A_319, %dma_wait3A_320] : memref<32x16384xf32, #tpu.memory_space<hbm>> -> memref<32x512xf32, #tpu.memory_space<hbm>>
    tpu.wait_dma2 semaphore(%arg10 : memref<!tpu.dma_semaphore, #tpu.memory_space<semaphore_mem>>) src(%dma_wait3A_321 : memref<32x512xf32, #tpu.memory_space<hbm>>) dst(%arg9 : memref<32x512xf32, #tpu.memory_space<vmem>>)
    %get3A_322 = arith.constant 496 : index
    %get3A_323 = tpu.vector_load %arg5[%get3A_322] {strides = array<i32>} : memref<528xi32, #tpu.memory_space<vmem>>, vector<16xi32>,
    %slice3A_324 = vector.extract_strided_slice %get3A_323 {offsets = [0], sizes = [1], strides = [1]} : vector<16xi32> to vector<1xi32>
    %squeeze3A_325 = vector.extract %slice3A_324[0] : i32 from vector<1xi32>
    %and3A_326 = arith.constant 127 : i32
    %and3A_327 = arith.andi %squeeze3A_325, %and3A_326 : i32
    %broadcast_in_dim3A = vector.broadcast %and3A_327 : i32 to vector<16xi32>
    %broadcast_in_dim3A_328 = arith.constant 496 : i32
    %broadcast_in_dim3A_329 = vector.broadcast %broadcast_in_dim3A_328 : i32 to vector<16xi32>
    %gather3A = arith.constant 0 : i32
    %gather3A_330 = arith.constant 0 : i32
    %gather3A_331 = arith.constant 0 : i32
    %gather3A_332 = arith.constant 0 : i32
    %gather3A_333 = tpu.memref_slice %arg7[%gather3A, %gather3A_330, %gather3A_331, %gather3A_332] : memref<8x4x8x128xf32, #tpu.memory_space<vmem>> -> memref<1x4x8x128xf32, #tpu.memory_space<vmem>>
    %gather3A_334 = tpu.memref_squeeze %gather3A_333 : memref<1x4x8x128xf32, #tpu.memory_space<vmem>> -> memref<4x8x128xf32, #tpu.memory_space<vmem>>
    %gather3A_335 = tpu.vector_load_idx %gather3A_334[%shift_right_arithmetic3A_8, %and3A_10, %broadcast_in_dim3A] : memref<4x8x128xf32, #tpu.memory_space<vmem>>[vector<16xi32>, vector<16xi32>, vector<16xi32>], vector<16xf32>,
    tpu.vector_store_idx %arg9[%add3A_6, %broadcast_in_dim3A_329], %gather3A_335 : memref<32x512xf32, #tpu.memory_space<vmem>>[vector<16xi32>, vector<16xi32>], vector<16xf32>,
    %gather3A_336 = arith.constant 0 : i32
    %gather3A_337 = arith.constant 0 : i32
    %gather3A_338 = arith.constant 0 : i32
    %gather3A_339 = arith.constant 0 : i32
    %gather3A_340 = tpu.memref_slice %arg7[%gather3A_336, %gather3A_337, %gather3A_338, %gather3A_339] : memref<8x4x8x128xf32, #tpu.memory_space<vmem>> -> memref<1x4x8x128xf32, #tpu.memory_space<vmem>>
    %gather3A_341 = tpu.memref_squeeze %gather3A_340 : memref<1x4x8x128xf32, #tpu.memory_space<vmem>> -> memref<4x8x128xf32, #tpu.memory_space<vmem>>
    %gather3A_342 = tpu.vector_load_idx %gather3A_341[%shift_right_arithmetic3A_16, %and3A_19, %broadcast_in_dim3A] : memref<4x8x128xf32, #tpu.memory_space<vmem>>[vector<16xi32>, vector<16xi32>, vector<16xi32>], vector<16xf32>,
    tpu.vector_store_idx %arg9[%add3A_13, %broadcast_in_dim3A_329], %gather3A_342 : memref<32x512xf32, #tpu.memory_space<vmem>>[vector<16xi32>, vector<16xi32>], vector<16xf32>,
    %slice3A_343 = vector.extract_strided_slice %get3A_323 {offsets = [1], sizes = [1], strides = [1]} : vector<16xi32> to vector<1xi32>
    %squeeze3A_344 = vector.extract %slice3A_343[0] : i32 from vector<1xi32>
    %and3A_345 = arith.constant 127 : i32
    %and3A_346 = arith.andi %squeeze3A_344, %and3A_345 : i32
    %broadcast_in_dim3A_347 = vector.broadcast %and3A_346 : i32 to vector<16xi32>
    %broadcast_in_dim3A_348 = arith.constant 497 : i32
    %broadcast_in_dim3A_349 = vector.broadcast %broadcast_in_dim3A_348 : i32 to vector<16xi32>
    %gather3A_350 = arith.constant 1 : i32
    %gather3A_351 = arith.constant 0 : i32
    %gather3A_352 = arith.constant 0 : i32
    %gather3A_353 = arith.constant 0 : i32
    %gather3A_354 = tpu.memref_slice %arg7[%gather3A_350, %gather3A_351, %gather3A_352, %gather3A_353] : memref<8x4x8x128xf32, #tpu.memory_space<vmem>> -> memref<1x4x8x128xf32, #tpu.memory_space<vmem>>
    %gather3A_355 = tpu.memref_squeeze %gather3A_354 : memref<1x4x8x128xf32, #tpu.memory_space<vmem>> -> memref<4x8x128xf32, #tpu.memory_space<vmem>>
    %gather3A_356 = tpu.vector_load_idx %gather3A_355[%shift_right_arithmetic3A_8, %and3A_10, %broadcast_in_dim3A_347] : memref<4x8x128xf32, #tpu.memory_space<vmem>>[vector<16xi32>, vector<16xi32>, vector<16xi32>], vector<16xf32>,
    tpu.vector_store_idx %arg9[%add3A_6, %broadcast_in_dim3A_349], %gather3A_356 : memref<32x512xf32, #tpu.memory_space<vmem>>[vector<16xi32>, vector<16xi32>], vector<16xf32>,
    %gather3A_357 = arith.constant 1 : i32
    %gather3A_358 = arith.constant 0 : i32
    %gather3A_359 = arith.constant 0 : i32
    %gather3A_360 = arith.constant 0 : i32
    %gather3A_361 = tpu.memref_slice %arg7[%gather3A_357, %gather3A_358, %gather3A_359, %gather3A_360] : memref<8x4x8x128xf32, #tpu.memory_space<vmem>> -> memref<1x4x8x128xf32, #tpu.memory_space<vmem>>
    %gather3A_362 = tpu.memref_squeeze %gather3A_361 : memref<1x4x8x128xf32, #tpu.memory_space<vmem>> -> memref<4x8x128xf32, #tpu.memory_space<vmem>>
    %gather3A_363 = tpu.vector_load_idx %gather3A_362[%shift_right_arithmetic3A_16, %and3A_19, %broadcast_in_dim3A_347] : memref<4x8x128xf32, #tpu.memory_space<vmem>>[vector<16xi32>, vector<16xi32>, vector<16xi32>], vector<16xf32>,
    tpu.vector_store_idx %arg9[%add3A_13, %broadcast_in_dim3A_349], %gather3A_363 : memref<32x512xf32, #tpu.memory_space<vmem>>[vector<16xi32>, vector<16xi32>], vector<16xf32>,
    %slice3A_364 = vector.extract_strided_slice %get3A_323 {offsets = [2], sizes = [1], strides = [1]} : vector<16xi32> to vector<1xi32>
    %squeeze3A_365 = vector.extract %slice3A_364[0] : i32 from vector<1xi32>
    %and3A_366 = arith.constant 127 : i32
    %and3A_367 = arith.andi %squeeze3A_365, %and3A_366 : i32
    %broadcast_in_dim3A_368 = vector.broadcast %and3A_367 : i32 to vector<16xi32>
    %broadcast_in_dim3A_369 = arith.constant 498 : i32
    %broadcast_in_dim3A_370 = vector.broadcast %broadcast_in_dim3A_369 : i32 to vector<16xi32>
    %gather3A_371 = arith.constant 2 : i32
    %gather3A_372 = arith.constant 0 : i32
    %gather3A_373 = arith.constant 0 : i32
    %gather3A_374 = arith.constant 0 : i32
    %gather3A_375 = tpu.memref_slice %arg7[%gather3A_371, %gather3A_372, %gather3A_373, %gather3A_374] : memref<8x4x8x128xf32, #tpu.memory_space<vmem>> -> memref<1x4x8x128xf32, #tpu.memory_space<vmem>>
    %gather3A_376 = tpu.memref_squeeze %gather3A_375 : memref<1x4x8x128xf32, #tpu.memory_space<vmem>> -> memref<4x8x128xf32, #tpu.memory_space<vmem>>
    %gather3A_377 = tpu.vector_load_idx %gather3A_376[%shift_right_arithmetic3A_8, %and3A_10, %broadcast_in_dim3A_368] : memref<4x8x128xf32, #tpu.memory_space<vmem>>[vector<16xi32>, vector<16xi32>, vector<16xi32>], vector<16xf32>,
    tpu.vector_store_idx %arg9[%add3A_6, %broadcast_in_dim3A_370], %gather3A_377 : memref<32x512xf32, #tpu.memory_space<vmem>>[vector<16xi32>, vector<16xi32>], vector<16xf32>,
    %gather3A_378 = arith.constant 2 : i32
    %gather3A_379 = arith.constant 0 : i32
    %gather3A_380 = arith.constant 0 : i32
    %gather3A_381 = arith.constant 0 : i32
    %gather3A_382 = tpu.memref_slice %arg7[%gather3A_378, %gather3A_379, %gather3A_380, %gather3A_381] : memref<8x4x8x128xf32, #tpu.memory_space<vmem>> -> memref<1x4x8x128xf32, #tpu.memory_space<vmem>>
    %gather3A_383 = tpu.memref_squeeze %gather3A_382 : memref<1x4x8x128xf32, #tpu.memory_space<vmem>> -> memref<4x8x128xf32, #tpu.memory_space<vmem>>
    %gather3A_384 = tpu.vector_load_idx %gather3A_383[%shift_right_arithmetic3A_16, %and3A_19, %broadcast_in_dim3A_368] : memref<4x8x128xf32, #tpu.memory_space<vmem>>[vector<16xi32>, vector<16xi32>, vector<16xi32>], vector<16xf32>,
    tpu.vector_store_idx %arg9[%add3A_13, %broadcast_in_dim3A_370], %gather3A_384 : memref<32x512xf32, #tpu.memory_space<vmem>>[vector<16xi32>, vector<16xi32>], vector<16xf32>,
    %slice3A_385 = vector.extract_strided_slice %get3A_323 {offsets = [3], sizes = [1], strides = [1]} : vector<16xi32> to vector<1xi32>
    %squeeze3A_386 = vector.extract %slice3A_385[0] : i32 from vector<1xi32>
    %and3A_387 = arith.constant 127 : i32
    %and3A_388 = arith.andi %squeeze3A_386, %and3A_387 : i32
    %broadcast_in_dim3A_389 = vector.broadcast %and3A_388 : i32 to vector<16xi32>
    %broadcast_in_dim3A_390 = arith.constant 499 : i32
    %broadcast_in_dim3A_391 = vector.broadcast %broadcast_in_dim3A_390 : i32 to vector<16xi32>
    %gather3A_392 = arith.constant 3 : i32
    %gather3A_393 = arith.constant 0 : i32
    %gather3A_394 = arith.constant 0 : i32
    %gather3A_395 = arith.constant 0 : i32
    %gather3A_396 = tpu.memref_slice %arg7[%gather3A_392, %gather3A_393, %gather3A_394, %gather3A_395] : memref<8x4x8x128xf32, #tpu.memory_space<vmem>> -> memref<1x4x8x128xf32, #tpu.memory_space<vmem>>
    %gather3A_397 = tpu.memref_squeeze %gather3A_396 : memref<1x4x8x128xf32, #tpu.memory_space<vmem>> -> memref<4x8x128xf32, #tpu.memory_space<vmem>>
    %gather3A_398 = tpu.vector_load_idx %gather3A_397[%shift_right_arithmetic3A_8, %and3A_10, %broadcast_in_dim3A_389] : memref<4x8x128xf32, #tpu.memory_space<vmem>>[vector<16xi32>, vector<16xi32>, vector<16xi32>], vector<16xf32>,
    tpu.vector_store_idx %arg9[%add3A_6, %broadcast_in_dim3A_391], %gather3A_398 : memref<32x512xf32, #tpu.memory_space<vmem>>[vector<16xi32>, vector<16xi32>], vector<16xf32>,
    %gather3A_399 = arith.constant 3 : i32
    %gather3A_400 = arith.constant 0 : i32
    %gather3A_401 = arith.constant 0 : i32
    %gather3A_402 = arith.constant 0 : i32
    %gather3A_403 = tpu.memref_slice %arg7[%gather3A_399, %gather3A_400, %gather3A_401, %gather3A_402] : memref<8x4x8x128xf32, #tpu.memory_space<vmem>> -> memref<1x4x8x128xf32, #tpu.memory_space<vmem>>
    %gather3A_404 = tpu.memref_squeeze %gather3A_403 : memref<1x4x8x128xf32, #tpu.memory_space<vmem>> -> memref<4x8x128xf32, #tpu.memory_space<vmem>>
    %gather3A_405 = tpu.vector_load_idx %gather3A_404[%shift_right_arithmetic3A_16, %and3A_19, %broadcast_in_dim3A_389] : memref<4x8x128xf32, #tpu.memory_space<vmem>>[vector<16xi32>, vector<16xi32>, vector<16xi32>], vector<16xf32>,
    tpu.vector_store_idx %arg9[%add3A_13, %broadcast_in_dim3A_391], %gather3A_405 : memref<32x512xf32, #tpu.memory_space<vmem>>[vector<16xi32>, vector<16xi32>], vector<16xf32>,
    %slice3A_406 = vector.extract_strided_slice %get3A_323 {offsets = [4], sizes = [1], strides = [1]} : vector<16xi32> to vector<1xi32>
    %squeeze3A_407 = vector.extract %slice3A_406[0] : i32 from vector<1xi32>
    %and3A_408 = arith.constant 127 : i32
    %and3A_409 = arith.andi %squeeze3A_407, %and3A_408 : i32
    %broadcast_in_dim3A_410 = vector.broadcast %and3A_409 : i32 to vector<16xi32>
    %broadcast_in_dim3A_411 = arith.constant 500 : i32
    %broadcast_in_dim3A_412 = vector.broadcast %broadcast_in_dim3A_411 : i32 to vector<16xi32>
    %gather3A_413 = arith.constant 4 : i32
    %gather3A_414 = arith.constant 0 : i32
    %gather3A_415 = arith.constant 0 : i32
    %gather3A_416 = arith.constant 0 : i32
    %gather3A_417 = tpu.memref_slice %arg7[%gather3A_413, %gather3A_414, %gather3A_415, %gather3A_416] : memref<8x4x8x128xf32, #tpu.memory_space<vmem>> -> memref<1x4x8x128xf32, #tpu.memory_space<vmem>>
    %gather3A_418 = tpu.memref_squeeze %gather3A_417 : memref<1x4x8x128xf32, #tpu.memory_space<vmem>> -> memref<4x8x128xf32, #tpu.memory_space<vmem>>
    %gather3A_419 = tpu.vector_load_idx %gather3A_418[%shift_right_arithmetic3A_8, %and3A_10, %broadcast_in_dim3A_410] : memref<4x8x128xf32, #tpu.memory_space<vmem>>[vector<16xi32>, vector<16xi32>, vector<16xi32>], vector<16xf32>,
    tpu.vector_store_idx %arg9[%add3A_6, %broadcast_in_dim3A_412], %gather3A_419 : memref<32x512xf32, #tpu.memory_space<vmem>>[vector<16xi32>, vector<16xi32>], vector<16xf32>,
    %gather3A_420 = arith.constant 4 : i32
    %gather3A_421 = arith.constant 0 : i32
    %gather3A_422 = arith.constant 0 : i32
    %gather3A_423 = arith.constant 0 : i32
    %gather3A_424 = tpu.memref_slice %arg7[%gather3A_420, %gather3A_421, %gather3A_422, %gather3A_423] : memref<8x4x8x128xf32, #tpu.memory_space<vmem>> -> memref<1x4x8x128xf32, #tpu.memory_space<vmem>>
    %gather3A_425 = tpu.memref_squeeze %gather3A_424 : memref<1x4x8x128xf32, #tpu.memory_space<vmem>> -> memref<4x8x128xf32, #tpu.memory_space<vmem>>
    %gather3A_426 = tpu.vector_load_idx %gather3A_425[%shift_right_arithmetic3A_16, %and3A_19, %broadcast_in_dim3A_410] : memref<4x8x128xf32, #tpu.memory_space<vmem>>[vector<16xi32>, vector<16xi32>, vector<16xi32>], vector<16xf32>,
    tpu.vector_store_idx %arg9[%add3A_13, %broadcast_in_dim3A_412], %gather3A_426 : memref<32x512xf32, #tpu.memory_space<vmem>>[vector<16xi32>, vector<16xi32>], vector<16xf32>,
    %slice3A_427 = vector.extract_strided_slice %get3A_323 {offsets = [5], sizes = [1], strides = [1]} : vector<16xi32> to vector<1xi32>
    %squeeze3A_428 = vector.extract %slice3A_427[0] : i32 from vector<1xi32>
    %and3A_429 = arith.constant 127 : i32
    %and3A_430 = arith.andi %squeeze3A_428, %and3A_429 : i32
    %broadcast_in_dim3A_431 = vector.broadcast %and3A_430 : i32 to vector<16xi32>
    %broadcast_in_dim3A_432 = arith.constant 501 : i32
    %broadcast_in_dim3A_433 = vector.broadcast %broadcast_in_dim3A_432 : i32 to vector<16xi32>
    %gather3A_434 = arith.constant 5 : i32
    %gather3A_435 = arith.constant 0 : i32
    %gather3A_436 = arith.constant 0 : i32
    %gather3A_437 = arith.constant 0 : i32
    %gather3A_438 = tpu.memref_slice %arg7[%gather3A_434, %gather3A_435, %gather3A_436, %gather3A_437] : memref<8x4x8x128xf32, #tpu.memory_space<vmem>> -> memref<1x4x8x128xf32, #tpu.memory_space<vmem>>
    %gather3A_439 = tpu.memref_squeeze %gather3A_438 : memref<1x4x8x128xf32, #tpu.memory_space<vmem>> -> memref<4x8x128xf32, #tpu.memory_space<vmem>>
    %gather3A_440 = tpu.vector_load_idx %gather3A_439[%shift_right_arithmetic3A_8, %and3A_10, %broadcast_in_dim3A_431] : memref<4x8x128xf32, #tpu.memory_space<vmem>>[vector<16xi32>, vector<16xi32>, vector<16xi32>], vector<16xf32>,
    tpu.vector_store_idx %arg9[%add3A_6, %broadcast_in_dim3A_433], %gather3A_440 : memref<32x512xf32, #tpu.memory_space<vmem>>[vector<16xi32>, vector<16xi32>], vector<16xf32>,
    %gather3A_441 = arith.constant 5 : i32
    %gather3A_442 = arith.constant 0 : i32
    %gather3A_443 = arith.constant 0 : i32
    %gather3A_444 = arith.constant 0 : i32
    %gather3A_445 = tpu.memref_slice %arg7[%gather3A_441, %gather3A_442, %gather3A_443, %gather3A_444] : memref<8x4x8x128xf32, #tpu.memory_space<vmem>> -> memref<1x4x8x128xf32, #tpu.memory_space<vmem>>
    %gather3A_446 = tpu.memref_squeeze %gather3A_445 : memref<1x4x8x128xf32, #tpu.memory_space<vmem>> -> memref<4x8x128xf32, #tpu.memory_space<vmem>>
    %gather3A_447 = tpu.vector_load_idx %gather3A_446[%shift_right_arithmetic3A_16, %and3A_19, %broadcast_in_dim3A_431] : memref<4x8x128xf32, #tpu.memory_space<vmem>>[vector<16xi32>, vector<16xi32>, vector<16xi32>], vector<16xf32>,
    tpu.vector_store_idx %arg9[%add3A_13, %broadcast_in_dim3A_433], %gather3A_447 : memref<32x512xf32, #tpu.memory_space<vmem>>[vector<16xi32>, vector<16xi32>], vector<16xf32>,
    %slice3A_448 = vector.extract_strided_slice %get3A_323 {offsets = [6], sizes = [1], strides = [1]} : vector<16xi32> to vector<1xi32>
    %squeeze3A_449 = vector.extract %slice3A_448[0] : i32 from vector<1xi32>
    %and3A_450 = arith.constant 127 : i32
    %and3A_451 = arith.andi %squeeze3A_449, %and3A_450 : i32
    %broadcast_in_dim3A_452 = vector.broadcast %and3A_451 : i32 to vector<16xi32>
    %broadcast_in_dim3A_453 = arith.constant 502 : i32
    %broadcast_in_dim3A_454 = vector.broadcast %broadcast_in_dim3A_453 : i32 to vector<16xi32>
    %gather3A_455 = arith.constant 6 : i32
    %gather3A_456 = arith.constant 0 : i32
    %gather3A_457 = arith.constant 0 : i32
    %gather3A_458 = arith.constant 0 : i32
    %gather3A_459 = tpu.memref_slice %arg7[%gather3A_455, %gather3A_456, %gather3A_457, %gather3A_458] : memref<8x4x8x128xf32, #tpu.memory_space<vmem>> -> memref<1x4x8x128xf32, #tpu.memory_space<vmem>>
    %gather3A_460 = tpu.memref_squeeze %gather3A_459 : memref<1x4x8x128xf32, #tpu.memory_space<vmem>> -> memref<4x8x128xf32, #tpu.memory_space<vmem>>
    %gather3A_461 = tpu.vector_load_idx %gather3A_460[%shift_right_arithmetic3A_8, %and3A_10, %broadcast_in_dim3A_452] : memref<4x8x128xf32, #tpu.memory_space<vmem>>[vector<16xi32>, vector<16xi32>, vector<16xi32>], vector<16xf32>,
    tpu.vector_store_idx %arg9[%add3A_6, %broadcast_in_dim3A_454], %gather3A_461 : memref<32x512xf32, #tpu.memory_space<vmem>>[vector<16xi32>, vector<16xi32>], vector<16xf32>,
    %gather3A_462 = arith.constant 6 : i32
    %gather3A_463 = arith.constant 0 : i32
    %gather3A_464 = arith.constant 0 : i32
    %gather3A_465 = arith.constant 0 : i32
    %gather3A_466 = tpu.memref_slice %arg7[%gather3A_462, %gather3A_463, %gather3A_464, %gather3A_465] : memref<8x4x8x128xf32, #tpu.memory_space<vmem>> -> memref<1x4x8x128xf32, #tpu.memory_space<vmem>>
    %gather3A_467 = tpu.memref_squeeze %gather3A_466 : memref<1x4x8x128xf32, #tpu.memory_space<vmem>> -> memref<4x8x128xf32, #tpu.memory_space<vmem>>
    %gather3A_468 = tpu.vector_load_idx %gather3A_467[%shift_right_arithmetic3A_16, %and3A_19, %broadcast_in_dim3A_452] : memref<4x8x128xf32, #tpu.memory_space<vmem>>[vector<16xi32>, vector<16xi32>, vector<16xi32>], vector<16xf32>,
    tpu.vector_store_idx %arg9[%add3A_13, %broadcast_in_dim3A_454], %gather3A_468 : memref<32x512xf32, #tpu.memory_space<vmem>>[vector<16xi32>, vector<16xi32>], vector<16xf32>,
    %slice3A_469 = vector.extract_strided_slice %get3A_323 {offsets = [7], sizes = [1], strides = [1]} : vector<16xi32> to vector<1xi32>
    %squeeze3A_470 = vector.extract %slice3A_469[0] : i32 from vector<1xi32>
    %and3A_471 = arith.constant 127 : i32
    %and3A_472 = arith.andi %squeeze3A_470, %and3A_471 : i32
    %broadcast_in_dim3A_473 = vector.broadcast %and3A_472 : i32 to vector<16xi32>
    %broadcast_in_dim3A_474 = arith.constant 503 : i32
    %broadcast_in_dim3A_475 = vector.broadcast %broadcast_in_dim3A_474 : i32 to vector<16xi32>
    %gather3A_476 = arith.constant 7 : i32
    %gather3A_477 = arith.constant 0 : i32
    %gather3A_478 = arith.constant 0 : i32
    %gather3A_479 = arith.constant 0 : i32
    %gather3A_480 = tpu.memref_slice %arg7[%gather3A_476, %gather3A_477, %gather3A_478, %gather3A_479] : memref<8x4x8x128xf32, #tpu.memory_space<vmem>> -> memref<1x4x8x128xf32, #tpu.memory_space<vmem>>
    %gather3A_481 = tpu.memref_squeeze %gather3A_480 : memref<1x4x8x128xf32, #tpu.memory_space<vmem>> -> memref<4x8x128xf32, #tpu.memory_space<vmem>>
    %gather3A_482 = tpu.vector_load_idx %gather3A_481[%shift_right_arithmetic3A_8, %and3A_10, %broadcast_in_dim3A_473] : memref<4x8x128xf32, #tpu.memory_space<vmem>>[vector<16xi32>, vector<16xi32>, vector<16xi32>], vector<16xf32>,
    tpu.vector_store_idx %arg9[%add3A_6, %broadcast_in_dim3A_475], %gather3A_482 : memref<32x512xf32, #tpu.memory_space<vmem>>[vector<16xi32>, vector<16xi32>], vector<16xf32>,
    %gather3A_483 = arith.constant 7 : i32
    %gather3A_484 = arith.constant 0 : i32
    %gather3A_485 = arith.constant 0 : i32
    %gather3A_486 = arith.constant 0 : i32
    %gather3A_487 = tpu.memref_slice %arg7[%gather3A_483, %gather3A_484, %gather3A_485, %gather3A_486] : memref<8x4x8x128xf32, #tpu.memory_space<vmem>> -> memref<1x4x8x128xf32, #tpu.memory_space<vmem>>
    %gather3A_488 = tpu.memref_squeeze %gather3A_487 : memref<1x4x8x128xf32, #tpu.memory_space<vmem>> -> memref<4x8x128xf32, #tpu.memory_space<vmem>>
    %gather3A_489 = tpu.vector_load_idx %gather3A_488[%shift_right_arithmetic3A_16, %and3A_19, %broadcast_in_dim3A_473] : memref<4x8x128xf32, #tpu.memory_space<vmem>>[vector<16xi32>, vector<16xi32>, vector<16xi32>], vector<16xf32>,
    tpu.vector_store_idx %arg9[%add3A_13, %broadcast_in_dim3A_475], %gather3A_489 : memref<32x512xf32, #tpu.memory_space<vmem>>[vector<16xi32>, vector<16xi32>], vector<16xf32>,
    %dma_wait3A_490 = arith.constant 0 : i32
    %dma_wait3A_491 = arith.constant 0 : i32
    %dma_wait3A_492 = tpu.memref_slice %arg4[%dma_wait3A_490, %dma_wait3A_491] : memref<32x16384xf32, #tpu.memory_space<hbm>> -> memref<32x512xf32, #tpu.memory_space<hbm>>
    %dma_wait3A_493 = arith.constant 0 : i32
    %dma_wait3A_494 = arith.constant 0 : i32
    %dma_wait3A_495 = tpu.memref_slice %arg4[%dma_wait3A_493, %dma_wait3A_494] : memref<32x16384xf32, #tpu.memory_space<hbm>> -> memref<32x512xf32, #tpu.memory_space<hbm>>
    tpu.wait_dma2 semaphore(%arg11 : memref<!tpu.dma_semaphore, #tpu.memory_space<semaphore_mem>>) src(%dma_wait3A_495 : memref<32x512xf32, #tpu.memory_space<hbm>>) dst(%arg9 : memref<32x512xf32, #tpu.memory_space<vmem>>)
    %dma_wait3A_496 = arith.constant 0 : i32
    %dma_wait3A_497 = arith.constant 0 : i32
    %dma_wait3A_498 = tpu.memref_slice %arg4[%dma_wait3A_496, %dma_wait3A_497] : memref<32x16384xf32, #tpu.memory_space<hbm>> -> memref<32x512xf32, #tpu.memory_space<hbm>>
    %dma_wait3A_499 = arith.constant 0 : i32
    %dma_wait3A_500 = arith.constant 0 : i32
    %dma_wait3A_501 = tpu.memref_slice %arg4[%dma_wait3A_499, %dma_wait3A_500] : memref<32x16384xf32, #tpu.memory_space<hbm>> -> memref<32x512xf32, #tpu.memory_space<hbm>>
    tpu.wait_dma2 semaphore(%arg11 : memref<!tpu.dma_semaphore, #tpu.memory_space<semaphore_mem>>) src(%dma_wait3A_501 : memref<32x512xf32, #tpu.memory_space<hbm>>) dst(%arg9 : memref<32x512xf32, #tpu.memory_space<vmem>>)
    %get3A_502 = arith.constant 504 : index
    %get3A_503 = tpu.vector_load %arg5[%get3A_502] {strides = array<i32>} : memref<528xi32, #tpu.memory_space<vmem>>, vector<16xi32>,
    %slice3A_504 = vector.extract_strided_slice %get3A_503 {offsets = [0], sizes = [1], strides = [1]} : vector<16xi32> to vector<1xi32>
    %squeeze3A_505 = vector.extract %slice3A_504[0] : i32 from vector<1xi32>
    %and3A_506 = arith.constant 127 : i32
    %and3A_507 = arith.andi %squeeze3A_505, %and3A_506 : i32
    %broadcast_in_dim3A_508 = vector.broadcast %and3A_507 : i32 to vector<16xi32>
    %broadcast_in_dim3A_509 = arith.constant 504 : i32
    %broadcast_in_dim3A_510 = vector.broadcast %broadcast_in_dim3A_509 : i32 to vector<16xi32>
    %gather3A_511 = arith.constant 0 : i32
    %gather3A_512 = arith.constant 0 : i32
    %gather3A_513 = arith.constant 0 : i32
    %gather3A_514 = arith.constant 0 : i32
    %gather3A_515 = tpu.memref_slice %arg8[%gather3A_511, %gather3A_512, %gather3A_513, %gather3A_514] : memref<8x4x8x128xf32, #tpu.memory_space<vmem>> -> memref<1x4x8x128xf32, #tpu.memory_space<vmem>>
    %gather3A_516 = tpu.memref_squeeze %gather3A_515 : memref<1x4x8x128xf32, #tpu.memory_space<vmem>> -> memref<4x8x128xf32, #tpu.memory_space<vmem>>
    %gather3A_517 = tpu.vector_load_idx %gather3A_516[%shift_right_arithmetic3A_8, %and3A_10, %broadcast_in_dim3A_508] : memref<4x8x128xf32, #tpu.memory_space<vmem>>[vector<16xi32>, vector<16xi32>, vector<16xi32>], vector<16xf32>,
    tpu.vector_store_idx %arg9[%add3A_6, %broadcast_in_dim3A_510], %gather3A_517 : memref<32x512xf32, #tpu.memory_space<vmem>>[vector<16xi32>, vector<16xi32>], vector<16xf32>,
    %gather3A_518 = arith.constant 0 : i32
    %gather3A_519 = arith.constant 0 : i32
    %gather3A_520 = arith.constant 0 : i32
    %gather3A_521 = arith.constant 0 : i32
    %gather3A_522 = tpu.memref_slice %arg8[%gather3A_518, %gather3A_519, %gather3A_520, %gather3A_521] : memref<8x4x8x128xf32, #tpu.memory_space<vmem>> -> memref<1x4x8x128xf32, #tpu.memory_space<vmem>>
    %gather3A_523 = tpu.memref_squeeze %gather3A_522 : memref<1x4x8x128xf32, #tpu.memory_space<vmem>> -> memref<4x8x128xf32, #tpu.memory_space<vmem>>
    %gather3A_524 = tpu.vector_load_idx %gather3A_523[%shift_right_arithmetic3A_16, %and3A_19, %broadcast_in_dim3A_508] : memref<4x8x128xf32, #tpu.memory_space<vmem>>[vector<16xi32>, vector<16xi32>, vector<16xi32>], vector<16xf32>,
    tpu.vector_store_idx %arg9[%add3A_13, %broadcast_in_dim3A_510], %gather3A_524 : memref<32x512xf32, #tpu.memory_space<vmem>>[vector<16xi32>, vector<16xi32>], vector<16xf32>,
    %slice3A_525 = vector.extract_strided_slice %get3A_503 {offsets = [1], sizes = [1], strides = [1]} : vector<16xi32> to vector<1xi32>
    %squeeze3A_526 = vector.extract %slice3A_525[0] : i32 from vector<1xi32>
    %and3A_527 = arith.constant 127 : i32
    %and3A_528 = arith.andi %squeeze3A_526, %and3A_527 : i32
    %broadcast_in_dim3A_529 = vector.broadcast %and3A_528 : i32 to vector<16xi32>
    %broadcast_in_dim3A_530 = arith.constant 505 : i32
    %broadcast_in_dim3A_531 = vector.broadcast %broadcast_in_dim3A_530 : i32 to vector<16xi32>
    %gather3A_532 = arith.constant 1 : i32
    %gather3A_533 = arith.constant 0 : i32
    %gather3A_534 = arith.constant 0 : i32
    %gather3A_535 = arith.constant 0 : i32
    %gather3A_536 = tpu.memref_slice %arg8[%gather3A_532, %gather3A_533, %gather3A_534, %gather3A_535] : memref<8x4x8x128xf32, #tpu.memory_space<vmem>> -> memref<1x4x8x128xf32, #tpu.memory_space<vmem>>
    %gather3A_537 = tpu.memref_squeeze %gather3A_536 : memref<1x4x8x128xf32, #tpu.memory_space<vmem>> -> memref<4x8x128xf32, #tpu.memory_space<vmem>>
    %gather3A_538 = tpu.vector_load_idx %gather3A_537[%shift_right_arithmetic3A_8, %and3A_10, %broadcast_in_dim3A_529] : memref<4x8x128xf32, #tpu.memory_space<vmem>>[vector<16xi32>, vector<16xi32>, vector<16xi32>], vector<16xf32>,
    tpu.vector_store_idx %arg9[%add3A_6, %broadcast_in_dim3A_531], %gather3A_538 : memref<32x512xf32, #tpu.memory_space<vmem>>[vector<16xi32>, vector<16xi32>], vector<16xf32>,
    %gather3A_539 = arith.constant 1 : i32
    %gather3A_540 = arith.constant 0 : i32
    %gather3A_541 = arith.constant 0 : i32
    %gather3A_542 = arith.constant 0 : i32
    %gather3A_543 = tpu.memref_slice %arg8[%gather3A_539, %gather3A_540, %gather3A_541, %gather3A_542] : memref<8x4x8x128xf32, #tpu.memory_space<vmem>> -> memref<1x4x8x128xf32, #tpu.memory_space<vmem>>
    %gather3A_544 = tpu.memref_squeeze %gather3A_543 : memref<1x4x8x128xf32, #tpu.memory_space<vmem>> -> memref<4x8x128xf32, #tpu.memory_space<vmem>>
    %gather3A_545 = tpu.vector_load_idx %gather3A_544[%shift_right_arithmetic3A_16, %and3A_19, %broadcast_in_dim3A_529] : memref<4x8x128xf32, #tpu.memory_space<vmem>>[vector<16xi32>, vector<16xi32>, vector<16xi32>], vector<16xf32>,
    tpu.vector_store_idx %arg9[%add3A_13, %broadcast_in_dim3A_531], %gather3A_545 : memref<32x512xf32, #tpu.memory_space<vmem>>[vector<16xi32>, vector<16xi32>], vector<16xf32>,
    %slice3A_546 = vector.extract_strided_slice %get3A_503 {offsets = [2], sizes = [1], strides = [1]} : vector<16xi32> to vector<1xi32>
    %squeeze3A_547 = vector.extract %slice3A_546[0] : i32 from vector<1xi32>
    %and3A_548 = arith.constant 127 : i32
    %and3A_549 = arith.andi %squeeze3A_547, %and3A_548 : i32
    %broadcast_in_dim3A_550 = vector.broadcast %and3A_549 : i32 to vector<16xi32>
    %broadcast_in_dim3A_551 = arith.constant 506 : i32
    %broadcast_in_dim3A_552 = vector.broadcast %broadcast_in_dim3A_551 : i32 to vector<16xi32>
    %gather3A_553 = arith.constant 2 : i32
    %gather3A_554 = arith.constant 0 : i32
    %gather3A_555 = arith.constant 0 : i32
    %gather3A_556 = arith.constant 0 : i32
    %gather3A_557 = tpu.memref_slice %arg8[%gather3A_553, %gather3A_554, %gather3A_555, %gather3A_556] : memref<8x4x8x128xf32, #tpu.memory_space<vmem>> -> memref<1x4x8x128xf32, #tpu.memory_space<vmem>>
    %gather3A_558 = tpu.memref_squeeze %gather3A_557 : memref<1x4x8x128xf32, #tpu.memory_space<vmem>> -> memref<4x8x128xf32, #tpu.memory_space<vmem>>
    %gather3A_559 = tpu.vector_load_idx %gather3A_558[%shift_right_arithmetic3A_8, %and3A_10, %broadcast_in_dim3A_550] : memref<4x8x128xf32, #tpu.memory_space<vmem>>[vector<16xi32>, vector<16xi32>, vector<16xi32>], vector<16xf32>,
    tpu.vector_store_idx %arg9[%add3A_6, %broadcast_in_dim3A_552], %gather3A_559 : memref<32x512xf32, #tpu.memory_space<vmem>>[vector<16xi32>, vector<16xi32>], vector<16xf32>,
    %gather3A_560 = arith.constant 2 : i32
    %gather3A_561 = arith.constant 0 : i32
    %gather3A_562 = arith.constant 0 : i32
    %gather3A_563 = arith.constant 0 : i32
    %gather3A_564 = tpu.memref_slice %arg8[%gather3A_560, %gather3A_561, %gather3A_562, %gather3A_563] : memref<8x4x8x128xf32, #tpu.memory_space<vmem>> -> memref<1x4x8x128xf32, #tpu.memory_space<vmem>>
    %gather3A_565 = tpu.memref_squeeze %gather3A_564 : memref<1x4x8x128xf32, #tpu.memory_space<vmem>> -> memref<4x8x128xf32, #tpu.memory_space<vmem>>
    %gather3A_566 = tpu.vector_load_idx %gather3A_565[%shift_right_arithmetic3A_16, %and3A_19, %broadcast_in_dim3A_550] : memref<4x8x128xf32, #tpu.memory_space<vmem>>[vector<16xi32>, vector<16xi32>, vector<16xi32>], vector<16xf32>,
    tpu.vector_store_idx %arg9[%add3A_13, %broadcast_in_dim3A_552], %gather3A_566 : memref<32x512xf32, #tpu.memory_space<vmem>>[vector<16xi32>, vector<16xi32>], vector<16xf32>,
    %slice3A_567 = vector.extract_strided_slice %get3A_503 {offsets = [3], sizes = [1], strides = [1]} : vector<16xi32> to vector<1xi32>
    %squeeze3A_568 = vector.extract %slice3A_567[0] : i32 from vector<1xi32>
    %and3A_569 = arith.constant 127 : i32
    %and3A_570 = arith.andi %squeeze3A_568, %and3A_569 : i32
    %broadcast_in_dim3A_571 = vector.broadcast %and3A_570 : i32 to vector<16xi32>
    %broadcast_in_dim3A_572 = arith.constant 507 : i32
    %broadcast_in_dim3A_573 = vector.broadcast %broadcast_in_dim3A_572 : i32 to vector<16xi32>
    %gather3A_574 = arith.constant 3 : i32
    %gather3A_575 = arith.constant 0 : i32
    %gather3A_576 = arith.constant 0 : i32
    %gather3A_577 = arith.constant 0 : i32
    %gather3A_578 = tpu.memref_slice %arg8[%gather3A_574, %gather3A_575, %gather3A_576, %gather3A_577] : memref<8x4x8x128xf32, #tpu.memory_space<vmem>> -> memref<1x4x8x128xf32, #tpu.memory_space<vmem>>
    %gather3A_579 = tpu.memref_squeeze %gather3A_578 : memref<1x4x8x128xf32, #tpu.memory_space<vmem>> -> memref<4x8x128xf32, #tpu.memory_space<vmem>>
    %gather3A_580 = tpu.vector_load_idx %gather3A_579[%shift_right_arithmetic3A_8, %and3A_10, %broadcast_in_dim3A_571] : memref<4x8x128xf32, #tpu.memory_space<vmem>>[vector<16xi32>, vector<16xi32>, vector<16xi32>], vector<16xf32>,
    tpu.vector_store_idx %arg9[%add3A_6, %broadcast_in_dim3A_573], %gather3A_580 : memref<32x512xf32, #tpu.memory_space<vmem>>[vector<16xi32>, vector<16xi32>], vector<16xf32>,
    %gather3A_581 = arith.constant 3 : i32
    %gather3A_582 = arith.constant 0 : i32
    %gather3A_583 = arith.constant 0 : i32
    %gather3A_584 = arith.constant 0 : i32
    %gather3A_585 = tpu.memref_slice %arg8[%gather3A_581, %gather3A_582, %gather3A_583, %gather3A_584] : memref<8x4x8x128xf32, #tpu.memory_space<vmem>> -> memref<1x4x8x128xf32, #tpu.memory_space<vmem>>
    %gather3A_586 = tpu.memref_squeeze %gather3A_585 : memref<1x4x8x128xf32, #tpu.memory_space<vmem>> -> memref<4x8x128xf32, #tpu.memory_space<vmem>>
    %gather3A_587 = tpu.vector_load_idx %gather3A_586[%shift_right_arithmetic3A_16, %and3A_19, %broadcast_in_dim3A_571] : memref<4x8x128xf32, #tpu.memory_space<vmem>>[vector<16xi32>, vector<16xi32>, vector<16xi32>], vector<16xf32>,
    tpu.vector_store_idx %arg9[%add3A_13, %broadcast_in_dim3A_573], %gather3A_587 : memref<32x512xf32, #tpu.memory_space<vmem>>[vector<16xi32>, vector<16xi32>], vector<16xf32>,
    %slice3A_588 = vector.extract_strided_slice %get3A_503 {offsets = [4], sizes = [1], strides = [1]} : vector<16xi32> to vector<1xi32>
    %squeeze3A_589 = vector.extract %slice3A_588[0] : i32 from vector<1xi32>
    %and3A_590 = arith.constant 127 : i32
    %and3A_591 = arith.andi %squeeze3A_589, %and3A_590 : i32
    %broadcast_in_dim3A_592 = vector.broadcast %and3A_591 : i32 to vector<16xi32>
    %broadcast_in_dim3A_593 = arith.constant 508 : i32
    %broadcast_in_dim3A_594 = vector.broadcast %broadcast_in_dim3A_593 : i32 to vector<16xi32>
    %gather3A_595 = arith.constant 4 : i32
    %gather3A_596 = arith.constant 0 : i32
    %gather3A_597 = arith.constant 0 : i32
    %gather3A_598 = arith.constant 0 : i32
    %gather3A_599 = tpu.memref_slice %arg8[%gather3A_595, %gather3A_596, %gather3A_597, %gather3A_598] : memref<8x4x8x128xf32, #tpu.memory_space<vmem>> -> memref<1x4x8x128xf32, #tpu.memory_space<vmem>>
    %gather3A_600 = tpu.memref_squeeze %gather3A_599 : memref<1x4x8x128xf32, #tpu.memory_space<vmem>> -> memref<4x8x128xf32, #tpu.memory_space<vmem>>
    %gather3A_601 = tpu.vector_load_idx %gather3A_600[%shift_right_arithmetic3A_8, %and3A_10, %broadcast_in_dim3A_592] : memref<4x8x128xf32, #tpu.memory_space<vmem>>[vector<16xi32>, vector<16xi32>, vector<16xi32>], vector<16xf32>,
    tpu.vector_store_idx %arg9[%add3A_6, %broadcast_in_dim3A_594], %gather3A_601 : memref<32x512xf32, #tpu.memory_space<vmem>>[vector<16xi32>, vector<16xi32>], vector<16xf32>,
    %gather3A_602 = arith.constant 4 : i32
    %gather3A_603 = arith.constant 0 : i32
    %gather3A_604 = arith.constant 0 : i32
    %gather3A_605 = arith.constant 0 : i32
    %gather3A_606 = tpu.memref_slice %arg8[%gather3A_602, %gather3A_603, %gather3A_604, %gather3A_605] : memref<8x4x8x128xf32, #tpu.memory_space<vmem>> -> memref<1x4x8x128xf32, #tpu.memory_space<vmem>>
    %gather3A_607 = tpu.memref_squeeze %gather3A_606 : memref<1x4x8x128xf32, #tpu.memory_space<vmem>> -> memref<4x8x128xf32, #tpu.memory_space<vmem>>
    %gather3A_608 = tpu.vector_load_idx %gather3A_607[%shift_right_arithmetic3A_16, %and3A_19, %broadcast_in_dim3A_592] : memref<4x8x128xf32, #tpu.memory_space<vmem>>[vector<16xi32>, vector<16xi32>, vector<16xi32>], vector<16xf32>,
    tpu.vector_store_idx %arg9[%add3A_13, %broadcast_in_dim3A_594], %gather3A_608 : memref<32x512xf32, #tpu.memory_space<vmem>>[vector<16xi32>, vector<16xi32>], vector<16xf32>,
    %slice3A_609 = vector.extract_strided_slice %get3A_503 {offsets = [5], sizes = [1], strides = [1]} : vector<16xi32> to vector<1xi32>
    %squeeze3A_610 = vector.extract %slice3A_609[0] : i32 from vector<1xi32>
    %and3A_611 = arith.constant 127 : i32
    %and3A_612 = arith.andi %squeeze3A_610, %and3A_611 : i32
    %broadcast_in_dim3A_613 = vector.broadcast %and3A_612 : i32 to vector<16xi32>
    %broadcast_in_dim3A_614 = arith.constant 509 : i32
    %broadcast_in_dim3A_615 = vector.broadcast %broadcast_in_dim3A_614 : i32 to vector<16xi32>
    %gather3A_616 = arith.constant 5 : i32
    %gather3A_617 = arith.constant 0 : i32
    %gather3A_618 = arith.constant 0 : i32
    %gather3A_619 = arith.constant 0 : i32
    %gather3A_620 = tpu.memref_slice %arg8[%gather3A_616, %gather3A_617, %gather3A_618, %gather3A_619] : memref<8x4x8x128xf32, #tpu.memory_space<vmem>> -> memref<1x4x8x128xf32, #tpu.memory_space<vmem>>
    %gather3A_621 = tpu.memref_squeeze %gather3A_620 : memref<1x4x8x128xf32, #tpu.memory_space<vmem>> -> memref<4x8x128xf32, #tpu.memory_space<vmem>>
    %gather3A_622 = tpu.vector_load_idx %gather3A_621[%shift_right_arithmetic3A_8, %and3A_10, %broadcast_in_dim3A_613] : memref<4x8x128xf32, #tpu.memory_space<vmem>>[vector<16xi32>, vector<16xi32>, vector<16xi32>], vector<16xf32>,
    tpu.vector_store_idx %arg9[%add3A_6, %broadcast_in_dim3A_615], %gather3A_622 : memref<32x512xf32, #tpu.memory_space<vmem>>[vector<16xi32>, vector<16xi32>], vector<16xf32>,
    %gather3A_623 = arith.constant 5 : i32
    %gather3A_624 = arith.constant 0 : i32
    %gather3A_625 = arith.constant 0 : i32
    %gather3A_626 = arith.constant 0 : i32
    %gather3A_627 = tpu.memref_slice %arg8[%gather3A_623, %gather3A_624, %gather3A_625, %gather3A_626] : memref<8x4x8x128xf32, #tpu.memory_space<vmem>> -> memref<1x4x8x128xf32, #tpu.memory_space<vmem>>
    %gather3A_628 = tpu.memref_squeeze %gather3A_627 : memref<1x4x8x128xf32, #tpu.memory_space<vmem>> -> memref<4x8x128xf32, #tpu.memory_space<vmem>>
    %gather3A_629 = tpu.vector_load_idx %gather3A_628[%shift_right_arithmetic3A_16, %and3A_19, %broadcast_in_dim3A_613] : memref<4x8x128xf32, #tpu.memory_space<vmem>>[vector<16xi32>, vector<16xi32>, vector<16xi32>], vector<16xf32>,
    tpu.vector_store_idx %arg9[%add3A_13, %broadcast_in_dim3A_615], %gather3A_629 : memref<32x512xf32, #tpu.memory_space<vmem>>[vector<16xi32>, vector<16xi32>], vector<16xf32>,
    %slice3A_630 = vector.extract_strided_slice %get3A_503 {offsets = [6], sizes = [1], strides = [1]} : vector<16xi32> to vector<1xi32>
    %squeeze3A_631 = vector.extract %slice3A_630[0] : i32 from vector<1xi32>
    %and3A_632 = arith.constant 127 : i32
    %and3A_633 = arith.andi %squeeze3A_631, %and3A_632 : i32
    %broadcast_in_dim3A_634 = vector.broadcast %and3A_633 : i32 to vector<16xi32>
    %broadcast_in_dim3A_635 = arith.constant 510 : i32
    %broadcast_in_dim3A_636 = vector.broadcast %broadcast_in_dim3A_635 : i32 to vector<16xi32>
    %gather3A_637 = arith.constant 6 : i32
    %gather3A_638 = arith.constant 0 : i32
    %gather3A_639 = arith.constant 0 : i32
    %gather3A_640 = arith.constant 0 : i32
    %gather3A_641 = tpu.memref_slice %arg8[%gather3A_637, %gather3A_638, %gather3A_639, %gather3A_640] : memref<8x4x8x128xf32, #tpu.memory_space<vmem>> -> memref<1x4x8x128xf32, #tpu.memory_space<vmem>>
    %gather3A_642 = tpu.memref_squeeze %gather3A_641 : memref<1x4x8x128xf32, #tpu.memory_space<vmem>> -> memref<4x8x128xf32, #tpu.memory_space<vmem>>
    %gather3A_643 = tpu.vector_load_idx %gather3A_642[%shift_right_arithmetic3A_8, %and3A_10, %broadcast_in_dim3A_634] : memref<4x8x128xf32, #tpu.memory_space<vmem>>[vector<16xi32>, vector<16xi32>, vector<16xi32>], vector<16xf32>,
    tpu.vector_store_idx %arg9[%add3A_6, %broadcast_in_dim3A_636], %gather3A_643 : memref<32x512xf32, #tpu.memory_space<vmem>>[vector<16xi32>, vector<16xi32>], vector<16xf32>,
    %gather3A_644 = arith.constant 6 : i32
    %gather3A_645 = arith.constant 0 : i32
    %gather3A_646 = arith.constant 0 : i32
    %gather3A_647 = arith.constant 0 : i32
    %gather3A_648 = tpu.memref_slice %arg8[%gather3A_644, %gather3A_645, %gather3A_646, %gather3A_647] : memref<8x4x8x128xf32, #tpu.memory_space<vmem>> -> memref<1x4x8x128xf32, #tpu.memory_space<vmem>>
    %gather3A_649 = tpu.memref_squeeze %gather3A_648 : memref<1x4x8x128xf32, #tpu.memory_space<vmem>> -> memref<4x8x128xf32, #tpu.memory_space<vmem>>
    %gather3A_650 = tpu.vector_load_idx %gather3A_649[%shift_right_arithmetic3A_16, %and3A_19, %broadcast_in_dim3A_634] : memref<4x8x128xf32, #tpu.memory_space<vmem>>[vector<16xi32>, vector<16xi32>, vector<16xi32>], vector<16xf32>,
    tpu.vector_store_idx %arg9[%add3A_13, %broadcast_in_dim3A_636], %gather3A_650 : memref<32x512xf32, #tpu.memory_space<vmem>>[vector<16xi32>, vector<16xi32>], vector<16xf32>,
    %slice3A_651 = vector.extract_strided_slice %get3A_503 {offsets = [7], sizes = [1], strides = [1]} : vector<16xi32> to vector<1xi32>
    %squeeze3A_652 = vector.extract %slice3A_651[0] : i32 from vector<1xi32>
    %and3A_653 = arith.constant 127 : i32
    %and3A_654 = arith.andi %squeeze3A_652, %and3A_653 : i32
    %broadcast_in_dim3A_655 = vector.broadcast %and3A_654 : i32 to vector<16xi32>
    %broadcast_in_dim3A_656 = arith.constant 511 : i32
    %broadcast_in_dim3A_657 = vector.broadcast %broadcast_in_dim3A_656 : i32 to vector<16xi32>
    %gather3A_658 = arith.constant 7 : i32
    %gather3A_659 = arith.constant 0 : i32
    %gather3A_660 = arith.constant 0 : i32
    %gather3A_661 = arith.constant 0 : i32
    %gather3A_662 = tpu.memref_slice %arg8[%gather3A_658, %gather3A_659, %gather3A_660, %gather3A_661] : memref<8x4x8x128xf32, #tpu.memory_space<vmem>> -> memref<1x4x8x128xf32, #tpu.memory_space<vmem>>
    %gather3A_663 = tpu.memref_squeeze %gather3A_662 : memref<1x4x8x128xf32, #tpu.memory_space<vmem>> -> memref<4x8x128xf32, #tpu.memory_space<vmem>>
    %gather3A_664 = tpu.vector_load_idx %gather3A_663[%shift_right_arithmetic3A_8, %and3A_10, %broadcast_in_dim3A_655] : memref<4x8x128xf32, #tpu.memory_space<vmem>>[vector<16xi32>, vector<16xi32>, vector<16xi32>], vector<16xf32>,
    tpu.vector_store_idx %arg9[%add3A_6, %broadcast_in_dim3A_657], %gather3A_664 : memref<32x512xf32, #tpu.memory_space<vmem>>[vector<16xi32>, vector<16xi32>], vector<16xf32>,
    %gather3A_665 = arith.constant 7 : i32
    %gather3A_666 = arith.constant 0 : i32
    %gather3A_667 = arith.constant 0 : i32
    %gather3A_668 = arith.constant 0 : i32
    %gather3A_669 = tpu.memref_slice %arg8[%gather3A_665, %gather3A_666, %gather3A_667, %gather3A_668] : memref<8x4x8x128xf32, #tpu.memory_space<vmem>> -> memref<1x4x8x128xf32, #tpu.memory_space<vmem>>
    %gather3A_670 = tpu.memref_squeeze %gather3A_669 : memref<1x4x8x128xf32, #tpu.memory_space<vmem>> -> memref<4x8x128xf32, #tpu.memory_space<vmem>>
    %gather3A_671 = tpu.vector_load_idx %gather3A_670[%shift_right_arithmetic3A_16, %and3A_19, %broadcast_in_dim3A_655] : memref<4x8x128xf32, #tpu.memory_space<vmem>>[vector<16xi32>, vector<16xi32>, vector<16xi32>], vector<16xf32>,
    tpu.vector_store_idx %arg9[%add3A_13, %broadcast_in_dim3A_657], %gather3A_671 : memref<32x512xf32, #tpu.memory_space<vmem>>[vector<16xi32>, vector<16xi32>], vector<16xf32>,
    %dma_start3A_672 = arith.constant 0 : i32
    %dma_start3A_673 = arith.constant 0 : i32
    %dma_start3A_674 = tpu.memref_slice %arg9[%dma_start3A_672, %dma_start3A_673] : memref<32x512xf32, #tpu.memory_space<vmem>> -> memref<8x512xf32, #tpu.memory_space<vmem>>
    %dma_start3A_675 = arith.constant 0 : i32
    %dma_start3A_676 = tpu.memref_slice %arg4[%dma_start3A_675, %mul3A_2] : memref<32x16384xf32, #tpu.memory_space<hbm>> -> memref<8x512xf32, #tpu.memory_space<hbm>>
    %dma_start3A_677 = arith.constant 0 : i32
    %dma_start3A_678 = tpu.memref_slice %arg4[%dma_start3A_677, %mul3A_2] : memref<32x16384xf32, #tpu.memory_space<hbm>> -> memref<8x512xf32, #tpu.memory_space<hbm>>
    %dma_start3A_679 = arith.constant 0 : i32
    %dma_start3A_680 = arith.constant 0 : i32
    %dma_start3A_681 = tpu.memref_slice %arg9[%dma_start3A_679, %dma_start3A_680] : memref<32x512xf32, #tpu.memory_space<vmem>> -> memref<8x512xf32, #tpu.memory_space<vmem>>
    tpu.enqueue_dma source(%dma_start3A_681 : memref<8x512xf32, #tpu.memory_space<vmem>>) target(%dma_start3A_678 : memref<8x512xf32, #tpu.memory_space<hbm>>) target_semaphore(%arg12 : memref<!tpu.dma_semaphore, #tpu.memory_space<semaphore_mem>>)
    %dma_start3A_682 = arith.constant 8 : i32
    %dma_start3A_683 = arith.constant 0 : i32
    %dma_start3A_684 = tpu.memref_slice %arg9[%dma_start3A_682, %dma_start3A_683] : memref<32x512xf32, #tpu.memory_space<vmem>> -> memref<8x512xf32, #tpu.memory_space<vmem>>
    %dma_start3A_685 = arith.constant 8 : i32
    %dma_start3A_686 = tpu.memref_slice %arg4[%dma_start3A_685, %mul3A_2] : memref<32x16384xf32, #tpu.memory_space<hbm>> -> memref<8x512xf32, #tpu.memory_space<hbm>>
    %dma_start3A_687 = arith.constant 8 : i32
    %dma_start3A_688 = tpu.memref_slice %arg4[%dma_start3A_687, %mul3A_2] : memref<32x16384xf32, #tpu.memory_space<hbm>> -> memref<8x512xf32, #tpu.memory_space<hbm>>
    %dma_start3A_689 = arith.constant 8 : i32
    %dma_start3A_690 = arith.constant 0 : i32
    %dma_start3A_691 = tpu.memref_slice %arg9[%dma_start3A_689, %dma_start3A_690] : memref<32x512xf32, #tpu.memory_space<vmem>> -> memref<8x512xf32, #tpu.memory_space<vmem>>
    tpu.enqueue_dma source(%dma_start3A_691 : memref<8x512xf32, #tpu.memory_space<vmem>>) target(%dma_start3A_688 : memref<8x512xf32, #tpu.memory_space<hbm>>) target_semaphore(%arg12 : memref<!tpu.dma_semaphore, #tpu.memory_space<semaphore_mem>>)
    %dma_start3A_692 = arith.constant 16 : i32
    %dma_start3A_693 = arith.constant 0 : i32
    %dma_start3A_694 = tpu.memref_slice %arg9[%dma_start3A_692, %dma_start3A_693] : memref<32x512xf32, #tpu.memory_space<vmem>> -> memref<8x512xf32, #tpu.memory_space<vmem>>
    %dma_start3A_695 = arith.constant 16 : i32
    %dma_start3A_696 = tpu.memref_slice %arg4[%dma_start3A_695, %mul3A_2] : memref<32x16384xf32, #tpu.memory_space<hbm>> -> memref<8x512xf32, #tpu.memory_space<hbm>>
    %dma_start3A_697 = arith.constant 16 : i32
    %dma_start3A_698 = tpu.memref_slice %arg4[%dma_start3A_697, %mul3A_2] : memref<32x16384xf32, #tpu.memory_space<hbm>> -> memref<8x512xf32, #tpu.memory_space<hbm>>
    %dma_start3A_699 = arith.constant 16 : i32
    %dma_start3A_700 = arith.constant 0 : i32
    %dma_start3A_701 = tpu.memref_slice %arg9[%dma_start3A_699, %dma_start3A_700] : memref<32x512xf32, #tpu.memory_space<vmem>> -> memref<8x512xf32, #tpu.memory_space<vmem>>
    tpu.enqueue_dma source(%dma_start3A_701 : memref<8x512xf32, #tpu.memory_space<vmem>>) target(%dma_start3A_698 : memref<8x512xf32, #tpu.memory_space<hbm>>) target_semaphore(%arg12 : memref<!tpu.dma_semaphore, #tpu.memory_space<semaphore_mem>>)
    %dma_start3A_702 = arith.constant 24 : i32
    %dma_start3A_703 = arith.constant 0 : i32
    %dma_start3A_704 = tpu.memref_slice %arg9[%dma_start3A_702, %dma_start3A_703] : memref<32x512xf32, #tpu.memory_space<vmem>> -> memref<8x512xf32, #tpu.memory_space<vmem>>
    %dma_start3A_705 = arith.constant 24 : i32
    %dma_start3A_706 = tpu.memref_slice %arg4[%dma_start3A_705, %mul3A_2] : memref<32x16384xf32, #tpu.memory_space<hbm>> -> memref<8x512xf32, #tpu.memory_space<hbm>>
    %dma_start3A_707 = arith.constant 24 : i32
    %dma_start3A_708 = tpu.memref_slice %arg4[%dma_start3A_707, %mul3A_2] : memref<32x16384xf32, #tpu.memory_space<hbm>> -> memref<8x512xf32, #tpu.memory_space<hbm>>
    %dma_start3A_709 = arith.constant 24 : i32
    %dma_start3A_710 = arith.constant 0 : i32
    %dma_start3A_711 = tpu.memref_slice %arg9[%dma_start3A_709, %dma_start3A_710] : memref<32x512xf32, #tpu.memory_space<vmem>> -> memref<8x512xf32, #tpu.memory_space<vmem>>
    tpu.enqueue_dma source(%dma_start3A_711 : memref<8x512xf32, #tpu.memory_space<vmem>>) target(%dma_start3A_708 : memref<8x512xf32, #tpu.memory_space<hbm>>) target_semaphore(%arg12 : memref<!tpu.dma_semaphore, #tpu.memory_space<semaphore_mem>>)
    %dma_wait3A_712 = arith.constant 0 : i32
    %dma_wait3A_713 = arith.constant 0 : i32
    %dma_wait3A_714 = tpu.memref_slice %arg9[%dma_wait3A_712, %dma_wait3A_713] : memref<32x512xf32, #tpu.memory_space<vmem>> -> memref<8x512xf32, #tpu.memory_space<vmem>>
    %dma_wait3A_715 = arith.constant 0 : i32
    %dma_wait3A_716 = tpu.memref_slice %arg4[%dma_wait3A_715, %mul3A_2] : memref<32x16384xf32, #tpu.memory_space<hbm>> -> memref<8x512xf32, #tpu.memory_space<hbm>>
    %dma_wait3A_717 = arith.constant 0 : i32
    %dma_wait3A_718 = tpu.memref_slice %arg4[%dma_wait3A_717, %mul3A_2] : memref<32x16384xf32, #tpu.memory_space<hbm>> -> memref<8x512xf32, #tpu.memory_space<hbm>>
    %dma_wait3A_719 = arith.constant 0 : i32
    %dma_wait3A_720 = arith.constant 0 : i32
    %dma_wait3A_721 = tpu.memref_slice %arg9[%dma_wait3A_719, %dma_wait3A_720] : memref<32x512xf32, #tpu.memory_space<vmem>> -> memref<8x512xf32, #tpu.memory_space<vmem>>
    tpu.wait_dma2 semaphore(%arg12 : memref<!tpu.dma_semaphore, #tpu.memory_space<semaphore_mem>>) src(%dma_wait3A_721 : memref<8x512xf32, #tpu.memory_space<vmem>>) dst(%dma_wait3A_718 : memref<8x512xf32, #tpu.memory_space<hbm>>)
    %dma_wait3A_722 = arith.constant 8 : i32
    %dma_wait3A_723 = arith.constant 0 : i32
    %dma_wait3A_724 = tpu.memref_slice %arg9[%dma_wait3A_722, %dma_wait3A_723] : memref<32x512xf32, #tpu.memory_space<vmem>> -> memref<8x512xf32, #tpu.memory_space<vmem>>
    %dma_wait3A_725 = arith.constant 8 : i32
    %dma_wait3A_726 = tpu.memref_slice %arg4[%dma_wait3A_725, %mul3A_2] : memref<32x16384xf32, #tpu.memory_space<hbm>> -> memref<8x512xf32, #tpu.memory_space<hbm>>
    %dma_wait3A_727 = arith.constant 8 : i32
    %dma_wait3A_728 = tpu.memref_slice %arg4[%dma_wait3A_727, %mul3A_2] : memref<32x16384xf32, #tpu.memory_space<hbm>> -> memref<8x512xf32, #tpu.memory_space<hbm>>
    %dma_wait3A_729 = arith.constant 8 : i32
    %dma_wait3A_730 = arith.constant 0 : i32
    %dma_wait3A_731 = tpu.memref_slice %arg9[%dma_wait3A_729, %dma_wait3A_730] : memref<32x512xf32, #tpu.memory_space<vmem>> -> memref<8x512xf32, #tpu.memory_space<vmem>>
    tpu.wait_dma2 semaphore(%arg12 : memref<!tpu.dma_semaphore, #tpu.memory_space<semaphore_mem>>) src(%dma_wait3A_731 : memref<8x512xf32, #tpu.memory_space<vmem>>) dst(%dma_wait3A_728 : memref<8x512xf32, #tpu.memory_space<hbm>>)
    %dma_wait3A_732 = arith.constant 16 : i32
    %dma_wait3A_733 = arith.constant 0 : i32
    %dma_wait3A_734 = tpu.memref_slice %arg9[%dma_wait3A_732, %dma_wait3A_733] : memref<32x512xf32, #tpu.memory_space<vmem>> -> memref<8x512xf32, #tpu.memory_space<vmem>>
    %dma_wait3A_735 = arith.constant 16 : i32
    %dma_wait3A_736 = tpu.memref_slice %arg4[%dma_wait3A_735, %mul3A_2] : memref<32x16384xf32, #tpu.memory_space<hbm>> -> memref<8x512xf32, #tpu.memory_space<hbm>>
    %dma_wait3A_737 = arith.constant 16 : i32
    %dma_wait3A_738 = tpu.memref_slice %arg4[%dma_wait3A_737, %mul3A_2] : memref<32x16384xf32, #tpu.memory_space<hbm>> -> memref<8x512xf32, #tpu.memory_space<hbm>>
    %dma_wait3A_739 = arith.constant 16 : i32
    %dma_wait3A_740 = arith.constant 0 : i32
    %dma_wait3A_741 = tpu.memref_slice %arg9[%dma_wait3A_739, %dma_wait3A_740] : memref<32x512xf32, #tpu.memory_space<vmem>> -> memref<8x512xf32, #tpu.memory_space<vmem>>
    tpu.wait_dma2 semaphore(%arg12 : memref<!tpu.dma_semaphore, #tpu.memory_space<semaphore_mem>>) src(%dma_wait3A_741 : memref<8x512xf32, #tpu.memory_space<vmem>>) dst(%dma_wait3A_738 : memref<8x512xf32, #tpu.memory_space<hbm>>)
    %dma_wait3A_742 = arith.constant 24 : i32
    %dma_wait3A_743 = arith.constant 0 : i32
    %dma_wait3A_744 = tpu.memref_slice %arg9[%dma_wait3A_742, %dma_wait3A_743] : memref<32x512xf32, #tpu.memory_space<vmem>> -> memref<8x512xf32, #tpu.memory_space<vmem>>
    %dma_wait3A_745 = arith.constant 24 : i32
    %dma_wait3A_746 = tpu.memref_slice %arg4[%dma_wait3A_745, %mul3A_2] : memref<32x16384xf32, #tpu.memory_space<hbm>> -> memref<8x512xf32, #tpu.memory_space<hbm>>
    %dma_wait3A_747 = arith.constant 24 : i32
    %dma_wait3A_748 = tpu.memref_slice %arg4[%dma_wait3A_747, %mul3A_2] : memref<32x16384xf32, #tpu.memory_space<hbm>> -> memref<8x512xf32, #tpu.memory_space<hbm>>
    %dma_wait3A_749 = arith.constant 24 : i32
    %dma_wait3A_750 = arith.constant 0 : i32
    %dma_wait3A_751 = tpu.memref_slice %arg9[%dma_wait3A_749, %dma_wait3A_750] : memref<32x512xf32, #tpu.memory_space<vmem>> -> memref<8x512xf32, #tpu.memory_space<vmem>>
    tpu.wait_dma2 semaphore(%arg12 : memref<!tpu.dma_semaphore, #tpu.memory_space<semaphore_mem>>) src(%dma_wait3A_751 : memref<8x512xf32, #tpu.memory_space<vmem>>) dst(%dma_wait3A_748 : memref<8x512xf32, #tpu.memory_space<hbm>>)
    return
  }
}

</mosaic_0001>

<sc_bundles>
// kernel: kernel.3.cloned.1.call-start
scs
__scs_entry_jumppad:
0x0: {  	(pc) =	sbr.rel $0x88, $3  }
0x1: {  	(tag) =	ssettag $0x0;
	lr =	simm.s32 $0x1  }
0x2: {  	[smem:$0x3F9F] =	sst lr;
	_ =	strace $0xD0000000  }
0x3: {  	_ = 	snop  }
0x4: {  	_ = 	snop  }
0x5: {  	_ = 	snop  }
0x6: {  	_ = 	snop  }
0x7: {  	_ = 	snop  }
__scs_overlays_trampoline_lowered:
0x8: {  	[smem:$0x3FAE] =	sst s0  }
0x9: {  	[smem:$0x3FAF] =	sst s1  }
0xa: {  	[smem:$0x3FB0] =	sst s2  }
0xb: {  	[smem:$0x3FB1] =	sst s3  }
0xc: {  	[smem:$0x3FB2] =	sst s4  }
0xd: {  	[smem:$0x3FB3] =	sst s5  }
0xe: {  	[smem:$0x3FB4] =	sst s6  }
0xf: {  	[smem:$0x3FB5] =	sst s7  }
0x10: {  	[smem:$0x3FB6] =	sst s8  }
0x11: {  	[smem:$0x3FB7] =	sst s9;
	s0 =	simm.s32 @!p0 $0x0  }
0x12: {  	s1 =	sld [smem:$0x3F9D];
	s0 =	simm.s32 @p0 $0x1  }
0x13: {  	[smem:$0x3FB8] =	sst s0;
	s0 =	simm.s32 @!p1 $0x0  }
0x14: {  	s2 =	sld [smem:$0x3F9C];
	s0 =	simm.s32 @p1 $0x1  }
0x15: {  	[smem:$0x3FB9] =	sst s0;
	s0 =	simm.s32 @!p2 $0x0  }
0x16: {  	s3 =	sld [smem:$0x3FDB];
	s0 =	simm.s32 @p2 $0x1  }
0x17: {  	s4 =	simm.s32 $0x1BF5;
	[smem:$0x3FBB] =	sst s0  }
0x18: {  	s0 =	sld [smem:$0x3F9E];
	_ =	swait.ge [sflag:s4], $0x0  }
0x19: {  	s7 =	sld [smem:$0x3F9F]  }
0x1a: {  	s8 =	sadd.s32 $0xFFFFE003, lr  }
0x1b: {  	s9 =	sadd.s32 $0xFFFFFEF7, lr;
	s5 =	simm.s32 $0xFFFFFFFF;
	p2 =	slt.u32 s8, $0xFFFFF086  }
0x1c: {  	p1 =	slt.u32 s9, $0xF7A;
	s5 =	simm.s32 @!p2 $0x0  }
0x1d: {  	s5 =	simm.s32 @p1 $0x1;
	p0 =	seq.s32 s7, s2  }
0x1e: {  	s7 =	smul.u32 @!p0 $0xF7A, s2;
	p2 =	seq.s32 @!p0 s5, $0x0  }
0x1f: {  	s9 =	smul.u32 $0xF7A, s1;
	s8 =	simm.s32 @!p0 $0x1BF5;
	p2 =	por !p2, p0  }
0x20: {  	[sflag:s8] =	ssyncset.s32 @!p0 $0xFFFFF086;
	s6 =	sadd.s32 @!p0 s3, s7;
	s7 =	simm.s32 @!p0 $0x108  }
0x21: {  	s3 =	sadd.s32 s3, s9;
	s6 =	sadd.s32 @!p0 $0x88, s6;
	s7 =	simm.s32 @p2 $0x1082  }
0x22: {  	[simem:s7], [sflag:s8] =	dma.local @!p0 [hbm:s6], $0xF7A  }
0x23: {  	s9 =	sor.u32 $0xD0000000, s2;
	s6 =	simm.s32 $0x108;
	_ =	swait.ge @!p0 [sflag:s8], $0x0  }
0x24: {  	s3 =	sadd.s32 $0x88, s3;
	s6 =	simm.s32 @!p1 $0x1082;
	[sflag:s4] =	ssyncset.s32 $0xFFFFF086  }
0x25: {  	[simem:s6], [sflag:s4] =	dma.local [hbm:s3], $0xF7A  }
0x26: {  	[smem:$0x3F9F] =	sst s1;
	(tag) =	ssettag s2;
	_ =	strace s9  }
0x27: {  	s1 =	sld [smem:$0x3FAF]  }
0x28: {  	s2 =	sld [smem:$0x3FB0]  }
0x29: {  	s4 =	sld [smem:$0x3FB2]  }
0x2a: {  	p0 =	seq.s32 s5, $0x0;
	s5 =	sld [smem:$0x3FB3]  }
0x2b: {  	s6 =	sld [smem:$0x3FB4]  }
0x2c: {  	s7 =	sld [smem:$0x3FB5]  }
0x2d: {  	s3 =	simm.s32 $0x108;
	s8 =	sld [smem:$0x3FB6]  }
0x2e: {  	s3 =	simm.s32 @!p0 $0x1082;
	s9 =	sld [smem:$0x3FB7]  }
0x2f: {  	lr =	sadd.s32 s0, s3;
	s0 =	sld [smem:$0x3FAE]  }
0x30: {  	s3 =	sld [smem:$0x3FB1]  }
0x31: {  	[smem:$0x3FBA] =	sst s10  }
0x32: {  	s10 =	sld [smem:$0x3FB8];
	_ =	sdelay $0x3  }
0x33: {  	p0 =	seq.s32 s10, $0x1;
	s10 =	sld [smem:$0x3FBA];
	_ =	sdelay $0x3  }
0x34: {  	[smem:$0x3FBA] =	sst s10  }
0x35: {  	s10 =	sld [smem:$0x3FB9];
	_ =	sdelay $0x3  }
0x36: {  	p1 =	seq.s32 s10, $0x1;
	s10 =	sld [smem:$0x3FBA];
	_ =	sdelay $0x3  }
0x37: {  	[smem:$0x3FBA] =	sst s10  }
0x38: {  	s10 =	sld [smem:$0x3FBB]  }
0x39: {  	_ = 	snop;
	(pc) =	sbr.ind lr, $3  }
0x3a: {  	_ = 	snop  }
0x3b: {  	_ = 	snop  }
0x3c: {  	p2 =	seq.s32 s10, $0x1;
	s10 =	sld [smem:$0x3FBA]  }
0x3d: {  	_ =	shalt  }
0x3e: {  	_ =	shalt  }
0x3f: {  	_ =	shalt  }
0x40: {  	_ =	shalt  }
0x41: {  	_ =	shalt  }
0x42: {  	_ =	shalt  }
0x43: {  	_ =	shalt  }
0x44: {  	_ =	shalt  }
0x45: {  	_ =	shalt  }
0x46: {  	_ =	shalt  }
0x47: {  	_ =	shalt  }
0x48: {  	_ =	shalt  }
0x49: {  	_ =	shalt  }
0x4a: {  	_ =	shalt  }
0x4b: {  	_ =	shalt  }
0x4c: {  	_ =	shalt  }
0x4d: {  	_ =	shalt  }
0x4e: {  	_ =	shalt  }
0x4f: {  	_ =	shalt  }
0x50: {  	_ =	shalt  }
0x51: {  	_ =	shalt  }
0x52: {  	_ =	shalt  }
0x53: {  	_ =	shalt  }
0x54: {  	_ =	shalt  }
0x55: {  	_ =	shalt  }
0x56: {  	_ =	shalt  }
0x57: {  	_ =	shalt  }
0x58: {  	_ =	shalt  }
0x59: {  	_ =	shalt  }
0x5a: {  	_ =	shalt  }
0x5b: {  	_ =	shalt  }
0x5c: {  	_ =	shalt  }
0x5d: {  	_ =	shalt  }
0x5e: {  	_ =	shalt  }
0x5f: {  	_ =	shalt  }
0x60: {  	_ =	shalt  }
0x61: {  	_ =	shalt  }
0x62: {  	_ =	shalt  }
0x63: {  	_ =	shalt  }
0x64: {  	_ =	shalt  }
0x65: {  	_ =	shalt  }
0x66: {  	_ =	shalt  }
0x67: {  	_ =	shalt  }
0x68: {  	_ =	shalt  }
0x69: {  	_ =	shalt  }
0x6a: {  	_ =	shalt  }
0x6b: {  	_ =	shalt  }
0x6c: {  	_ =	shalt  }
0x6d: {  	_ =	shalt  }
0x6e: {  	_ =	shalt  }
0x6f: {  	_ =	shalt  }
0x70: {  	_ =	shalt  }
0x71: {  	_ =	shalt  }
0x72: {  	_ =	shalt  }
0x73: {  	_ =	shalt  }
0x74: {  	_ =	shalt  }
0x75: {  	_ =	shalt  }
0x76: {  	_ =	shalt  }
0x77: {  	_ =	shalt  }
0x78: {  	_ =	shalt  }
0x79: {  	_ =	shalt  }
0x7a: {  	_ =	shalt  }
0x7b: {  	_ =	shalt  }
0x7c: {  	_ =	shalt  }
0x7d: {  	_ =	shalt  }
0x7e: {  	_ =	shalt  }
0x7f: {  	_ =	shalt  }
0x80: {  	_ =	shalt  }
0x81: {  	_ =	shalt  }
0x82: {  	_ =	shalt  }
0x83: {  	_ =	shalt  }
0x84: {  	_ =	shalt  }
0x85: {  	_ =	shalt  }
0x86: {  	_ =	shalt  }
0x87: {  	_ =	shalt  }
.Lfunc_end0:
.L_simem_size_0:
called_computation_lowered:
.L_overlay_start_0:
0x88: {  	s2 =	sld [smem:$0x3FD9]  }
0x89: {  	s3 =	sld [smem:$0x3FFE];
	_ =	sdelay $0x1  }
0x8a: {  	s1 =	srdreg.scid  }
0x8b: {  	s0 =	sand.u32 $0x1, s1  }
0x8c: {  	s18 =	sshll.u32 s0, $0xA;
	s2 =	sadd.s32 s3, s2  }
0x8d: {  	s2 =	sadd.s32 s2, s18  }
0x8e: {  	[smem:$0x3FC6] =	sst s2  }
0x8f: {  	_ = 	snop  }
0x90: {  	s2 =	sld [smem:$0x3FC9]  }
0x91: {  	s19 =	sld [smem:$0x3FC8]  }
0x92: {  	s4 =	sld [smem:$0x3FD0];
	(tm) =	ssettm $0x1  }
0x93: {  	s5 =	sld [smem:$0x3FFB];
	_ =	sdelay $0x3  }
0x94: {  	_ =	strace s5  }
0x95: {  	s5 =	sld [smem:$0x3FFC];
	_ =	sdelay $0x3  }
0x96: {  	_ =	strace s5  }
0x97: {  	s5 =	sld [smem:$0x3FFD];
	_ =	sdelay $0x3  }
0x98: {  	_ =	strace s5  }
0x99: {  	_ =	strace $0x8FFFFFFF  }
0x9a: {  	s20 =	sld [smem:$0x3FDB];
	_ =	sdelay $0x1  }
0x9b: {  	s6 =	simm.s32 $_scs_section_size  }
0x9c: {  	s7 =	simm.s32 $_size__tile_overlayer_lowered;
	s8 =	simm.s32 $_tile_overlayer_lowered  }
0x9d: {  	s23 =	simm.s32 $0x1BFF;
	s22 =	sshll.u32 s8, $0x1;
	s5 =	sadd.s32 s6, s20  }
0x9e: {  	s9 =	simm.s32 $0x0;
	s21 =	sshll.u32 s7, $0x1;
	s7 =	sadd.s32 s22, s5  }
0x9f: {  	[timem:s9], [sflag:s23] =	dma.local [hbm:s7], s21  }
0xa0: {  	_ =	swait.ge [sflag:s23], s21  }
0xa1: {  	s6 =	ssub.s32 $0x0, s21;
	[sflag:s23] =	ssyncset.done $0x0  }
0xa2: {  	[sflag:s23] =	ssyncadd.s32 s6;
	_ =	sdelay $0x1  }
0xa3: {  	s24 =	simm.s32 $0x1B8B  }
0xa4: {  	_ =	swait.ge [sflag:s24], $0x1  }
0xa5: {  	[sflag:s24] =	ssyncset.done $0x0  }
0xa6: {  	s25 =	simm.s32 $0x1B8E;
	[sflag:s24] =	ssyncadd.s32 $0xFFFFFFFF  }
0xa7: {  	s26 =	simm.s32 $execute0_lowered;
	[smem:$0x3FD2] =	sst s25  }
0xa8: {  	s6 =	sshll.u32 s26, $0x1;
	_ =	strace $0x80000046;
	[dreg:$0x1] =	wrdreg $0xFFFFFFFF  }
0xa9: {  	s28 =	simm.s32 $_size_execute0_lowered;
	s5 =	sadd.s32 s5, s6;
	[dreg:$0x0] =	wrdreg $0x0  }
0xaa: {  	s6 =	sshll.u32 s28, $0x1;
	[dreg:$0x2] =	wrdreg s5  }
0xab: {  	[dreg:$0x3] =	wrdreg s6  }
0xac: {  	[dreg:$0x4] =	wrdreg $0xC0  }
0xad: {  	_ =	task [dreg:s9], $0x5FFFF  }
0xae: {  	[dreg:$0x1] =	wrdreg $0xFFFFFFFF  }
0xaf: {  	[dreg:$0x0] =	wrdreg $0x60  }
0xb0: {  	[dreg:$0x2] =	wrdreg s2  }
0xb1: {  	[dreg:$0x3] =	wrdreg s19  }
0xb2: {  	[dreg:$0x4] =	wrdreg s4  }
0xb3: {  	[dreg:$0x5] =	wrdreg $0x9  }
0xb4: {  	_ =	task.clear_ibuf [dreg:s9], $0x6FFFF;
	_ =	strace $0x90000046  }
0xb5: {  	s29 =	simm.s32 $0x9;
	_ =	strace $0x80000048  }
0xb6: {  	_ =	swait.ge [sflag:s29], $0x1  }
0xb7: {  	[sflag:s29] =	ssyncadd.s32 $0xFFFFFFFF  }
0xb8: {  	_ =	strace $0x90000048  }
0xb9: {  	_ =	sfence  }
0xba: {  	s30 =	sld [smem:$0x0];
	_ =	sdelay $0x2  }
0xbb: {  	s31 =	sshll.u32 s1, $0xD;
	s1 =	sshrl.u32 s1, $0x2  }
0xbc: {  	s3 =	sand.u32 $0x4000, s31;
	s1 =	sadd.s32 s1, s30  }
0xbd: {  	s0 =	sor.u32 s3, s0;
	s1 =	sshll.u32 s1, $0x11  }
0xbe: {  	s0 =	sor.u32 s1, s0  }
0xbf: {  	s0 =	sadd.s32 $0x8F2B, s0  }
0xc0: {  	[sflag:s0] =	ssyncadd.remote.s32 $0x1  }
0xc1: {  	_ =	sfence.sel $0xFFFF  }
0xc2: {  	[dreg:$0x0] =	wrdreg $0xFFFFFFFF;
	(pc) =	sbr.abs _section_cstart, $3  }
0xc3: {  	[dreg:$0x1] =	wrdreg $0xFFFFFFFF  }
0xc4: {  	_ =	task.clear_ibuf [dreg:s9], $0x2FFFF;
	_ =	strace $0x9FFFFFFF  }
0xc5: {  	(tm) =	ssettm $0x7FFFFFFF  }
tec
execute0_lowered:
.L_overlay_start_1:
0x0: {  	(tag) =	ssettag $0x1  }
0x1: {  	v0 =	vimm.s32 $0x1380  }
0x2: {  	vm14 =	vcmask $0x300;
	vm13 =	vcmask $0x704;
	vm12 =	vcmask $0xB08  }
0x3: {  	vm11 =	vcmask $0xF0C;
	vm10 =	vcmask $0x1310;
	vm9 =	vcmask $0x1714  }
0x4: {  	vm8 =	vcmask $0x1B18;
	vm7 =	vcmask $0x1F1C;
	vm6 =	vcmask $0x2320  }
0x5: {  	vm5 =	vcmask $0x2724;
	vm4 =	vcmask $0x2B28;
	vm3 =	vcmask $0x2F2C  }
0x6: {  	vm2 =	vcmask $0x3330;
	vm1 =	vcmask $0x3734;
	vm0 =	vcmask $0x3B38  }
0x7: {  	v4 =	vimm.s32 $0x3380;
	v5 =	vimm.s32 $0x1FF0;
	v6 =	vimm.s32 $0x3FF0  }
0x8: {  	v7 =	vimm.s32 $0x1FF1;
	v8 =	vimm.s32 $0x3FF1;
	v9 =	vimm.s32 $0x1FF2  }
0x9: {  	v10 =	vimm.s32 $0x3FF2;
	v11 =	vimm.s32 $0x1FF3;
	v12 =	vimm.s32 $0x3FF3  }
0xa: {  	v13 =	vimm.s32 $0x1FF4;
	v14 =	vimm.s32 $0x3FF4;
	v15 =	vimm.s32 $0x1FF5  }
0xb: {  	v16 =	vimm.s32 $0x3FF5;
	v17 =	vimm.s32 $0x1FF6;
	v18 =	vimm.s32 $0x3FF6  }
0xc: {  	v19 =	vimm.s32 $0x1FF7;
	v20 =	vimm.s32 $0x3FF7;
	v21 =	vimm.s32 $0x1FF8  }
0xd: {  	v22 =	vimm.s32 $0x3FF8;
	v23 =	vimm.s32 $0x1FF9;
	v24 =	vimm.s32 $0x3FF9  }
0xe: {  	v25 =	vimm.s32 $0x1FFA;
	v26 =	vimm.s32 $0x3FFA;
	v27 =	vimm.s32 $0x1FFB  }
0xf: {  	v28 =	vimm.s32 $0x3FFB;
	v29 =	vimm.s32 $0x1FFC;
	v30 =	vimm.s32 $0x3FFC  }
0x10: {  	v31 =	vimm.s32 $0x1FFD;
	v32 =	vimm.s32 $0x3FFD;
	v33 =	vimm.s32 $0x1FFE  }
0x11: {  	v34 =	vimm.s32 $0x3FFE;
	v35 =	vimm.s32 $0x1FFF;
	v36 =	vimm.s32 $0x3FFF  }
0x12: {  	v0 =	vsel vm14, $0x0, v0;
	v4 =	vsel vm14, $0x2000, v4;
	v5 =	vsel vm14, $0xC70, v5  }
0x13: {  	v6 =	vsel vm14, $0x2C70, v6;
	v7 =	vsel vm14, $0xC71, v7;
	v8 =	vsel vm14, $0x2C71, v8  }
0x14: {  	v9 =	vsel vm14, $0xC72, v9;
	v10 =	vsel vm14, $0x2C72, v10;
	v11 =	vsel vm14, $0xC73, v11  }
0x15: {  	v12 =	vsel vm14, $0x2C73, v12;
	v13 =	vsel vm14, $0xC74, v13;
	v14 =	vsel vm14, $0x2C74, v14  }
0x16: {  	v15 =	vsel vm14, $0xC75, v15;
	v16 =	vsel vm14, $0x2C75, v16;
	v17 =	vsel vm14, $0xC76, v17  }
0x17: {  	v18 =	vsel vm14, $0x2C76, v18;
	v19 =	vsel vm14, $0xC77, v19;
	v20 =	vsel vm14, $0x2C77, v20  }
0x18: {  	v21 =	vsel vm14, $0xC78, v21;
	v22 =	vsel vm14, $0x2C78, v22;
	v23 =	vsel vm14, $0xC79, v23  }
0x19: {  	v24 =	vsel vm14, $0x2C79, v24;
	v25 =	vsel vm14, $0xC7A, v25;
	v26 =	vsel vm14, $0x2C7A, v26  }
0x1a: {  	v27 =	vsel vm14, $0xC7B, v27;
	v28 =	vsel vm14, $0x2C7B, v28;
	v29 =	vsel vm14, $0xC7C, v29  }
0x1b: {  	v30 =	vsel vm14, $0x2C7C, v30;
	v31 =	vsel vm14, $0xC7D, v31;
	v32 =	vsel vm14, $0x2C7D, v32  }
0x1c: {  	v33 =	vsel vm14, $0xC7E, v33;
	v34 =	vsel vm14, $0x2C7E, v34;
	v35 =	vsel vm14, $0xC7F, v35  }
0x1d: {  	v36 =	vsel vm14, $0x2C7F, v36;
	v0 =	vsel vm13, $0x80, v0;
	v4 =	vsel vm13, $0x2080, v4  }
0x1e: {  	v5 =	vsel vm13, $0xCF0, v5;
	v6 =	vsel vm13, $0x2CF0, v6;
	v7 =	vsel vm13, $0xCF1, v7  }
0x1f: {  	v8 =	vsel vm13, $0x2CF1, v8;
	v9 =	vsel vm13, $0xCF2, v9;
	v10 =	vsel vm13, $0x2CF2, v10  }
0x20: {  	v11 =	vsel vm13, $0xCF3, v11;
	v12 =	vsel vm13, $0x2CF3, v12;
	v13 =	vsel vm13, $0xCF4, v13  }
0x21: {  	v14 =	vsel vm13, $0x2CF4, v14;
	v15 =	vsel vm13, $0xCF5, v15;
	v16 =	vsel vm13, $0x2CF5, v16  }
0x22: {  	v17 =	vsel vm13, $0xCF6, v17;
	v18 =	vsel vm13, $0x2CF6, v18;
	v19 =	vsel vm13, $0xCF7, v19  }
0x23: {  	v20 =	vsel vm13, $0x2CF7, v20;
	v21 =	vsel vm13, $0xCF8, v21;
	v22 =	vsel vm13, $0x2CF8, v22  }
0x24: {  	v23 =	vsel vm13, $0xCF9, v23;
	v24 =	vsel vm13, $0x2CF9, v24;
	v25 =	vsel vm13, $0xCFA, v25  }
0x25: {  	v26 =	vsel vm13, $0x2CFA, v26;
	v27 =	vsel vm13, $0xCFB, v27;
	v28 =	vsel vm13, $0x2CFB, v28  }
0x26: {  	v29 =	vsel vm13, $0xCFC, v29;
	v30 =	vsel vm13, $0x2CFC, v30;
	v31 =	vsel vm13, $0xCFD, v31  }
0x27: {  	v32 =	vsel vm13, $0x2CFD, v32;
	v33 =	vsel vm13, $0xCFE, v33;
	v34 =	vsel vm13, $0x2CFE, v34  }
0x28: {  	v35 =	vsel vm13, $0xCFF, v35;
	v36 =	vsel vm13, $0x2CFF, v36;
	v0 =	vsel vm12, $0x100, v0  }
0x29: {  	v4 =	vsel vm12, $0x2100, v4;
	v5 =	vsel vm12, $0xD70, v5;
	v6 =	vsel vm12, $0x2D70, v6  }
0x2a: {  	v7 =	vsel vm12, $0xD71, v7;
	v8 =	vsel vm12, $0x2D71, v8;
	v9 =	vsel vm12, $0xD72, v9  }
0x2b: {  	v10 =	vsel vm12, $0x2D72, v10;
	v11 =	vsel vm12, $0xD73, v11;
	v12 =	vsel vm12, $0x2D73, v12  }
0x2c: {  	v13 =	vsel vm12, $0xD74, v13;
	v14 =	vsel vm12, $0x2D74, v14;
	v15 =	vsel vm12, $0xD75, v15  }
0x2d: {  	v16 =	vsel vm12, $0x2D75, v16;
	v17 =	vsel vm12, $0xD76, v17;
	v18 =	vsel vm12, $0x2D76, v18  }
0x2e: {  	v19 =	vsel vm12, $0xD77, v19;
	v20 =	vsel vm12, $0x2D77, v20;
	v21 =	vsel vm12, $0xD78, v21  }
0x2f: {  	v22 =	vsel vm12, $0x2D78, v22;
	v23 =	vsel vm12, $0xD79, v23;
	v24 =	vsel vm12, $0x2D79, v24  }
0x30: {  	v25 =	vsel vm12, $0xD7A, v25;
	v26 =	vsel vm12, $0x2D7A, v26;
	v27 =	vsel vm12, $0xD7B, v27  }
0x31: {  	v28 =	vsel vm12, $0x2D7B, v28;
	v29 =	vsel vm12, $0xD7C, v29;
	v30 =	vsel vm12, $0x2D7C, v30  }
0x32: {  	v31 =	vsel vm12, $0xD7D, v31;
	v32 =	vsel vm12, $0x2D7D, v32;
	v33 =	vsel vm12, $0xD7E, v33  }
0x33: {  	v34 =	vsel vm12, $0x2D7E, v34;
	v35 =	vsel vm12, $0xD7F, v35;
	v36 =	vsel vm12, $0x2D7F, v36  }
0x34: {  	v0 =	vsel vm11, $0x180, v0;
	v4 =	vsel vm11, $0x2180, v4;
	v5 =	vsel vm11, $0xDF0, v5  }
0x35: {  	v6 =	vsel vm11, $0x2DF0, v6;
	v7 =	vsel vm11, $0xDF1, v7;
	v8 =	vsel vm11, $0x2DF1, v8  }
0x36: {  	v9 =	vsel vm11, $0xDF2, v9;
	v10 =	vsel vm11, $0x2DF2, v10;
	v11 =	vsel vm11, $0xDF3, v11  }
0x37: {  	v12 =	vsel vm11, $0x2DF3, v12;
	v13 =	vsel vm11, $0xDF4, v13;
	v14 =	vsel vm11, $0x2DF4, v14  }
0x38: {  	v15 =	vsel vm11, $0xDF5, v15;
	v16 =	vsel vm11, $0x2DF5, v16;
	v17 =	vsel vm11, $0xDF6, v17  }
0x39: {  	v18 =	vsel vm11, $0x2DF6, v18;
	v19 =	vsel vm11, $0xDF7, v19;
	v20 =	vsel vm11, $0x2DF7, v20  }
0x3a: {  	v21 =	vsel vm11, $0xDF8, v21;
	v22 =	vsel vm11, $0x2DF8, v22;
	v23 =	vsel vm11, $0xDF9, v23  }
0x3b: {  	v24 =	vsel vm11, $0x2DF9, v24;
	v25 =	vsel vm11, $0xDFA, v25;
	v26 =	vsel vm11, $0x2DFA, v26  }
0x3c: {  	v27 =	vsel vm11, $0xDFB, v27;
	v28 =	vsel vm11, $0x2DFB, v28;
	v29 =	vsel vm11, $0xDFC, v29  }
0x3d: {  	v30 =	vsel vm11, $0x2DFC, v30;
	v31 =	vsel vm11, $0xDFD, v31;
	v32 =	vsel vm11, $0x2DFD, v32  }
0x3e: {  	v33 =	vsel vm11, $0xDFE, v33;
	v34 =	vsel vm11, $0x2DFE, v34;
	v35 =	vsel vm11, $0xDFF, v35  }
0x3f: {  	v36 =	vsel vm11, $0x2DFF, v36;
	v0 =	vsel vm10, $0x200, v0;
	v4 =	vsel vm10, $0x2200, v4  }
0x40: {  	v5 =	vsel vm10, $0xE70, v5;
	v6 =	vsel vm10, $0x2E70, v6;
	v7 =	vsel vm10, $0xE71, v7  }
0x41: {  	v8 =	vsel vm10, $0x2E71, v8;
	v9 =	vsel vm10, $0xE72, v9;
	v10 =	vsel vm10, $0x2E72, v10  }
0x42: {  	v11 =	vsel vm10, $0xE73, v11;
	v12 =	vsel vm10, $0x2E73, v12;
	v13 =	vsel vm10, $0xE74, v13  }
0x43: {  	v14 =	vsel vm10, $0x2E74, v14;
	v15 =	vsel vm10, $0xE75, v15;
	v16 =	vsel vm10, $0x2E75, v16  }
0x44: {  	v17 =	vsel vm10, $0xE76, v17;
	v18 =	vsel vm10, $0x2E76, v18;
	v19 =	vsel vm10, $0xE77, v19  }
0x45: {  	v20 =	vsel vm10, $0x2E77, v20;
	v21 =	vsel vm10, $0xE78, v21;
	v22 =	vsel vm10, $0x2E78, v22  }
0x46: {  	v23 =	vsel vm10, $0xE79, v23;
	v24 =	vsel vm10, $0x2E79, v24;
	v25 =	vsel vm10, $0xE7A, v25  }
0x47: {  	v26 =	vsel vm10, $0x2E7A, v26;
	v27 =	vsel vm10, $0xE7B, v27;
	v28 =	vsel vm10, $0x2E7B, v28  }
0x48: {  	v29 =	vsel vm10, $0xE7C, v29;
	v30 =	vsel vm10, $0x2E7C, v30;
	v31 =	vsel vm10, $0xE7D, v31  }
0x49: {  	v32 =	vsel vm10, $0x2E7D, v32;
	v33 =	vsel vm10, $0xE7E, v33;
	v34 =	vsel vm10, $0x2E7E, v34  }
0x4a: {  	v35 =	vsel vm10, $0xE7F, v35;
	v36 =	vsel vm10, $0x2E7F, v36;
	v0 =	vsel vm9, $0x280, v0  }
0x4b: {  	v4 =	vsel vm9, $0x2280, v4;
	v5 =	vsel vm9, $0xEF0, v5;
	v6 =	vsel vm9, $0x2EF0, v6  }
0x4c: {  	v7 =	vsel vm9, $0xEF1, v7;
	v8 =	vsel vm9, $0x2EF1, v8;
	v9 =	vsel vm9, $0xEF2, v9  }
0x4d: {  	v10 =	vsel vm9, $0x2EF2, v10;
	v11 =	vsel vm9, $0xEF3, v11;
	v12 =	vsel vm9, $0x2EF3, v12  }
0x4e: {  	v13 =	vsel vm9, $0xEF4, v13;
	v14 =	vsel vm9, $0x2EF4, v14;
	v15 =	vsel vm9, $0xEF5, v15  }
0x4f: {  	v16 =	vsel vm9, $0x2EF5, v16;
	v17 =	vsel vm9, $0xEF6, v17;
	v18 =	vsel vm9, $0x2EF6, v18  }
0x50: {  	v19 =	vsel vm9, $0xEF7, v19;
	v20 =	vsel vm9, $0x2EF7, v20;
	v21 =	vsel vm9, $0xEF8, v21  }
0x51: {  	v22 =	vsel vm9, $0x2EF8, v22;
	v23 =	vsel vm9, $0xEF9, v23;
	v24 =	vsel vm9, $0x2EF9, v24  }
0x52: {  	v25 =	vsel vm9, $0xEFA, v25;
	v26 =	vsel vm9, $0x2EFA, v26;
	v27 =	vsel vm9, $0xEFB, v27  }
0x53: {  	v28 =	vsel vm9, $0x2EFB, v28;
	v29 =	vsel vm9, $0xEFC, v29;
	v30 =	vsel vm9, $0x2EFC, v30  }
0x54: {  	v31 =	vsel vm9, $0xEFD, v31;
	v32 =	vsel vm9, $0x2EFD, v32;
	v33 =	vsel vm9, $0xEFE, v33  }
0x55: {  	v34 =	vsel vm9, $0x2EFE, v34;
	v35 =	vsel vm9, $0xEFF, v35;
	v36 =	vsel vm9, $0x2EFF, v36  }
0x56: {  	v0 =	vsel vm8, $0x300, v0;
	v4 =	vsel vm8, $0x2300, v4;
	v5 =	vsel vm8, $0xF70, v5  }
0x57: {  	v6 =	vsel vm8, $0x2F70, v6;
	v7 =	vsel vm8, $0xF71, v7;
	v8 =	vsel vm8, $0x2F71, v8  }
0x58: {  	v9 =	vsel vm8, $0xF72, v9;
	v10 =	vsel vm8, $0x2F72, v10;
	v11 =	vsel vm8, $0xF73, v11  }
0x59: {  	v12 =	vsel vm8, $0x2F73, v12;
	v13 =	vsel vm8, $0xF74, v13;
	v14 =	vsel vm8, $0x2F74, v14  }
0x5a: {  	v15 =	vsel vm8, $0xF75, v15;
	v16 =	vsel vm8, $0x2F75, v16;
	v17 =	vsel vm8, $0xF76, v17  }
0x5b: {  	v18 =	vsel vm8, $0x2F76, v18;
	v19 =	vsel vm8, $0xF77, v19;
	v20 =	vsel vm8, $0x2F77, v20  }
0x5c: {  	v21 =	vsel vm8, $0xF78, v21;
	v22 =	vsel vm8, $0x2F78, v22;
	v23 =	vsel vm8, $0xF79, v23  }
0x5d: {  	v24 =	vsel vm8, $0x2F79, v24;
	v25 =	vsel vm8, $0xF7A, v25;
	v26 =	vsel vm8, $0x2F7A, v26  }
0x5e: {  	v27 =	vsel vm8, $0xF7B, v27;
	v28 =	vsel vm8, $0x2F7B, v28;
	v29 =	vsel vm8, $0xF7C, v29  }
0x5f: {  	v30 =	vsel vm8, $0x2F7C, v30;
	v31 =	vsel vm8, $0xF7D, v31;
	v32 =	vsel vm8, $0x2F7D, v32  }
0x60: {  	v33 =	vsel vm8, $0xF7E, v33;
	v34 =	vsel vm8, $0x2F7E, v34;
	v35 =	vsel vm8, $0xF7F, v35  }
0x61: {  	v36 =	vsel vm8, $0x2F7F, v36;
	v0 =	vsel vm7, $0x380, v0;
	v4 =	vsel vm7, $0x2380, v4  }
0x62: {  	v5 =	vsel vm7, $0xFF0, v5;
	v6 =	vsel vm7, $0x2FF0, v6;
	v7 =	vsel vm7, $0xFF1, v7  }
0x63: {  	v8 =	vsel vm7, $0x2FF1, v8;
	v9 =	vsel vm7, $0xFF2, v9;
	v10 =	vsel vm7, $0x2FF2, v10  }
0x64: {  	v11 =	vsel vm7, $0xFF3, v11;
	v12 =	vsel vm7, $0x2FF3, v12;
	v13 =	vsel vm7, $0xFF4, v13  }
0x65: {  	v14 =	vsel vm7, $0x2FF4, v14;
	v15 =	vsel vm7, $0xFF5, v15;
	v16 =	vsel vm7, $0x2FF5, v16  }
0x66: {  	v17 =	vsel vm7, $0xFF6, v17;
	v18 =	vsel vm7, $0x2FF6, v18;
	v19 =	vsel vm7, $0xFF7, v19  }
0x67: {  	v20 =	vsel vm7, $0x2FF7, v20;
	v21 =	vsel vm7, $0xFF8, v21;
	v22 =	vsel vm7, $0x2FF8, v22  }
0x68: {  	v23 =	vsel vm7, $0xFF9, v23;
	v24 =	vsel vm7, $0x2FF9, v24;
	v25 =	vsel vm7, $0xFFA, v25  }
0x69: {  	v26 =	vsel vm7, $0x2FFA, v26;
	v27 =	vsel vm7, $0xFFB, v27;
	v28 =	vsel vm7, $0x2FFB, v28  }
0x6a: {  	v29 =	vsel vm7, $0xFFC, v29;
	v30 =	vsel vm7, $0x2FFC, v30;
	v31 =	vsel vm7, $0xFFD, v31  }
0x6b: {  	v32 =	vsel vm7, $0x2FFD, v32;
	v33 =	vsel vm7, $0xFFE, v33;
	v34 =	vsel vm7, $0x2FFE, v34  }
0x6c: {  	v35 =	vsel vm7, $0xFFF, v35;
	v36 =	vsel vm7, $0x2FFF, v36;
	v0 =	vsel vm6, $0x1000, v0  }
0x6d: {  	v4 =	vsel vm6, $0x3000, v4;
	v5 =	vsel vm6, $0x1C70, v5;
	v6 =	vsel vm6, $0x3C70, v6  }
0x6e: {  	v7 =	vsel vm6, $0x1C71, v7;
	v8 =	vsel vm6, $0x3C71, v8;
	v9 =	vsel vm6, $0x1C72, v9  }
0x6f: {  	v10 =	vsel vm6, $0x3C72, v10;
	v11 =	vsel vm6, $0x1C73, v11;
	v12 =	vsel vm6, $0x3C73, v12  }
0x70: {  	v13 =	vsel vm6, $0x1C74, v13;
	v14 =	vsel vm6, $0x3C74, v14;
	v15 =	vsel vm6, $0x1C75, v15  }
0x71: {  	v16 =	vsel vm6, $0x3C75, v16;
	v17 =	vsel vm6, $0x1C76, v17;
	v18 =	vsel vm6, $0x3C76, v18  }
0x72: {  	v19 =	vsel vm6, $0x1C77, v19;
	v20 =	vsel vm6, $0x3C77, v20;
	v21 =	vsel vm6, $0x1C78, v21  }
0x73: {  	v22 =	vsel vm6, $0x3C78, v22;
	v23 =	vsel vm6, $0x1C79, v23;
	v24 =	vsel vm6, $0x3C79, v24  }
0x74: {  	v25 =	vsel vm6, $0x1C7A, v25;
	v26 =	vsel vm6, $0x3C7A, v26;
	v27 =	vsel vm6, $0x1C7B, v27  }
0x75: {  	v28 =	vsel vm6, $0x3C7B, v28;
	v29 =	vsel vm6, $0x1C7C, v29;
	v30 =	vsel vm6, $0x3C7C, v30  }
0x76: {  	v31 =	vsel vm6, $0x1C7D, v31;
	v32 =	vsel vm6, $0x3C7D, v32;
	v33 =	vsel vm6, $0x1C7E, v33  }
0x77: {  	v34 =	vsel vm6, $0x3C7E, v34;
	v35 =	vsel vm6, $0x1C7F, v35;
	v36 =	vsel vm6, $0x3C7F, v36  }
0x78: {  	v0 =	vsel vm5, $0x1080, v0;
	v4 =	vsel vm5, $0x3080, v4;
	v5 =	vsel vm5, $0x1CF0, v5  }
0x79: {  	v6 =	vsel vm5, $0x3CF0, v6;
	v7 =	vsel vm5, $0x1CF1, v7;
	v8 =	vsel vm5, $0x3CF1, v8  }
0x7a: {  	v9 =	vsel vm5, $0x1CF2, v9;
	v10 =	vsel vm5, $0x3CF2, v10;
	v11 =	vsel vm5, $0x1CF3, v11  }
0x7b: {  	v12 =	vsel vm5, $0x3CF3, v12;
	v13 =	vsel vm5, $0x1CF4, v13;
	v14 =	vsel vm5, $0x3CF4, v14  }
0x7c: {  	v15 =	vsel vm5, $0x1CF5, v15;
	v16 =	vsel vm5, $0x3CF5, v16;
	v17 =	vsel vm5, $0x1CF6, v17  }
0x7d: {  	v18 =	vsel vm5, $0x3CF6, v18;
	v19 =	vsel vm5, $0x1CF7, v19;
	v20 =	vsel vm5, $0x3CF7, v20  }
0x7e: {  	v21 =	vsel vm5, $0x1CF8, v21;
	v22 =	vsel vm5, $0x3CF8, v22;
	v23 =	vsel vm5, $0x1CF9, v23  }
0x7f: {  	v24 =	vsel vm5, $0x3CF9, v24;
	v25 =	vsel vm5, $0x1CFA, v25;
	v26 =	vsel vm5, $0x3CFA, v26  }
0x80: {  	v27 =	vsel vm5, $0x1CFB, v27;
	v28 =	vsel vm5, $0x3CFB, v28;
	v29 =	vsel vm5, $0x1CFC, v29  }
0x81: {  	v30 =	vsel vm5, $0x3CFC, v30;
	v31 =	vsel vm5, $0x1CFD, v31;
	v32 =	vsel vm5, $0x3CFD, v32  }
0x82: {  	v33 =	vsel vm5, $0x1CFE, v33;
	v34 =	vsel vm5, $0x3CFE, v34;
	v35 =	vsel vm5, $0x1CFF, v35  }
0x83: {  	v36 =	vsel vm5, $0x3CFF, v36;
	v1 =	vsel vm4, $0x1100, v0;
	v0 =	vlaneseq.u32  }
0x84: {  	v4 =	vsel vm4, $0x3100, v4;
	v5 =	vsel vm4, $0x1D70, v5;
	v6 =	vsel vm4, $0x3D70, v6  }
0x85: {  	v7 =	vsel vm4, $0x1D71, v7;
	v8 =	vsel vm4, $0x3D71, v8;
	v9 =	vsel vm4, $0x1D72, v9  }
0x86: {  	v10 =	vsel vm4, $0x3D72, v10;
	v11 =	vsel vm4, $0x1D73, v11;
	v12 =	vsel vm4, $0x3D73, v12  }
0x87: {  	v13 =	vsel vm4, $0x1D74, v13;
	v14 =	vsel vm4, $0x3D74, v14;
	v15 =	vsel vm4, $0x1D75, v15  }
0x88: {  	v16 =	vsel vm4, $0x3D75, v16;
	v17 =	vsel vm4, $0x1D76, v17;
	v18 =	vsel vm4, $0x3D76, v18  }
0x89: {  	v19 =	vsel vm4, $0x1D77, v19;
	v20 =	vsel vm4, $0x3D77, v20;
	v21 =	vsel vm4, $0x1D78, v21  }
0x8a: {  	v22 =	vsel vm4, $0x3D78, v22;
	v23 =	vsel vm4, $0x1D79, v23;
	v24 =	vsel vm4, $0x3D79, v24  }
0x8b: {  	v25 =	vsel vm4, $0x1D7A, v25;
	v26 =	vsel vm4, $0x3D7A, v26;
	v27 =	vsel vm4, $0x1D7B, v27  }
0x8c: {  	v28 =	vsel vm4, $0x3D7B, v28;
	v29 =	vsel vm4, $0x1D7C, v29;
	v30 =	vsel vm4, $0x3D7C, v30  }
0x8d: {  	v31 =	vsel vm4, $0x1D7D, v31;
	v32 =	vsel vm4, $0x3D7D, v32;
	v33 =	vsel vm4, $0x1D7E, v33  }
0x8e: {  	v34 =	vsel vm4, $0x3D7E, v34;
	v35 =	vsel vm4, $0x1D7F, v35;
	v36 =	vsel vm4, $0x3D7F, v36  }
0x8f: {  	v2 =	vsel vm3, $0x1180, v1;
	v1 =	vmul.u32 $0x80, v0;
	v4 =	vsel vm3, $0x3180, v4  }
0x90: {  	v5 =	vsel vm3, $0x1DF0, v5;
	v6 =	vsel vm3, $0x3DF0, v6;
	v7 =	vsel vm3, $0x1DF1, v7  }
0x91: {  	v8 =	vsel vm3, $0x3DF1, v8;
	v9 =	vsel vm3, $0x1DF2, v9;
	v10 =	vsel vm3, $0x3DF2, v10  }
0x92: {  	v11 =	vsel vm3, $0x1DF3, v11;
	v12 =	vsel vm3, $0x3DF3, v12;
	v13 =	vsel vm3, $0x1DF4, v13  }
0x93: {  	v14 =	vsel vm3, $0x3DF4, v14;
	v15 =	vsel vm3, $0x1DF5, v15;
	v16 =	vsel vm3, $0x3DF5, v16  }
0x94: {  	v17 =	vsel vm3, $0x1DF6, v17;
	v18 =	vsel vm3, $0x3DF6, v18;
	v19 =	vsel vm3, $0x1DF7, v19  }
0x95: {  	v20 =	vsel vm3, $0x3DF7, v20;
	v21 =	vsel vm3, $0x1DF8, v21;
	v22 =	vsel vm3, $0x3DF8, v22  }
0x96: {  	v23 =	vsel vm3, $0x1DF9, v23;
	v24 =	vsel vm3, $0x3DF9, v24;
	v25 =	vsel vm3, $0x1DFA, v25  }
0x97: {  	v26 =	vsel vm3, $0x3DFA, v26;
	v27 =	vsel vm3, $0x1DFB, v27;
	v28 =	vsel vm3, $0x3DFB, v28  }
0x98: {  	v29 =	vsel vm3, $0x1DFC, v29;
	v30 =	vsel vm3, $0x3DFC, v30;
	v31 =	vsel vm3, $0x1DFD, v31  }
0x99: {  	v32 =	vsel vm3, $0x3DFD, v32;
	v33 =	vsel vm3, $0x1DFE, v33;
	v34 =	vsel vm3, $0x3DFE, v34  }
0x9a: {  	v35 =	vsel vm3, $0x1DFF, v35;
	v36 =	vsel vm3, $0x3DFF, v36;
	v2 =	vsel vm2, $0x1200, v2  }
0x9b: {  	v4 =	vsel vm2, $0x3200, v4;
	v5 =	vsel vm2, $0x1E70, v5;
	v6 =	vsel vm2, $0x3E70, v6  }
0x9c: {  	v7 =	vsel vm2, $0x1E71, v7;
	v8 =	vsel vm2, $0x3E71, v8;
	v9 =	vsel vm2, $0x1E72, v9  }
0x9d: {  	v10 =	vsel vm2, $0x3E72, v10;
	v11 =	vsel vm2, $0x1E73, v11;
	v12 =	vsel vm2, $0x3E73, v12  }
0x9e: {  	v13 =	vsel vm2, $0x1E74, v13;
	v14 =	vsel vm2, $0x3E74, v14;
	v15 =	vsel vm2, $0x1E75, v15  }
0x9f: {  	v16 =	vsel vm2, $0x3E75, v16;
	v17 =	vsel vm2, $0x1E76, v17;
	v18 =	vsel vm2, $0x3E76, v18  }
0xa0: {  	v19 =	vsel vm2, $0x1E77, v19;
	v20 =	vsel vm2, $0x3E77, v20;
	v21 =	vsel vm2, $0x1E78, v21  }
0xa1: {  	v22 =	vsel vm2, $0x3E78, v22;
	v23 =	vsel vm2, $0x1E79, v23;
	v24 =	vsel vm2, $0x3E79, v24  }
0xa2: {  	v25 =	vsel vm2, $0x1E7A, v25;
	v26 =	vsel vm2, $0x3E7A, v26;
	v27 =	vsel vm2, $0x1E7B, v27  }
0xa3: {  	v28 =	vsel vm2, $0x3E7B, v28;
	v29 =	vsel vm2, $0x1E7C, v29;
	v30 =	vsel vm2, $0x3E7C, v30  }
0xa4: {  	v31 =	vsel vm2, $0x1E7D, v31;
	v32 =	vsel vm2, $0x3E7D, v32;
	v33 =	vsel vm2, $0x1E7E, v33  }
0xa5: {  	v34 =	vsel vm2, $0x3E7E, v34;
	v35 =	vsel vm2, $0x1E7F, v35;
	v36 =	vsel vm2, $0x3E7F, v36  }
0xa6: {  	v2 =	vsel vm1, $0x1280, v2;
	v3 =	vor.u32 $0x800, v1;
	v4 =	vsel vm1, $0x3280, v4  }
0xa7: {  	v5 =	vsel vm1, $0x1EF0, v5;
	v6 =	vsel vm1, $0x3EF0, v6;
	v7 =	vsel vm1, $0x1EF1, v7  }
0xa8: {  	s1 =	rddreg [dreg:$0x0];
	v8 =	vsel vm1, $0x3EF1, v8;
	v9 =	vsel vm1, $0x1EF2, v9;
	v10 =	vsel vm1, $0x3EF2, v10  }
0xa9: {  	s0 =	rddreg [dreg:$0x1];
	v11 =	vsel vm1, $0x1EF3, v11;
	v12 =	vsel vm1, $0x3EF3, v12;
	v13 =	vsel vm1, $0x1EF4, v13  }
0xaa: {  	s3 =	rddreg [dreg:$0x2];
	s2 =	simm.s32 $0x0;
	v14 =	vsel vm1, $0x3EF4, v14;
	v15 =	vsel vm1, $0x1EF5, v15;
	v16 =	vsel vm1, $0x3EF5, v16  }
0xab: {  	s4 =	srdreg.scid;
	s6 =	stileid.u32;
	s11 =	simm.s32 $0x300;
	v17 =	vsel vm1, $0x1EF6, v17;
	v18 =	vsel vm1, $0x3EF6, v18;
	v19 =	vsel vm1, $0x1EF7, v19  }
0xac: {  	s17 =	simm.s32 $0x700;
	s18 =	simm.s32 $0xB00;
	s20 =	simm.s32 $0xF00;
	v20 =	vsel vm1, $0x3EF7, v20;
	v21 =	vsel vm1, $0x1EF8, v21;
	v22 =	vsel vm1, $0x3EF8, v22  }
0xad: {  	s15 =	simm.s32 $0x1300;
	s19 =	simm.s32 $0x2300;
	s29 =	simm.s32 $0x2B00;
	v23 =	vsel vm1, $0x1EF9, v23;
	v24 =	vsel vm1, $0x3EF9, v24;
	v25 =	vsel vm1, $0x1EFA, v25  }
0xae: {  	s31 =	simm.s32 $0x2F00;
	s28 =	simm.s32 $0x4300;
	s10 =	simm.s32 $0x7300;
	v26 =	vsel vm1, $0x3EFA, v26;
	v27 =	vsel vm1, $0x1EFB, v27;
	v28 =	vsel vm1, $0x3EFB, v28  }
0xaf: {  	s16 =	simm.s32 $0x8300;
	s21 =	simm.s32 $0x9300;
	s9 =	simm.s32 $0xC300;
	v29 =	vsel vm1, $0x1EFC, v29;
	v30 =	vsel vm1, $0x3EFC, v30;
	v31 =	vsel vm1, $0x1EFD, v31  }
0xb0: {  	s14 =	simm.s32 $0xD300;
	s22 =	simm.s32 $0xE300;
	s30 =	simm.s32 $0xF300;
	v32 =	vsel vm1, $0x3EFD, v32;
	v33 =	vsel vm1, $0x1EFE, v33;
	v34 =	vsel vm1, $0x3EFE, v34  }
0xb1: {  	s8 =	simm.s32 $0x1;
	s12 =	simm.s32 $0x2;
	s13 =	simm.s32 $0x0;
	v35 =	vsel vm1, $0x1EFF, v35;
	v36 =	vsel vm1, $0x3EFF, v36;
	v2 =	vsel vm0, $0x1300, v2  }
0xb2: {  	[smem:$0x7FF] =	sst s2;
	s4 =	sand.u32 $0x1, s4;
	s6 =	sshll.u32 s6, $0xA;
	v4 =	vsel vm0, $0x3300, v4;
	v5 =	vsel vm0, $0x1F70, v5;
	v6 =	vsel vm0, $0x3F70, v6  }
0xb3: {  	s5 =	ssub.s32 $0x2, s4;
	s4 =	sshll.u32 s4, $0x9;
	_ =	strace $0x80000047;
	v7 =	vsel vm0, $0x1F71, v7;
	v8 =	vsel vm0, $0x3F71, v8;
	v9 =	vsel vm0, $0x1F72, v9  }
0xb4: {  	[dreg:$0xa] =	wrdreg s13;
	s7 =	sshrl.u32 s5, $0x1;
	s4 =	sor.u32 s4, s6;
	v10 =	vsel vm0, $0x3F72, v10;
	v11 =	vsel vm0, $0x1F73, v11;
	v12 =	vsel vm0, $0x3F73, v12  }
0xb5: {  	s5 =	ssub.s32 s5, s7;
	s6 =	sshrl.u32 s4, $0x3;
	s3 =	sadd.s32 s3, s4;
	v13 =	vsel vm0, $0x1F74, v13;
	v14 =	vsel vm0, $0x3F74, v14;
	v15 =	vsel vm0, $0x1F75, v15  }
0xb6: {  	s7 =	simm.s32 $0x6300;
	s1 =	sadd.s32 s1, s6;
	[dreg:$0x4] =	wrdreg s3;
	v16 =	vsel vm0, $0x3F75, v16;
	v17 =	vsel vm0, $0x1F76, v17;
	v18 =	vsel vm0, $0x3F76, v18  }
0xb7: {  	s4 =	simm.s32 $0x10300;
	s23 =	sadd.s32 $0x4000, s3;
	[dreg:$0x5] =	wrdreg s1;
	v19 =	vsel vm0, $0x1F77, v19;
	v20 =	vsel vm0, $0x3F77, v20;
	v21 =	vsel vm0, $0x1F78, v21  }
0xb8: {  	s24 =	sadd.s32 $0x8000, s3;
	s25 =	sadd.s32 $0xC000, s3;
	[dreg:$0x6] =	wrdreg s23;
	v22 =	vsel vm0, $0x3F78, v22;
	v23 =	vsel vm0, $0x1F79, v23;
	v24 =	vsel vm0, $0x3F79, v24  }
0xb9: {  	s26 =	smax.u32 s5, $0x1;
	s5 =	simm.s32 $0x1B00;
	[dreg:$0x7] =	wrdreg s24;
	v25 =	vsel vm0, $0x1F7A, v25;
	v26 =	vsel vm0, $0x3F7A, v26;
	v27 =	vsel vm0, $0x1F7B, v27  }
0xba: {  	s6 =	simm.s32 $0x1F00;
	s3 =	simm.s32 $0xB300;
	[dreg:$0x8] =	wrdreg s25;
	v28 =	vsel vm0, $0x3F7B, v28;
	v29 =	vsel vm0, $0x1F7C, v29;
	v30 =	vsel vm0, $0x3F7C, v30  }
0xbb: {  	[dreg:$0x9] =	wrdreg s26;
	s24 =	simm.s32 $0x1700;
	s25 =	simm.s32 $0x2700;
	v31 =	vsel vm0, $0x1F7D, v31;
	v32 =	vsel vm0, $0x3F7D, v32;
	v33 =	vsel vm0, $0x1F7E, v33  }
0xbc: {  	s23 =	simm.s32 $0x3300;
	s1 =	simm.s32 $0x5300;
	s26 =	simm.s32 $0xA300;
	v34 =	vsel vm0, $0x3F7E, v34;
	v35 =	vsel vm0, $0x1F7F, v35;
	v36 =	vsel vm0, $0x3F7F, v36  }
.LBB2_1:
0xbd: {  	s13 =	rddreg [dreg:$0x5]  }
0xbe: {  	[tilespmem:s2], [sflag:$0x4] =	stream.linear.gather [hbm4b:s13+s2], $0x200, $0x38;
	[tilespmem:$0x14300] =	vst v63  }
0xbf: {  	s13 =	simm.s32 $0x4  }
0xc0: {  	_ =	swait.ge [sflag:s13], $0x200  }
0xc1: {  	[sflag:s13] =	ssyncset.done $0x0  }
0xc2: {  	[sflag:s13] =	ssyncadd.s32 $0xFFFFFE00  }
0xc3: {  	v37 =	vld [tilespmem:$0x0];
	_ =	sdelay $0x4  }
0xc4: {  	(v2sf) =	vpush v37, $0x0;
	_ =	sdelay $0x8  }
0xc5: {  	[tilespmem:$0x280] =	vst v0  }
0xc6: {  	v38 =	vld.msk [tilespmem:$0x280], $0xf;
	_ =	sdelay $0x4  }
0xc7: {  	v38 =	vmul.u32 $0x7A1400, v38;
	s13 =	spop (v2sf)  }
0xc8: {  	s13 =	sand.u32 $0xFFFFF80, s13  }
0xc9: {  	v38 =	vshrl.u32 v38, $0x3;
	s13 =	sadd.s32 s0, s13  }
0xca: {  	v38 =	vadd.s32 s13, v38  }
0xcb: {  	(v2sf) =	vpush v38, $0x0;
	_ =	sdelay $0x1  }
0xcc: {  	(v2sf) =	vpush v38, $0x1;
	_ =	sdelay $0x1  }
0xcd: {  	(v2sf) =	vpush v38, $0x2;
	_ =	sdelay $0x1  }
0xce: {  	(v2sf) =	vpush v38, $0x3;
	_ =	sdelay $0x6  }
0xcf: {  	(v2sf) =	vpush v37, $0x1;
	_ =	sdelay $0x1  }
0xd0: {  	s13 =	spop (v2sf)  }
0xd1: {  	[tilespmem:s11], [sflag:$0x1] =	stream.linear.gather [hbm4b:s13+s2], $0x400, $0x38;
	[tilespmem:$0x14300] =	vst v63  }
0xd2: {  	s13 =	spop (v2sf)  }
0xd3: {  	[tilespmem:s17], [sflag:$0x1] =	stream.linear.gather [hbm4b:s13+s2], $0x400, $0x38;
	[tilespmem:$0x14300] =	vst v63  }
0xd4: {  	s17 =	spop (v2sf)  }
0xd5: {  	[tilespmem:s18], [sflag:$0x1] =	stream.linear.gather [hbm4b:s17+s2], $0x400, $0x38;
	[tilespmem:$0x14300] =	vst v63  }
0xd6: {  	s18 =	spop (v2sf)  }
0xd7: {  	[tilespmem:s20], [sflag:$0x1] =	stream.linear.gather [hbm4b:s18+s2], $0x400, $0x38;
	[tilespmem:$0x14300] =	vst v63  }
0xd8: {  	v57 =	vld.msk [tilespmem:$0x280], $0xf;
	_ =	sdelay $0x4  }
0xd9: {  	s17 =	spop (v2sf);
	v38 =	vmul.u32 $0x7A1400, v57  }
0xda: {  	s13 =	sand.u32 $0xFFFFF80, s17  }
0xdb: {  	s13 =	sadd.s32 s0, s13;
	v38 =	vshrl.u32 v38, $0x3  }
0xdc: {  	v38 =	vadd.s32 s13, v38  }
0xdd: {  	(v2sf) =	vpush v38, $0x0;
	_ =	sdelay $0x1  }
0xde: {  	(v2sf) =	vpush v38, $0x1;
	_ =	sdelay $0x1  }
0xdf: {  	(v2sf) =	vpush v38, $0x2;
	_ =	sdelay $0x1  }
0xe0: {  	(v2sf) =	vpush v38, $0x3;
	_ =	sdelay $0x6  }
0xe1: {  	(v2sf) =	vpush v37, $0x2;
	_ =	sdelay $0x1  }
0xe2: {  	s18 =	spop (v2sf)  }
0xe3: {  	[tilespmem:s15], [sflag:$0x1] =	stream.linear.gather [hbm4b:s18+s2], $0x400, $0x38;
	[tilespmem:$0x14300] =	vst v63  }
0xe4: {  	s20 =	spop (v2sf)  }
0xe5: {  	[tilespmem:s24], [sflag:$0x1] =	stream.linear.gather [hbm4b:s20+s2], $0x400, $0x38;
	[tilespmem:$0x14300] =	vst v63  }
0xe6: {  	s24 =	spop (v2sf)  }
0xe7: {  	[tilespmem:s5], [sflag:$0x1] =	stream.linear.gather [hbm4b:s24+s2], $0x400, $0x38;
	[tilespmem:$0x14300] =	vst v63  }
0xe8: {  	s17 =	spop (v2sf)  }
0xe9: {  	[tilespmem:s6], [sflag:$0x1] =	stream.linear.gather [hbm4b:s17+s2], $0x400, $0x38;
	[tilespmem:$0x14300] =	vst v63  }
0xea: {  	v58 =	vld.msk [tilespmem:$0x280], $0xf;
	_ =	sdelay $0x4  }
0xeb: {  	s18 =	spop (v2sf);
	v38 =	vmul.u32 $0x7A1400, v58  }
0xec: {  	s13 =	sand.u32 $0xFFFFF80, s18  }
0xed: {  	s13 =	sadd.s32 s0, s13;
	v38 =	vshrl.u32 v38, $0x3  }
0xee: {  	v38 =	vadd.s32 s13, v38  }
0xef: {  	(v2sf) =	vpush v38, $0x0;
	_ =	sdelay $0x1  }
0xf0: {  	(v2sf) =	vpush v38, $0x1;
	_ =	sdelay $0x1  }
0xf1: {  	(v2sf) =	vpush v38, $0x2;
	_ =	sdelay $0x1  }
0xf2: {  	(v2sf) =	vpush v38, $0x3;
	_ =	sdelay $0x6  }
0xf3: {  	(v2sf) =	vpush v37, $0x3;
	_ =	sdelay $0x1  }
0xf4: {  	s20 =	spop (v2sf)  }
0xf5: {  	[tilespmem:s19], [sflag:$0x1] =	stream.linear.gather [hbm4b:s20+s2], $0x400, $0x38;
	[tilespmem:$0x14300] =	vst v63  }
0xf6: {  	s24 =	spop (v2sf)  }
0xf7: {  	[tilespmem:s25], [sflag:$0x1] =	stream.linear.gather [hbm4b:s24+s2], $0x400, $0x38;
	[tilespmem:$0x14300] =	vst v63  }
0xf8: {  	s25 =	spop (v2sf)  }
0xf9: {  	[tilespmem:s29], [sflag:$0x1] =	stream.linear.gather [hbm4b:s25+s2], $0x400, $0x38;
	[tilespmem:$0x14300] =	vst v63  }
0xfa: {  	s5 =	spop (v2sf)  }
0xfb: {  	[tilespmem:s31], [sflag:$0x1] =	stream.linear.gather [hbm4b:s5+s2], $0x400, $0x38;
	[tilespmem:$0x14300] =	vst v63  }
0xfc: {  	v59 =	vld.msk [tilespmem:$0x280], $0xf;
	_ =	sdelay $0x4  }
0xfd: {  	s6 =	spop (v2sf);
	v38 =	vmul.u32 $0x7A1400, v59  }
0xfe: {  	s13 =	sand.u32 $0xFFFFF80, s6  }
0xff: {  	s13 =	sadd.s32 s0, s13;
	v38 =	vshrl.u32 v38, $0x3  }
0x100: {  	v38 =	vadd.s32 s13, v38  }
0x101: {  	(v2sf) =	vpush v38, $0x0;
	_ =	sdelay $0x1  }
0x102: {  	(v2sf) =	vpush v38, $0x1;
	_ =	sdelay $0x1  }
0x103: {  	(v2sf) =	vpush v38, $0x2;
	_ =	sdelay $0x1  }
0x104: {  	(v2sf) =	vpush v38, $0x3;
	_ =	sdelay $0x6  }
0x105: {  	(v2sf) =	vpush v37, $0x4;
	_ =	sdelay $0x1  }
0x106: {  	s17 =	spop (v2sf)  }
0x107: {  	[tilespmem:s23], [sflag:$0x1] =	stream.linear.gather [hbm4b:s17+s2], $0x400, $0x38;
	[tilespmem:$0x14300] =	vst v63  }
0x108: {  	s20 =	simm.s32 $0x3700;
	s18 =	spop (v2sf)  }
0x109: {  	[tilespmem:s20], [sflag:$0x1] =	stream.linear.gather [hbm4b:s18+s2], $0x400, $0x38;
	[tilespmem:$0x14300] =	vst v63  }
0x10a: {  	s25 =	simm.s32 $0x3B00;
	s24 =	spop (v2sf)  }
0x10b: {  	[tilespmem:s25], [sflag:$0x1] =	stream.linear.gather [hbm4b:s24+s2], $0x400, $0x38;
	[tilespmem:$0x14300] =	vst v63  }
0x10c: {  	s17 =	simm.s32 $0x3F00;
	s6 =	spop (v2sf)  }
0x10d: {  	[tilespmem:s17], [sflag:$0x1] =	stream.linear.gather [hbm4b:s6+s2], $0x400, $0x38;
	[tilespmem:$0x14300] =	vst v63  }
0x10e: {  	v60 =	vld.msk [tilespmem:$0x280], $0xf;
	_ =	sdelay $0x4  }
0x10f: {  	s18 =	spop (v2sf);
	v38 =	vmul.u32 $0x7A1400, v60  }
0x110: {  	s13 =	sand.u32 $0xFFFFF80, s18  }
0x111: {  	s13 =	sadd.s32 s0, s13;
	v38 =	vshrl.u32 v38, $0x3  }
0x112: {  	v38 =	vadd.s32 s13, v38  }
0x113: {  	(v2sf) =	vpush v38, $0x0;
	_ =	sdelay $0x1  }
0x114: {  	(v2sf) =	vpush v38, $0x1;
	_ =	sdelay $0x1  }
0x115: {  	(v2sf) =	vpush v38, $0x2;
	_ =	sdelay $0x1  }
0x116: {  	(v2sf) =	vpush v38, $0x3;
	_ =	sdelay $0x6  }
0x117: {  	(v2sf) =	vpush v37, $0x5;
	_ =	sdelay $0x1  }
0x118: {  	s20 =	spop (v2sf)  }
0x119: {  	[tilespmem:s28], [sflag:$0x1] =	stream.linear.gather [hbm4b:s20+s2], $0x400, $0x38;
	[tilespmem:$0x14300] =	vst v63  }
0x11a: {  	s25 =	simm.s32 $0x4700;
	s24 =	spop (v2sf)  }
0x11b: {  	[tilespmem:s25], [sflag:$0x1] =	stream.linear.gather [hbm4b:s24+s2], $0x400, $0x38;
	[tilespmem:$0x14300] =	vst v63  }
0x11c: {  	s17 =	simm.s32 $0x4B00;
	s6 =	spop (v2sf)  }
0x11d: {  	[tilespmem:s17], [sflag:$0x1] =	stream.linear.gather [hbm4b:s6+s2], $0x400, $0x38;
	[tilespmem:$0x14300] =	vst v63  }
0x11e: {  	s20 =	simm.s32 $0x4F00;
	s18 =	spop (v2sf)  }
0x11f: {  	[tilespmem:s20], [sflag:$0x1] =	stream.linear.gather [hbm4b:s18+s2], $0x400, $0x38;
	[tilespmem:$0x14300] =	vst v63  }
0x120: {  	v61 =	vld.msk [tilespmem:$0x280], $0xf;
	_ =	sdelay $0x4  }
0x121: {  	s24 =	spop (v2sf);
	v38 =	vmul.u32 $0x7A1400, v61  }
0x122: {  	s13 =	sand.u32 $0xFFFFF80, s24  }
0x123: {  	s13 =	sadd.s32 s0, s13;
	v38 =	vshrl.u32 v38, $0x3  }
0x124: {  	v38 =	vadd.s32 s13, v38  }
0x125: {  	(v2sf) =	vpush v38, $0x0;
	_ =	sdelay $0x1  }
0x126: {  	(v2sf) =	vpush v38, $0x1;
	_ =	sdelay $0x1  }
0x127: {  	(v2sf) =	vpush v38, $0x2;
	_ =	sdelay $0x1  }
0x128: {  	(v2sf) =	vpush v38, $0x3;
	_ =	sdelay $0x6  }
0x129: {  	(v2sf) =	vpush v37, $0x6;
	_ =	sdelay $0x1  }
0x12a: {  	s25 =	spop (v2sf)  }
0x12b: {  	[tilespmem:s1], [sflag:$0x1] =	stream.linear.gather [hbm4b:s25+s2], $0x400, $0x38;
	[tilespmem:$0x14300] =	vst v63  }
0x12c: {  	s6 =	simm.s32 $0x5700;
	s5 =	spop (v2sf)  }
0x12d: {  	[tilespmem:s6], [sflag:$0x1] =	stream.linear.gather [hbm4b:s5+s2], $0x400, $0x38;
	[tilespmem:$0x14300] =	vst v63  }
0x12e: {  	s18 =	simm.s32 $0x5B00;
	s17 =	spop (v2sf)  }
0x12f: {  	[tilespmem:s18], [sflag:$0x1] =	stream.linear.gather [hbm4b:s17+s2], $0x400, $0x38;
	[tilespmem:$0x14300] =	vst v63  }
0x130: {  	s24 =	simm.s32 $0x5F00;
	s20 =	spop (v2sf)  }
0x131: {  	[tilespmem:s24], [sflag:$0x1] =	stream.linear.gather [hbm4b:s20+s2], $0x400, $0x38;
	[tilespmem:$0x14300] =	vst v63  }
0x132: {  	v62 =	vld.msk [tilespmem:$0x280], $0xf;
	_ =	sdelay $0x4  }
0x133: {  	s25 =	spop (v2sf);
	v38 =	vmul.u32 $0x7A1400, v62  }
0x134: {  	s13 =	sand.u32 $0xFFFFF80, s25  }
0x135: {  	s13 =	sadd.s32 s0, s13;
	v38 =	vshrl.u32 v38, $0x3  }
0x136: {  	v38 =	vadd.s32 s13, v38  }
0x137: {  	(v2sf) =	vpush v38, $0x0;
	_ =	sdelay $0x1  }
0x138: {  	(v2sf) =	vpush v38, $0x1;
	_ =	sdelay $0x1  }
0x139: {  	(v2sf) =	vpush v38, $0x2;
	_ =	sdelay $0x1  }
0x13a: {  	(v2sf) =	vpush v38, $0x3;
	_ =	sdelay $0x6  }
0x13b: {  	(v2sf) =	vpush v37, $0x7;
	_ =	sdelay $0x1  }
0x13c: {  	s5 =	spop (v2sf)  }
0x13d: {  	[tilespmem:s7], [sflag:$0x1] =	stream.linear.gather [hbm4b:s5+s2], $0x400, $0x38;
	[tilespmem:$0x14300] =	vst v63  }
0x13e: {  	s17 =	simm.s32 $0x6700;
	s6 =	spop (v2sf)  }
0x13f: {  	[tilespmem:s17], [sflag:$0x1] =	stream.linear.gather [hbm4b:s6+s2], $0x400, $0x38;
	[tilespmem:$0x14300] =	vst v63  }
0x140: {  	s20 =	simm.s32 $0x6B00;
	s18 =	spop (v2sf)  }
0x141: {  	[tilespmem:s20], [sflag:$0x1] =	stream.linear.gather [hbm4b:s18+s2], $0x400, $0x38;
	[tilespmem:$0x14300] =	vst v63  }
0x142: {  	s25 =	simm.s32 $0x6F00;
	s24 =	spop (v2sf)  }
0x143: {  	[tilespmem:s25], [sflag:$0x1] =	stream.linear.gather [hbm4b:s24+s2], $0x400, $0x38;
	[tilespmem:$0x14300] =	vst v63  }
0x144: {  	v63 =	vld.msk [tilespmem:$0x280], $0xf;
	_ =	sdelay $0x4  }
0x145: {  	s6 =	spop (v2sf);
	v37 =	vmul.u32 $0x7A1400, v63  }
0x146: {  	s13 =	sand.u32 $0xFFFFF80, s6  }
0x147: {  	s13 =	sadd.s32 s0, s13;
	v37 =	vshrl.u32 v37, $0x3  }
0x148: {  	v37 =	vadd.s32 s13, v37  }
0x149: {  	(v2sf) =	vpush v37, $0x0;
	_ =	sdelay $0x1  }
0x14a: {  	(v2sf) =	vpush v37, $0x1;
	_ =	sdelay $0x1  }
0x14b: {  	(v2sf) =	vpush v37, $0x2;
	_ =	sdelay $0x1  }
0x14c: {  	(v2sf) =	vpush v37, $0x3;
	_ =	sdelay $0x8  }
0x14d: {  	s17 =	spop (v2sf)  }
0x14e: {  	[tilespmem:s10], [sflag:$0x1] =	stream.linear.gather [hbm4b:s17+s2], $0x400, $0x38;
	[tilespmem:$0x14300] =	vst v63  }
0x14f: {  	s25 =	simm.s32 $0x7700;
	s18 =	spop (v2sf)  }
0x150: {  	[tilespmem:s25], [sflag:$0x1] =	stream.linear.gather [hbm4b:s18+s2], $0x400, $0x38;
	[tilespmem:$0x14300] =	vst v63  }
0x151: {  	s29 =	simm.s32 $0x7F00;
	s6 =	simm.s32 $0x7B00;
	s20 =	spop (v2sf)  }
0x152: {  	[tilespmem:s6], [sflag:$0x1] =	stream.linear.gather [hbm4b:s20+s2], $0x400, $0x38;
	[tilespmem:$0x14300] =	vst v63  }
0x153: {  	s31 =	simm.s32 $0x8700;
	s5 =	simm.s32 $0x8B00;
	s24 =	spop (v2sf)  }
0x154: {  	[tilespmem:s29], [sflag:$0x1] =	stream.linear.gather [hbm4b:s24+s2], $0x400, $0x38;
	[tilespmem:$0x14300] =	vst v63  }
0x155: {  	s13 =	simm.s32 $0x8;
	s17 =	simm.s32 $0x0;
	s24 =	simm.s32 $0x2B00  }
.LBB2_2:
0x156: {  	v37 =	vld [tilespmem:s13+$0x0];
	_ =	sdelay $0x4  }
0x157: {  	(v2sf) =	vpush v37, $0x0;
	_ =	sdelay $0x9  }
0x158: {  	v38 =	vld.msk [tilespmem:$0x280], $0xf;
	_ =	sdelay $0x4  }
0x159: {  	v38 =	vmul.u32 $0x7A1400, v38;
	s18 =	spop (v2sf)  }
0x15a: {  	s18 =	sand.u32 $0xFFFFF80, s18  }
0x15b: {  	v38 =	vshrl.u32 v38, $0x3;
	s18 =	sadd.s32 s0, s18  }
0x15c: {  	v38 =	vadd.s32 s18, v38  }
0x15d: {  	(v2sf) =	vpush v38, $0x0;
	_ =	sdelay $0x1  }
0x15e: {  	(v2sf) =	vpush v38, $0x1;
	_ =	sdelay $0x1  }
0x15f: {  	(v2sf) =	vpush v38, $0x2;
	_ =	sdelay $0x1  }
0x160: {  	(v2sf) =	vpush v38, $0x3;
	_ =	sdelay $0x6  }
0x161: {  	(v2sf) =	vpush v37, $0x1;
	_ =	sdelay $0x1  }
0x162: {  	s20 =	spop (v2sf)  }
0x163: {  	[tilespmem:s16], [sflag:$0x2] =	stream.linear.gather [hbm4b:s20+s2], $0x400, $0x38;
	[tilespmem:$0x14300] =	vst v63  }
0x164: {  	s20 =	spop (v2sf)  }
0x165: {  	[tilespmem:s31], [sflag:$0x2] =	stream.linear.gather [hbm4b:s20+s2], $0x400, $0x38;
	[tilespmem:$0x14300] =	vst v63  }
0x166: {  	s20 =	spop (v2sf)  }
0x167: {  	[tilespmem:s5], [sflag:$0x2] =	stream.linear.gather [hbm4b:s20+s2], $0x400, $0x38;
	[tilespmem:$0x14300] =	vst v63  }
0x168: {  	s18 =	spop (v2sf);
	s20 =	simm.s32 $0x8F00  }
0x169: {  	[tilespmem:s20], [sflag:$0x2] =	stream.linear.gather [hbm4b:s18+s2], $0x400, $0x38;
	[tilespmem:$0x14300] =	vst v63  }
0x16a: {  	v40 =	vld.msk [tilespmem:$0x280], $0xf;
	_ =	sdelay $0x4  }
0x16b: {  	s20 =	spop (v2sf);
	v38 =	vmul.u32 $0x7A1400, v40  }
0x16c: {  	s18 =	sand.u32 $0xFFFFF80, s20  }
0x16d: {  	s18 =	sadd.s32 s0, s18;
	v38 =	vshrl.u32 v38, $0x3  }
0x16e: {  	v38 =	vadd.s32 s18, v38  }
0x16f: {  	(v2sf) =	vpush v38, $0x0;
	_ =	sdelay $0x1  }
0x170: {  	(v2sf) =	vpush v38, $0x1;
	_ =	sdelay $0x1  }
0x171: {  	(v2sf) =	vpush v38, $0x2;
	_ =	sdelay $0x1  }
0x172: {  	(v2sf) =	vpush v38, $0x3;
	_ =	sdelay $0x6  }
0x173: {  	(v2sf) =	vpush v37, $0x2;
	_ =	sdelay $0x1  }
0x174: {  	s20 =	spop (v2sf)  }
0x175: {  	[tilespmem:s21], [sflag:$0x2] =	stream.linear.gather [hbm4b:s20+s2], $0x400, $0x38;
	[tilespmem:$0x14300] =	vst v63  }
0x176: {  	s18 =	spop (v2sf);
	s20 =	simm.s32 $0x9700  }
0x177: {  	[tilespmem:s20], [sflag:$0x2] =	stream.linear.gather [hbm4b:s18+s2], $0x400, $0x38;
	[tilespmem:$0x14300] =	vst v63  }
0x178: {  	s18 =	spop (v2sf);
	s20 =	simm.s32 $0x9B00  }
0x179: {  	[tilespmem:s20], [sflag:$0x2] =	stream.linear.gather [hbm4b:s18+s2], $0x400, $0x38;
	[tilespmem:$0x14300] =	vst v63  }
0x17a: {  	s18 =	spop (v2sf);
	s20 =	simm.s32 $0x9F00  }
0x17b: {  	[tilespmem:s20], [sflag:$0x2] =	stream.linear.gather [hbm4b:s18+s2], $0x400, $0x38;
	[tilespmem:$0x14300] =	vst v63  }
0x17c: {  	v41 =	vld.msk [tilespmem:$0x280], $0xf;
	_ =	sdelay $0x4  }
0x17d: {  	s20 =	spop (v2sf);
	v38 =	vmul.u32 $0x7A1400, v41  }
0x17e: {  	s18 =	sand.u32 $0xFFFFF80, s20  }
0x17f: {  	s18 =	sadd.s32 s0, s18;
	v38 =	vshrl.u32 v38, $0x3  }
0x180: {  	v38 =	vadd.s32 s18, v38  }
0x181: {  	(v2sf) =	vpush v38, $0x0;
	_ =	sdelay $0x1  }
0x182: {  	(v2sf) =	vpush v38, $0x1;
	_ =	sdelay $0x1  }
0x183: {  	(v2sf) =	vpush v38, $0x2;
	_ =	sdelay $0x1  }
0x184: {  	(v2sf) =	vpush v38, $0x3;
	_ =	sdelay $0x6  }
0x185: {  	(v2sf) =	vpush v37, $0x3;
	_ =	sdelay $0x1  }
0x186: {  	s20 =	spop (v2sf)  }
0x187: {  	[tilespmem:s26], [sflag:$0x2] =	stream.linear.gather [hbm4b:s20+s2], $0x400, $0x38;
	[tilespmem:$0x14300] =	vst v63  }
0x188: {  	s18 =	spop (v2sf);
	s20 =	simm.s32 $0xA700  }
0x189: {  	[tilespmem:s20], [sflag:$0x2] =	stream.linear.gather [hbm4b:s18+s2], $0x400, $0x38;
	[tilespmem:$0x14300] =	vst v63  }
0x18a: {  	s18 =	spop (v2sf);
	s20 =	simm.s32 $0xAB00  }
0x18b: {  	[tilespmem:s20], [sflag:$0x2] =	stream.linear.gather [hbm4b:s18+s2], $0x400, $0x38;
	[tilespmem:$0x14300] =	vst v63  }
0x18c: {  	s18 =	spop (v2sf);
	s20 =	simm.s32 $0xAF00  }
0x18d: {  	[tilespmem:s20], [sflag:$0x2] =	stream.linear.gather [hbm4b:s18+s2], $0x400, $0x38;
	[tilespmem:$0x14300] =	vst v63  }
0x18e: {  	v42 =	vld.msk [tilespmem:$0x280], $0xf;
	_ =	sdelay $0x4  }
0x18f: {  	s20 =	spop (v2sf);
	v38 =	vmul.u32 $0x7A1400, v42  }
0x190: {  	s18 =	sand.u32 $0xFFFFF80, s20  }
0x191: {  	s18 =	sadd.s32 s0, s18;
	v38 =	vshrl.u32 v38, $0x3  }
0x192: {  	v38 =	vadd.s32 s18, v38  }
0x193: {  	(v2sf) =	vpush v38, $0x0;
	_ =	sdelay $0x1  }
0x194: {  	(v2sf) =	vpush v38, $0x1;
	_ =	sdelay $0x1  }
0x195: {  	(v2sf) =	vpush v38, $0x2;
	_ =	sdelay $0x1  }
0x196: {  	(v2sf) =	vpush v38, $0x3;
	_ =	sdelay $0x6  }
0x197: {  	(v2sf) =	vpush v37, $0x4;
	_ =	sdelay $0x1  }
0x198: {  	s20 =	spop (v2sf)  }
0x199: {  	[tilespmem:s3], [sflag:$0x2] =	stream.linear.gather [hbm4b:s20+s2], $0x400, $0x38;
	[tilespmem:$0x14300] =	vst v63  }
0x19a: {  	s18 =	spop (v2sf);
	s20 =	simm.s32 $0xB700  }
0x19b: {  	[tilespmem:s20], [sflag:$0x2] =	stream.linear.gather [hbm4b:s18+s2], $0x400, $0x38;
	[tilespmem:$0x14300] =	vst v63  }
0x19c: {  	s18 =	spop (v2sf);
	s20 =	simm.s32 $0xBB00  }
0x19d: {  	[tilespmem:s20], [sflag:$0x2] =	stream.linear.gather [hbm4b:s18+s2], $0x400, $0x38;
	[tilespmem:$0x14300] =	vst v63  }
0x19e: {  	s18 =	spop (v2sf);
	s20 =	simm.s32 $0xBF00  }
0x19f: {  	[tilespmem:s20], [sflag:$0x2] =	stream.linear.gather [hbm4b:s18+s2], $0x400, $0x38;
	[tilespmem:$0x14300] =	vst v63  }
0x1a0: {  	v43 =	vld.msk [tilespmem:$0x280], $0xf;
	_ =	sdelay $0x4  }
0x1a1: {  	s20 =	spop (v2sf);
	v38 =	vmul.u32 $0x7A1400, v43  }
0x1a2: {  	s18 =	sand.u32 $0xFFFFF80, s20  }
0x1a3: {  	s18 =	sadd.s32 s0, s18;
	v38 =	vshrl.u32 v38, $0x3  }
0x1a4: {  	v38 =	vadd.s32 s18, v38  }
0x1a5: {  	(v2sf) =	vpush v38, $0x0;
	_ =	sdelay $0x1  }
0x1a6: {  	(v2sf) =	vpush v38, $0x1;
	_ =	sdelay $0x1  }
0x1a7: {  	(v2sf) =	vpush v38, $0x2;
	_ =	sdelay $0x1  }
0x1a8: {  	(v2sf) =	vpush v38, $0x3;
	_ =	sdelay $0x6  }
0x1a9: {  	(v2sf) =	vpush v37, $0x5;
	_ =	sdelay $0x1  }
0x1aa: {  	s20 =	spop (v2sf)  }
0x1ab: {  	[tilespmem:s9], [sflag:$0x2] =	stream.linear.gather [hbm4b:s20+s2], $0x400, $0x38;
	[tilespmem:$0x14300] =	vst v63  }
0x1ac: {  	s18 =	spop (v2sf);
	s20 =	simm.s32 $0xC700  }
0x1ad: {  	[tilespmem:s20], [sflag:$0x2] =	stream.linear.gather [hbm4b:s18+s2], $0x400, $0x38;
	[tilespmem:$0x14300] =	vst v63  }
0x1ae: {  	s18 =	spop (v2sf);
	s20 =	simm.s32 $0xCB00  }
0x1af: {  	[tilespmem:s20], [sflag:$0x2] =	stream.linear.gather [hbm4b:s18+s2], $0x400, $0x38;
	[tilespmem:$0x14300] =	vst v63  }
0x1b0: {  	s18 =	spop (v2sf);
	s20 =	simm.s32 $0xCF00  }
0x1b1: {  	[tilespmem:s20], [sflag:$0x2] =	stream.linear.gather [hbm4b:s18+s2], $0x400, $0x38;
	[tilespmem:$0x14300] =	vst v63  }
0x1b2: {  	v44 =	vld.msk [tilespmem:$0x280], $0xf;
	_ =	sdelay $0x4  }
0x1b3: {  	s20 =	spop (v2sf);
	v38 =	vmul.u32 $0x7A1400, v44  }
0x1b4: {  	s18 =	sand.u32 $0xFFFFF80, s20  }
0x1b5: {  	s18 =	sadd.s32 s0, s18;
	v38 =	vshrl.u32 v38, $0x3  }
0x1b6: {  	v38 =	vadd.s32 s18, v38  }
0x1b7: {  	(v2sf) =	vpush v38, $0x0;
	_ =	sdelay $0x1  }
0x1b8: {  	(v2sf) =	vpush v38, $0x1;
	_ =	sdelay $0x1  }
0x1b9: {  	(v2sf) =	vpush v38, $0x2;
	_ =	sdelay $0x1  }
0x1ba: {  	(v2sf) =	vpush v38, $0x3;
	_ =	sdelay $0x6  }
0x1bb: {  	(v2sf) =	vpush v37, $0x6;
	_ =	sdelay $0x1  }
0x1bc: {  	s20 =	spop (v2sf)  }
0x1bd: {  	[tilespmem:s14], [sflag:$0x2] =	stream.linear.gather [hbm4b:s20+s2], $0x400, $0x38;
	[tilespmem:$0x14300] =	vst v63  }
0x1be: {  	s18 =	spop (v2sf);
	s20 =	simm.s32 $0xD700  }
0x1bf: {  	[tilespmem:s20], [sflag:$0x2] =	stream.linear.gather [hbm4b:s18+s2], $0x400, $0x38;
	[tilespmem:$0x14300] =	vst v63  }
0x1c0: {  	s18 =	spop (v2sf);
	s20 =	simm.s32 $0xDB00  }
0x1c1: {  	[tilespmem:s20], [sflag:$0x2] =	stream.linear.gather [hbm4b:s18+s2], $0x400, $0x38;
	[tilespmem:$0x14300] =	vst v63  }
0x1c2: {  	s18 =	spop (v2sf);
	s20 =	simm.s32 $0xDF00  }
0x1c3: {  	[tilespmem:s20], [sflag:$0x2] =	stream.linear.gather [hbm4b:s18+s2], $0x400, $0x38;
	[tilespmem:$0x14300] =	vst v63  }
0x1c4: {  	v45 =	vld.msk [tilespmem:$0x280], $0xf;
	_ =	sdelay $0x4  }
0x1c5: {  	s20 =	spop (v2sf);
	v38 =	vmul.u32 $0x7A1400, v45  }
0x1c6: {  	s18 =	sand.u32 $0xFFFFF80, s20  }
0x1c7: {  	s18 =	sadd.s32 s0, s18;
	v38 =	vshrl.u32 v38, $0x3  }
0x1c8: {  	v38 =	vadd.s32 s18, v38  }
0x1c9: {  	(v2sf) =	vpush v38, $0x0;
	_ =	sdelay $0x1  }
0x1ca: {  	(v2sf) =	vpush v38, $0x1;
	_ =	sdelay $0x1  }
0x1cb: {  	(v2sf) =	vpush v38, $0x2;
	_ =	sdelay $0x1  }
0x1cc: {  	(v2sf) =	vpush v38, $0x3;
	_ =	sdelay $0x6  }
0x1cd: {  	(v2sf) =	vpush v37, $0x7;
	_ =	sdelay $0x1  }
0x1ce: {  	s20 =	spop (v2sf)  }
0x1cf: {  	[tilespmem:s22], [sflag:$0x2] =	stream.linear.gather [hbm4b:s20+s2], $0x400, $0x38;
	[tilespmem:$0x14300] =	vst v63  }
0x1d0: {  	s18 =	spop (v2sf);
	s20 =	simm.s32 $0xE700  }
0x1d1: {  	[tilespmem:s20], [sflag:$0x2] =	stream.linear.gather [hbm4b:s18+s2], $0x400, $0x38;
	[tilespmem:$0x14300] =	vst v63  }
0x1d2: {  	s18 =	spop (v2sf);
	s20 =	simm.s32 $0xEB00  }
0x1d3: {  	[tilespmem:s20], [sflag:$0x2] =	stream.linear.gather [hbm4b:s18+s2], $0x400, $0x38;
	[tilespmem:$0x14300] =	vst v63  }
0x1d4: {  	s18 =	spop (v2sf);
	s20 =	simm.s32 $0xEF00  }
0x1d5: {  	[tilespmem:s20], [sflag:$0x2] =	stream.linear.gather [hbm4b:s18+s2], $0x400, $0x38;
	[tilespmem:$0x14300] =	vst v63  }
0x1d6: {  	v46 =	vld.msk [tilespmem:$0x280], $0xf;
	_ =	sdelay $0x4  }
0x1d7: {  	s20 =	spop (v2sf);
	v37 =	vmul.u32 $0x7A1400, v46  }
0x1d8: {  	s18 =	sand.u32 $0xFFFFF80, s20  }
0x1d9: {  	s18 =	sadd.s32 s0, s18;
	v37 =	vshrl.u32 v37, $0x3  }
0x1da: {  	v37 =	vadd.s32 s18, v37  }
0x1db: {  	(v2sf) =	vpush v37, $0x0;
	_ =	sdelay $0x1  }
0x1dc: {  	(v2sf) =	vpush v37, $0x1;
	_ =	sdelay $0x1  }
0x1dd: {  	(v2sf) =	vpush v37, $0x2;
	_ =	sdelay $0x1  }
0x1de: {  	(v2sf) =	vpush v37, $0x3;
	_ =	sdelay $0x8  }
0x1df: {  	s20 =	spop (v2sf)  }
0x1e0: {  	[tilespmem:s30], [sflag:$0x2] =	stream.linear.gather [hbm4b:s20+s2], $0x400, $0x38;
	[tilespmem:$0x14300] =	vst v63  }
0x1e1: {  	s18 =	spop (v2sf);
	s20 =	simm.s32 $0xF700  }
0x1e2: {  	[tilespmem:s20], [sflag:$0x2] =	stream.linear.gather [hbm4b:s18+s2], $0x400, $0x38;
	[tilespmem:$0x14300] =	vst v63  }
0x1e3: {  	s18 =	spop (v2sf);
	s20 =	simm.s32 $0xFB00  }
0x1e4: {  	[tilespmem:s20], [sflag:$0x2] =	stream.linear.gather [hbm4b:s18+s2], $0x400, $0x38;
	[tilespmem:$0x14300] =	vst v63  }
0x1e5: {  	s18 =	spop (v2sf);
	s20 =	simm.s32 $0xFF00  }
0x1e6: {  	[tilespmem:s20], [sflag:$0x2] =	stream.linear.gather [hbm4b:s18+s2], $0x400, $0x38;
	[tilespmem:$0x14300] =	vst v63  }
0x1e7: {  	_ =	swait.ge [sflag:s8], $0x4000  }
0x1e8: {  	[sflag:s8] =	ssyncset.done $0x0  }
0x1e9: {  	[sflag:s8] =	ssyncadd.s32 $0xFFFFC000  }
0x1ea: {  	_ =	swait.ge [sflag:s8], $0x4000  }
0x1eb: {  	[sflag:s8] =	ssyncset.done $0x0  }
0x1ec: {  	[sflag:s8] =	ssyncadd.s32 $0xFFFFC000  }
0x1ed: {  	v37 =	vld [tilespmem:s13+$0xFFFFFFF8];
	_ =	sdelay $0x4  }
0x1ee: {  	(v2sf) =	vpush v37, $0x0;
	_ =	sdelay $0xb  }
0x1ef: {  	(v2sf) =	vpush v37, $0x1;
	_ =	sdelay $0x2  }
0x1f0: {  	s20 =	spop (v2sf)  }
0x1f1: {  	s18 =	sand.u32 $0x7F, s20  }
0x1f2: {  	v47 =	vor.u32 s18, v1  }
0x1f3: {  	v39 =	vmov s17  }
0x1f4: {  	v40 =	vshll.u32 v39, $0x3  }
0x1f5: {  	v39 =	vand.u32 $0x70, v39;
	v40 =	vand.u32 $0xC00, v40  }
0x1f6: {  	v39 =	vor.u32 v39, v40  }
0x1f7: {  	v40 =	vor.u32 v2, v39;
	v38 =	vld.idx.msk [tilespmem:v47+s11+$0x0], $0xffff  }
0x1f8: {  	v41 =	vor.u32 s18, v3  }
0x1f9: {  	(v2sf) =	vpush v37, $0x2;
	_ =	sdelay $0x2  }
0x1fa: {  	s20 =	spop (v2sf);
	[tilespmem:v40+s4+$0x0] =	vst.idx.msk $0xffff, v38  }
0x1fb: {  	v39 =	vor.u32 v4, v39;
	s18 =	sand.u32 $0x7F, s20;
	v38 =	vld.idx.msk [tilespmem:v41+s11+$0x0], $0xffff  }
0x1fc: {  	s20 =	sadd.s32 $0x1, s17;
	v48 =	vor.u32 s18, v1  }
0x1fd: {  	v49 =	vmov s20  }
0x1fe: {  	v42 =	vshll.u32 v49, $0x3  }
0x1ff: {  	v42 =	vand.u32 $0xC00, v42;
	v41 =	vand.u32 $0x71, v49  }
0x200: {  	v50 =	vor.u32 v41, v42;
	[tilespmem:v39+s4+$0x0] =	vst.idx.msk $0xffff, v38  }
0x201: {  	v51 =	vor.u32 v2, v50;
	v39 =	vld.idx.msk [tilespmem:v48+s15+$0x0], $0xffff  }
0x202: {  	v52 =	vor.u32 s18, v3  }
0x203: {  	(v2sf) =	vpush v37, $0x3;
	_ =	sdelay $0x2  }
0x204: {  	s20 =	spop (v2sf);
	[tilespmem:v51+s4+$0x0] =	vst.idx.msk $0xffff, v39  }
0x205: {  	s18 =	sand.u32 $0x7F, s20;
	v38 =	vor.u32 v4, v50;
	v39 =	vld.idx.msk [tilespmem:v52+s15+$0x0], $0xffff  }
0x206: {  	s20 =	sadd.s32 $0x2, s17;
	v53 =	vor.u32 s18, v1  }
0x207: {  	v54 =	vmov s20  }
0x208: {  	v55 =	vshll.u32 v54, $0x3  }
0x209: {  	v41 =	vand.u32 $0x72, v54;
	v42 =	vand.u32 $0xC00, v55  }
0x20a: {  	v56 =	vor.u32 v41, v42;
	[tilespmem:v38+s4+$0x0] =	vst.idx.msk $0xffff, v39  }
0x20b: {  	v57 =	vor.u32 v2, v56;
	v39 =	vld.idx.msk [tilespmem:v53+s19+$0x0], $0xffff  }
0x20c: {  	v58 =	vor.u32 s18, v3  }
0x20d: {  	(v2sf) =	vpush v37, $0x4;
	_ =	sdelay $0x2  }
0x20e: {  	s20 =	spop (v2sf);
	[tilespmem:v57+s4+$0x0] =	vst.idx.msk $0xffff, v39  }
0x20f: {  	s18 =	sand.u32 $0x7F, s20;
	v38 =	vor.u32 v4, v56;
	v39 =	vld.idx.msk [tilespmem:v58+s19+$0x0], $0xffff  }
0x210: {  	s20 =	sadd.s32 $0x3, s17;
	v59 =	vor.u32 s18, v1  }
0x211: {  	v60 =	vmov s20  }
0x212: {  	v61 =	vshll.u32 v60, $0x3  }
0x213: {  	v41 =	vand.u32 $0x73, v60;
	v42 =	vand.u32 $0xC00, v61  }
0x214: {  	v62 =	vor.u32 v41, v42;
	[tilespmem:v38+s4+$0x0] =	vst.idx.msk $0xffff, v39  }
0x215: {  	v63 =	vor.u32 v2, v62;
	v39 =	vld.idx.msk [tilespmem:v59+s23+$0x0], $0xffff  }
0x216: {  	v44 =	vor.u32 s18, v3  }
0x217: {  	(v2sf) =	vpush v37, $0x5;
	_ =	sdelay $0x2  }
0x218: {  	s20 =	spop (v2sf);
	[tilespmem:v63+s4+$0x0] =	vst.idx.msk $0xffff, v39  }
0x219: {  	s18 =	sand.u32 $0x7F, s20;
	v38 =	vor.u32 v4, v62;
	v39 =	vld.idx.msk [tilespmem:v44+s23+$0x0], $0xffff  }
0x21a: {  	s20 =	sadd.s32 $0x4, s17;
	v45 =	vor.u32 s18, v1  }
0x21b: {  	v46 =	vmov s20  }
0x21c: {  	v47 =	vshll.u32 v46, $0x3  }
0x21d: {  	v41 =	vand.u32 $0x74, v46;
	v42 =	vand.u32 $0xC00, v47  }
0x21e: {  	v48 =	vor.u32 v41, v42;
	[tilespmem:v38+s4+$0x0] =	vst.idx.msk $0xffff, v39  }
0x21f: {  	v49 =	vor.u32 v2, v48;
	v39 =	vld.idx.msk [tilespmem:v45+s28+$0x0], $0xffff  }
0x220: {  	v50 =	vor.u32 s18, v3  }
0x221: {  	(v2sf) =	vpush v37, $0x6;
	_ =	sdelay $0x2  }
0x222: {  	s20 =	spop (v2sf);
	[tilespmem:v49+s4+$0x0] =	vst.idx.msk $0xffff, v39  }
0x223: {  	s18 =	sand.u32 $0x7F, s20;
	v38 =	vor.u32 v4, v48;
	v39 =	vld.idx.msk [tilespmem:v50+s28+$0x0], $0xffff  }
0x224: {  	s20 =	sadd.s32 $0x5, s17;
	v51 =	vor.u32 s18, v1  }
0x225: {  	v52 =	vmov s20  }
0x226: {  	v53 =	vshll.u32 v52, $0x3  }
0x227: {  	v41 =	vand.u32 $0x75, v52;
	v42 =	vand.u32 $0xC00, v53  }
0x228: {  	v54 =	vor.u32 v41, v42;
	[tilespmem:v38+s4+$0x0] =	vst.idx.msk $0xffff, v39  }
0x229: {  	v55 =	vor.u32 v2, v54;
	v39 =	vld.idx.msk [tilespmem:v51+s1+$0x0], $0xffff  }
0x22a: {  	v56 =	vor.u32 s18, v3  }
0x22b: {  	(v2sf) =	vpush v37, $0x7;
	_ =	sdelay $0x2  }
0x22c: {  	s20 =	spop (v2sf);
	[tilespmem:v55+s4+$0x0] =	vst.idx.msk $0xffff, v39  }
0x22d: {  	s18 =	sand.u32 $0x7F, s20;
	v38 =	vor.u32 v4, v54;
	v57 =	vld.idx.msk [tilespmem:v56+s1+$0x0], $0xffff  }
0x22e: {  	s20 =	sadd.s32 $0x6, s17;
	v58 =	vor.u32 s18, v1  }
0x22f: {  	v59 =	vmov s20  }
0x230: {  	v60 =	vshll.u32 v59, $0x3  }
0x231: {  	v40 =	vand.u32 $0x76, v59;
	v41 =	vand.u32 $0xC00, v60  }
0x232: {  	v61 =	vor.u32 v40, v41;
	[tilespmem:v38+s4+$0x0] =	vst.idx.msk $0xffff, v57  }
0x233: {  	v62 =	vor.u32 v2, v61;
	v38 =	vld.idx.msk [tilespmem:v58+s7+$0x0], $0xffff  }
0x234: {  	v63 =	vor.u32 s18, v3;
	_ =	sdelay $0x3  }
0x235: {  	s20 =	spop (v2sf);
	[tilespmem:v62+s4+$0x0] =	vst.idx.msk $0xffff, v38  }
0x236: {  	v37 =	vor.u32 v4, v61;
	s18 =	sand.u32 $0x7F, s20;
	v38 =	vld.idx.msk [tilespmem:v63+s7+$0x0], $0xffff  }
0x237: {  	s20 =	sadd.s32 $0x7, s17;
	v44 =	vor.u32 s18, v1  }
0x238: {  	v45 =	vmov s20  }
0x239: {  	v46 =	vshll.u32 v45, $0x3  }
0x23a: {  	v40 =	vand.u32 $0x77, v45;
	v41 =	vand.u32 $0xC00, v46  }
0x23b: {  	v47 =	vor.u32 v40, v41;
	[tilespmem:v37+s4+$0x0] =	vst.idx.msk $0xffff, v38  }
0x23c: {  	v48 =	vor.u32 v2, v47;
	v38 =	vld.idx.msk [tilespmem:v44+s10+$0x0], $0xffff  }
0x23d: {  	v49 =	vor.u32 s18, v3;
	_ =	sdelay $0x3  }
0x23e: {  	[tilespmem:v48+s4+$0x0] =	vst.idx.msk $0xffff, v38  }
0x23f: {  	v37 =	vor.u32 v4, v47;
	v38 =	vld.idx.msk [tilespmem:v49+s10+$0x0], $0xffff;
	_ =	sdelay $0x4  }
0x240: {  	[tilespmem:v37+s4+$0x0] =	vst.idx.msk $0xffff, v38  }
0x241: {  	v37 =	vld [tilespmem:s13+$0x8];
	_ =	sdelay $0x4  }
0x242: {  	(v2sf) =	vpush v37, $0x0;
	_ =	sdelay $0x9  }
0x243: {  	v38 =	vld.msk [tilespmem:$0x280], $0xf;
	_ =	sdelay $0x4  }
0x244: {  	v38 =	vmul.u32 $0x7A1400, v38;
	s20 =	spop (v2sf)  }
0x245: {  	s18 =	sand.u32 $0xFFFFF80, s20  }
0x246: {  	v38 =	vshrl.u32 v38, $0x3;
	s18 =	sadd.s32 s0, s18  }
0x247: {  	v38 =	vadd.s32 s18, v38  }
0x248: {  	(v2sf) =	vpush v38, $0x0;
	_ =	sdelay $0x1  }
0x249: {  	(v2sf) =	vpush v38, $0x1;
	_ =	sdelay $0x1  }
0x24a: {  	(v2sf) =	vpush v38, $0x2;
	_ =	sdelay $0x1  }
0x24b: {  	(v2sf) =	vpush v38, $0x3;
	_ =	sdelay $0x6  }
0x24c: {  	(v2sf) =	vpush v37, $0x1;
	_ =	sdelay $0x1  }
0x24d: {  	s20 =	spop (v2sf)  }
0x24e: {  	[tilespmem:s11], [sflag:$0x1] =	stream.linear.gather [hbm4b:s20+s2], $0x400, $0x38;
	[tilespmem:$0x14300] =	vst v63  }
0x24f: {  	s18 =	spop (v2sf);
	s20 =	simm.s32 $0x700  }
0x250: {  	[tilespmem:s20], [sflag:$0x1] =	stream.linear.gather [hbm4b:s18+s2], $0x400, $0x38;
	[tilespmem:$0x14300] =	vst v63  }
0x251: {  	s18 =	spop (v2sf);
	s20 =	simm.s32 $0xB00  }
0x252: {  	[tilespmem:s20], [sflag:$0x1] =	stream.linear.gather [hbm4b:s18+s2], $0x400, $0x38;
	[tilespmem:$0x14300] =	vst v63  }
0x253: {  	s18 =	spop (v2sf);
	s20 =	simm.s32 $0xF00  }
0x254: {  	[tilespmem:s20], [sflag:$0x1] =	stream.linear.gather [hbm4b:s18+s2], $0x400, $0x38;
	[tilespmem:$0x14300] =	vst v63  }
0x255: {  	v50 =	vld.msk [tilespmem:$0x280], $0xf;
	_ =	sdelay $0x4  }
0x256: {  	s20 =	spop (v2sf);
	v38 =	vmul.u32 $0x7A1400, v50  }
0x257: {  	s18 =	sand.u32 $0xFFFFF80, s20  }
0x258: {  	s18 =	sadd.s32 s0, s18;
	v38 =	vshrl.u32 v38, $0x3  }
0x259: {  	v38 =	vadd.s32 s18, v38  }
0x25a: {  	(v2sf) =	vpush v38, $0x0;
	_ =	sdelay $0x1  }
0x25b: {  	(v2sf) =	vpush v38, $0x1;
	_ =	sdelay $0x1  }
0x25c: {  	(v2sf) =	vpush v38, $0x2;
	_ =	sdelay $0x1  }
0x25d: {  	(v2sf) =	vpush v38, $0x3;
	_ =	sdelay $0x6  }
0x25e: {  	(v2sf) =	vpush v37, $0x2;
	_ =	sdelay $0x1  }
0x25f: {  	s20 =	spop (v2sf)  }
0x260: {  	[tilespmem:s15], [sflag:$0x1] =	stream.linear.gather [hbm4b:s20+s2], $0x400, $0x38;
	[tilespmem:$0x14300] =	vst v63  }
0x261: {  	s18 =	spop (v2sf);
	s20 =	simm.s32 $0x1700  }
0x262: {  	[tilespmem:s20], [sflag:$0x1] =	stream.linear.gather [hbm4b:s18+s2], $0x400, $0x38;
	[tilespmem:$0x14300] =	vst v63  }
0x263: {  	s18 =	spop (v2sf);
	s20 =	simm.s32 $0x1B00  }
0x264: {  	[tilespmem:s20], [sflag:$0x1] =	stream.linear.gather [hbm4b:s18+s2], $0x400, $0x38;
	[tilespmem:$0x14300] =	vst v63  }
0x265: {  	s18 =	spop (v2sf);
	s20 =	simm.s32 $0x1F00  }
0x266: {  	[tilespmem:s20], [sflag:$0x1] =	stream.linear.gather [hbm4b:s18+s2], $0x400, $0x38;
	[tilespmem:$0x14300] =	vst v63  }
0x267: {  	v51 =	vld.msk [tilespmem:$0x280], $0xf;
	_ =	sdelay $0x4  }
0x268: {  	s20 =	spop (v2sf);
	v38 =	vmul.u32 $0x7A1400, v51  }
0x269: {  	s18 =	sand.u32 $0xFFFFF80, s20  }
0x26a: {  	s18 =	sadd.s32 s0, s18;
	v38 =	vshrl.u32 v38, $0x3  }
0x26b: {  	v38 =	vadd.s32 s18, v38  }
0x26c: {  	(v2sf) =	vpush v38, $0x0;
	_ =	sdelay $0x1  }
0x26d: {  	(v2sf) =	vpush v38, $0x1;
	_ =	sdelay $0x1  }
0x26e: {  	(v2sf) =	vpush v38, $0x2;
	_ =	sdelay $0x1  }
0x26f: {  	(v2sf) =	vpush v38, $0x3;
	_ =	sdelay $0x6  }
0x270: {  	(v2sf) =	vpush v37, $0x3;
	_ =	sdelay $0x1  }
0x271: {  	s20 =	spop (v2sf)  }
0x272: {  	[tilespmem:s19], [sflag:$0x1] =	stream.linear.gather [hbm4b:s20+s2], $0x400, $0x38;
	[tilespmem:$0x14300] =	vst v63  }
0x273: {  	s18 =	spop (v2sf);
	s20 =	simm.s32 $0x2700  }
0x274: {  	[tilespmem:s20], [sflag:$0x1] =	stream.linear.gather [hbm4b:s18+s2], $0x400, $0x38;
	[tilespmem:$0x14300] =	vst v63  }
0x275: {  	s20 =	spop (v2sf)  }
0x276: {  	[tilespmem:s24], [sflag:$0x1] =	stream.linear.gather [hbm4b:s20+s2], $0x400, $0x38;
	[tilespmem:$0x14300] =	vst v63  }
0x277: {  	s18 =	spop (v2sf);
	s20 =	simm.s32 $0x2F00  }
0x278: {  	[tilespmem:s20], [sflag:$0x1] =	stream.linear.gather [hbm4b:s18+s2], $0x400, $0x38;
	[tilespmem:$0x14300] =	vst v63  }
0x279: {  	v52 =	vld.msk [tilespmem:$0x280], $0xf;
	_ =	sdelay $0x4  }
0x27a: {  	s20 =	spop (v2sf);
	v38 =	vmul.u32 $0x7A1400, v52  }
0x27b: {  	s18 =	sand.u32 $0xFFFFF80, s20  }
0x27c: {  	s18 =	sadd.s32 s0, s18;
	v38 =	vshrl.u32 v38, $0x3  }
0x27d: {  	v38 =	vadd.s32 s18, v38  }
0x27e: {  	(v2sf) =	vpush v38, $0x0;
	_ =	sdelay $0x1  }
0x27f: {  	(v2sf) =	vpush v38, $0x1;
	_ =	sdelay $0x1  }
0x280: {  	(v2sf) =	vpush v38, $0x2;
	_ =	sdelay $0x1  }
0x281: {  	(v2sf) =	vpush v38, $0x3;
	_ =	sdelay $0x6  }
0x282: {  	(v2sf) =	vpush v37, $0x4;
	_ =	sdelay $0x1  }
0x283: {  	s20 =	spop (v2sf)  }
0x284: {  	[tilespmem:s23], [sflag:$0x1] =	stream.linear.gather [hbm4b:s20+s2], $0x400, $0x38;
	[tilespmem:$0x14300] =	vst v63  }
0x285: {  	s18 =	spop (v2sf);
	s20 =	simm.s32 $0x3700  }
0x286: {  	[tilespmem:s20], [sflag:$0x1] =	stream.linear.gather [hbm4b:s18+s2], $0x400, $0x38;
	[tilespmem:$0x14300] =	vst v63  }
0x287: {  	s18 =	spop (v2sf);
	s20 =	simm.s32 $0x3B00  }
0x288: {  	[tilespmem:s20], [sflag:$0x1] =	stream.linear.gather [hbm4b:s18+s2], $0x400, $0x38;
	[tilespmem:$0x14300] =	vst v63  }
0x289: {  	s18 =	spop (v2sf);
	s20 =	simm.s32 $0x3F00  }
0x28a: {  	[tilespmem:s20], [sflag:$0x1] =	stream.linear.gather [hbm4b:s18+s2], $0x400, $0x38;
	[tilespmem:$0x14300] =	vst v63  }
0x28b: {  	v53 =	vld.msk [tilespmem:$0x280], $0xf;
	_ =	sdelay $0x4  }
0x28c: {  	s20 =	spop (v2sf);
	v38 =	vmul.u32 $0x7A1400, v53  }
0x28d: {  	s18 =	sand.u32 $0xFFFFF80, s20  }
0x28e: {  	s18 =	sadd.s32 s0, s18;
	v38 =	vshrl.u32 v38, $0x3  }
0x28f: {  	v38 =	vadd.s32 s18, v38  }
0x290: {  	(v2sf) =	vpush v38, $0x0;
	_ =	sdelay $0x1  }
0x291: {  	(v2sf) =	vpush v38, $0x1;
	_ =	sdelay $0x1  }
0x292: {  	(v2sf) =	vpush v38, $0x2;
	_ =	sdelay $0x1  }
0x293: {  	(v2sf) =	vpush v38, $0x3;
	_ =	sdelay $0x6  }
0x294: {  	(v2sf) =	vpush v37, $0x5;
	_ =	sdelay $0x1  }
0x295: {  	s20 =	spop (v2sf)  }
0x296: {  	[tilespmem:s28], [sflag:$0x1] =	stream.linear.gather [hbm4b:s20+s2], $0x400, $0x38;
	[tilespmem:$0x14300] =	vst v63  }
0x297: {  	s18 =	spop (v2sf);
	s20 =	simm.s32 $0x4700  }
0x298: {  	[tilespmem:s20], [sflag:$0x1] =	stream.linear.gather [hbm4b:s18+s2], $0x400, $0x38;
	[tilespmem:$0x14300] =	vst v63  }
0x299: {  	s18 =	spop (v2sf);
	s20 =	simm.s32 $0x4B00  }
0x29a: {  	[tilespmem:s20], [sflag:$0x1] =	stream.linear.gather [hbm4b:s18+s2], $0x400, $0x38;
	[tilespmem:$0x14300] =	vst v63  }
0x29b: {  	s18 =	spop (v2sf);
	s20 =	simm.s32 $0x4F00  }
0x29c: {  	[tilespmem:s20], [sflag:$0x1] =	stream.linear.gather [hbm4b:s18+s2], $0x400, $0x38;
	[tilespmem:$0x14300] =	vst v63  }
0x29d: {  	v54 =	vld.msk [tilespmem:$0x280], $0xf;
	_ =	sdelay $0x4  }
0x29e: {  	s20 =	spop (v2sf);
	v38 =	vmul.u32 $0x7A1400, v54  }
0x29f: {  	s18 =	sand.u32 $0xFFFFF80, s20  }
0x2a0: {  	s18 =	sadd.s32 s0, s18;
	v38 =	vshrl.u32 v38, $0x3  }
0x2a1: {  	v38 =	vadd.s32 s18, v38  }
0x2a2: {  	(v2sf) =	vpush v38, $0x0;
	_ =	sdelay $0x1  }
0x2a3: {  	(v2sf) =	vpush v38, $0x1;
	_ =	sdelay $0x1  }
0x2a4: {  	(v2sf) =	vpush v38, $0x2;
	_ =	sdelay $0x1  }
0x2a5: {  	(v2sf) =	vpush v38, $0x3;
	_ =	sdelay $0x6  }
0x2a6: {  	(v2sf) =	vpush v37, $0x6;
	_ =	sdelay $0x1  }
0x2a7: {  	s20 =	spop (v2sf)  }
0x2a8: {  	[tilespmem:s1], [sflag:$0x1] =	stream.linear.gather [hbm4b:s20+s2], $0x400, $0x38;
	[tilespmem:$0x14300] =	vst v63  }
0x2a9: {  	s18 =	spop (v2sf);
	s20 =	simm.s32 $0x5700  }
0x2aa: {  	[tilespmem:s20], [sflag:$0x1] =	stream.linear.gather [hbm4b:s18+s2], $0x400, $0x38;
	[tilespmem:$0x14300] =	vst v63  }
0x2ab: {  	s18 =	spop (v2sf);
	s20 =	simm.s32 $0x5B00  }
0x2ac: {  	[tilespmem:s20], [sflag:$0x1] =	stream.linear.gather [hbm4b:s18+s2], $0x400, $0x38;
	[tilespmem:$0x14300] =	vst v63  }
0x2ad: {  	s18 =	spop (v2sf);
	s20 =	simm.s32 $0x5F00  }
0x2ae: {  	[tilespmem:s20], [sflag:$0x1] =	stream.linear.gather [hbm4b:s18+s2], $0x400, $0x38;
	[tilespmem:$0x14300] =	vst v63  }
0x2af: {  	v55 =	vld.msk [tilespmem:$0x280], $0xf;
	_ =	sdelay $0x4  }
0x2b0: {  	s20 =	spop (v2sf);
	v38 =	vmul.u32 $0x7A1400, v55  }
0x2b1: {  	s18 =	sand.u32 $0xFFFFF80, s20  }
0x2b2: {  	s18 =	sadd.s32 s0, s18;
	v38 =	vshrl.u32 v38, $0x3  }
0x2b3: {  	v38 =	vadd.s32 s18, v38  }
0x2b4: {  	(v2sf) =	vpush v38, $0x0;
	_ =	sdelay $0x1  }
0x2b5: {  	(v2sf) =	vpush v38, $0x1;
	_ =	sdelay $0x1  }
0x2b6: {  	(v2sf) =	vpush v38, $0x2;
	_ =	sdelay $0x1  }
0x2b7: {  	(v2sf) =	vpush v38, $0x3;
	_ =	sdelay $0x6  }
0x2b8: {  	(v2sf) =	vpush v37, $0x7;
	_ =	sdelay $0x1  }
0x2b9: {  	s20 =	spop (v2sf)  }
0x2ba: {  	[tilespmem:s7], [sflag:$0x1] =	stream.linear.gather [hbm4b:s20+s2], $0x400, $0x38;
	[tilespmem:$0x14300] =	vst v63  }
0x2bb: {  	s18 =	spop (v2sf);
	s20 =	simm.s32 $0x6700  }
0x2bc: {  	[tilespmem:s20], [sflag:$0x1] =	stream.linear.gather [hbm4b:s18+s2], $0x400, $0x38;
	[tilespmem:$0x14300] =	vst v63  }
0x2bd: {  	s18 =	spop (v2sf);
	s20 =	simm.s32 $0x6B00  }
0x2be: {  	[tilespmem:s20], [sflag:$0x1] =	stream.linear.gather [hbm4b:s18+s2], $0x400, $0x38;
	[tilespmem:$0x14300] =	vst v63  }
0x2bf: {  	s18 =	spop (v2sf);
	s20 =	simm.s32 $0x6F00  }
0x2c0: {  	[tilespmem:s20], [sflag:$0x1] =	stream.linear.gather [hbm4b:s18+s2], $0x400, $0x38;
	[tilespmem:$0x14300] =	vst v63  }
0x2c1: {  	v56 =	vld.msk [tilespmem:$0x280], $0xf;
	_ =	sdelay $0x4  }
0x2c2: {  	s20 =	spop (v2sf);
	v37 =	vmul.u32 $0x7A1400, v56  }
0x2c3: {  	s18 =	sand.u32 $0xFFFFF80, s20  }
0x2c4: {  	s18 =	sadd.s32 s0, s18;
	v37 =	vshrl.u32 v37, $0x3  }
0x2c5: {  	v37 =	vadd.s32 s18, v37  }
0x2c6: {  	(v2sf) =	vpush v37, $0x0;
	_ =	sdelay $0x1  }
0x2c7: {  	(v2sf) =	vpush v37, $0x1;
	_ =	sdelay $0x1  }
0x2c8: {  	(v2sf) =	vpush v37, $0x2;
	_ =	sdelay $0x1  }
0x2c9: {  	(v2sf) =	vpush v37, $0x3;
	_ =	sdelay $0x8  }
0x2ca: {  	s20 =	spop (v2sf)  }
0x2cb: {  	[tilespmem:s10], [sflag:$0x1] =	stream.linear.gather [hbm4b:s20+s2], $0x400, $0x38;
	[tilespmem:$0x14300] =	vst v63  }
0x2cc: {  	s20 =	spop (v2sf)  }
0x2cd: {  	[tilespmem:s25], [sflag:$0x1] =	stream.linear.gather [hbm4b:s20+s2], $0x400, $0x38;
	[tilespmem:$0x14300] =	vst v63  }
0x2ce: {  	s20 =	spop (v2sf)  }
0x2cf: {  	[tilespmem:s6], [sflag:$0x1] =	stream.linear.gather [hbm4b:s20+s2], $0x400, $0x38;
	[tilespmem:$0x14300] =	vst v63  }
0x2d0: {  	s20 =	spop (v2sf)  }
0x2d1: {  	[tilespmem:s29], [sflag:$0x1] =	stream.linear.gather [hbm4b:s20+s2], $0x400, $0x38;
	[tilespmem:$0x14300] =	vst v63  }
0x2d2: {  	_ =	swait.ge [sflag:s12], $0x4000  }
0x2d3: {  	[sflag:s12] =	ssyncset.done $0x0  }
0x2d4: {  	[sflag:s12] =	ssyncadd.s32 $0xFFFFC000  }
0x2d5: {  	_ =	swait.ge [sflag:s12], $0x4000  }
0x2d6: {  	[sflag:s12] =	ssyncset.done $0x0  }
0x2d7: {  	[sflag:s12] =	ssyncadd.s32 $0xFFFFC000  }
0x2d8: {  	v37 =	vld [tilespmem:s13+$0x0];
	_ =	sdelay $0x4  }
0x2d9: {  	(v2sf) =	vpush v37, $0x0;
	_ =	sdelay $0xb  }
0x2da: {  	(v2sf) =	vpush v37, $0x1;
	_ =	sdelay $0x2  }
0x2db: {  	s20 =	spop (v2sf)  }
0x2dc: {  	s18 =	sand.u32 $0x7F, s20  }
0x2dd: {  	s20 =	sadd.s32 $0x8, s17;
	v57 =	vor.u32 s18, v1  }
0x2de: {  	v58 =	vmov s20  }
0x2df: {  	v59 =	vshll.u32 v58, $0x3  }
0x2e0: {  	v39 =	vand.u32 $0x78, v58;
	v40 =	vand.u32 $0xC00, v59  }
0x2e1: {  	v39 =	vor.u32 v39, v40  }
0x2e2: {  	v40 =	vor.u32 v2, v39;
	v38 =	vld.idx.msk [tilespmem:v57+s16+$0x0], $0xffff  }
0x2e3: {  	v60 =	vor.u32 s18, v3  }
0x2e4: {  	(v2sf) =	vpush v37, $0x2;
	_ =	sdelay $0x2  }
0x2e5: {  	s20 =	spop (v2sf);
	[tilespmem:v40+s4+$0x0] =	vst.idx.msk $0xffff, v38  }
0x2e6: {  	s18 =	sand.u32 $0x7F, s20;
	v39 =	vor.u32 v4, v39;
	v38 =	vld.idx.msk [tilespmem:v60+s16+$0x0], $0xffff  }
0x2e7: {  	s20 =	sadd.s32 $0x9, s17;
	v61 =	vor.u32 s18, v1  }
0x2e8: {  	v62 =	vmov s20  }
0x2e9: {  	v63 =	vshll.u32 v62, $0x3  }
0x2ea: {  	v41 =	vand.u32 $0x79, v62;
	v42 =	vand.u32 $0xC00, v63  }
0x2eb: {  	v44 =	vor.u32 v41, v42;
	[tilespmem:v39+s4+$0x0] =	vst.idx.msk $0xffff, v38  }
0x2ec: {  	v45 =	vor.u32 v2, v44;
	v39 =	vld.idx.msk [tilespmem:v61+s21+$0x0], $0xffff  }
0x2ed: {  	v46 =	vor.u32 s18, v3  }
0x2ee: {  	(v2sf) =	vpush v37, $0x3;
	_ =	sdelay $0x2  }
0x2ef: {  	s20 =	spop (v2sf);
	[tilespmem:v45+s4+$0x0] =	vst.idx.msk $0xffff, v39  }
0x2f0: {  	s18 =	sand.u32 $0x7F, s20;
	v38 =	vor.u32 v4, v44;
	v39 =	vld.idx.msk [tilespmem:v46+s21+$0x0], $0xffff  }
0x2f1: {  	s20 =	sadd.s32 $0xA, s17;
	v47 =	vor.u32 s18, v1  }
0x2f2: {  	v48 =	vmov s20  }
0x2f3: {  	v49 =	vshll.u32 v48, $0x3  }
0x2f4: {  	v41 =	vand.u32 $0x7A, v48;
	v42 =	vand.u32 $0xC00, v49  }
0x2f5: {  	v50 =	vor.u32 v41, v42;
	[tilespmem:v38+s4+$0x0] =	vst.idx.msk $0xffff, v39  }
0x2f6: {  	v51 =	vor.u32 v2, v50;
	v39 =	vld.idx.msk [tilespmem:v47+s26+$0x0], $0xffff  }
0x2f7: {  	v52 =	vor.u32 s18, v3  }
0x2f8: {  	(v2sf) =	vpush v37, $0x4;
	_ =	sdelay $0x2  }
0x2f9: {  	s20 =	spop (v2sf);
	[tilespmem:v51+s4+$0x0] =	vst.idx.msk $0xffff, v39  }
0x2fa: {  	s18 =	sand.u32 $0x7F, s20;
	v38 =	vor.u32 v4, v50;
	v39 =	vld.idx.msk [tilespmem:v52+s26+$0x0], $0xffff  }
0x2fb: {  	s20 =	sadd.s32 $0xB, s17;
	v53 =	vor.u32 s18, v1  }
0x2fc: {  	v54 =	vmov s20  }
0x2fd: {  	v55 =	vshll.u32 v54, $0x3  }
0x2fe: {  	v41 =	vand.u32 $0x7B, v54;
	v42 =	vand.u32 $0xC00, v55  }
0x2ff: {  	v56 =	vor.u32 v41, v42;
	[tilespmem:v38+s4+$0x0] =	vst.idx.msk $0xffff, v39  }
0x300: {  	v57 =	vor.u32 v2, v56;
	v39 =	vld.idx.msk [tilespmem:v53+s3+$0x0], $0xffff  }
0x301: {  	v58 =	vor.u32 s18, v3  }
0x302: {  	(v2sf) =	vpush v37, $0x5;
	_ =	sdelay $0x2  }
0x303: {  	s20 =	spop (v2sf);
	[tilespmem:v57+s4+$0x0] =	vst.idx.msk $0xffff, v39  }
0x304: {  	s18 =	sand.u32 $0x7F, s20;
	v38 =	vor.u32 v4, v56;
	v39 =	vld.idx.msk [tilespmem:v58+s3+$0x0], $0xffff  }
0x305: {  	s20 =	sadd.s32 $0xC, s17;
	v59 =	vor.u32 s18, v1  }
0x306: {  	v60 =	vmov s20  }
0x307: {  	v61 =	vshll.u32 v60, $0x3  }
0x308: {  	v41 =	vand.u32 $0x7C, v60;
	v42 =	vand.u32 $0xC00, v61  }
0x309: {  	v62 =	vor.u32 v41, v42;
	[tilespmem:v38+s4+$0x0] =	vst.idx.msk $0xffff, v39  }
0x30a: {  	v63 =	vor.u32 v2, v62;
	v39 =	vld.idx.msk [tilespmem:v59+s9+$0x0], $0xffff  }
0x30b: {  	v44 =	vor.u32 s18, v3  }
0x30c: {  	(v2sf) =	vpush v37, $0x6;
	_ =	sdelay $0x2  }
0x30d: {  	s20 =	spop (v2sf);
	[tilespmem:v63+s4+$0x0] =	vst.idx.msk $0xffff, v39  }
0x30e: {  	s18 =	sand.u32 $0x7F, s20;
	v38 =	vor.u32 v4, v62;
	v39 =	vld.idx.msk [tilespmem:v44+s9+$0x0], $0xffff  }
0x30f: {  	s20 =	sadd.s32 $0xD, s17;
	v45 =	vor.u32 s18, v1  }
0x310: {  	v46 =	vmov s20  }
0x311: {  	v47 =	vshll.u32 v46, $0x3  }
0x312: {  	v41 =	vand.u32 $0x7D, v46;
	v42 =	vand.u32 $0xC00, v47  }
0x313: {  	v48 =	vor.u32 v41, v42;
	[tilespmem:v38+s4+$0x0] =	vst.idx.msk $0xffff, v39  }
0x314: {  	v49 =	vor.u32 v2, v48;
	v39 =	vld.idx.msk [tilespmem:v45+s14+$0x0], $0xffff  }
0x315: {  	v50 =	vor.u32 s18, v3  }
0x316: {  	(v2sf) =	vpush v37, $0x7;
	_ =	sdelay $0x2  }
0x317: {  	s20 =	spop (v2sf);
	[tilespmem:v49+s4+$0x0] =	vst.idx.msk $0xffff, v39  }
0x318: {  	s18 =	sand.u32 $0x7F, s20;
	v38 =	vor.u32 v4, v48;
	v51 =	vld.idx.msk [tilespmem:v50+s14+$0x0], $0xffff  }
0x319: {  	s20 =	sadd.s32 $0xE, s17;
	v52 =	vor.u32 s18, v1  }
0x31a: {  	v53 =	vmov s20  }
0x31b: {  	v54 =	vshll.u32 v53, $0x3  }
0x31c: {  	v40 =	vand.u32 $0x7E, v53;
	v41 =	vand.u32 $0xC00, v54  }
0x31d: {  	v55 =	vor.u32 v40, v41;
	[tilespmem:v38+s4+$0x0] =	vst.idx.msk $0xffff, v51  }
0x31e: {  	v56 =	vor.u32 v2, v55;
	v38 =	vld.idx.msk [tilespmem:v52+s22+$0x0], $0xffff  }
0x31f: {  	v57 =	vor.u32 s18, v3;
	_ =	sdelay $0x3  }
0x320: {  	s20 =	spop (v2sf);
	[tilespmem:v56+s4+$0x0] =	vst.idx.msk $0xffff, v38  }
0x321: {  	s18 =	sand.u32 $0x7F, s20;
	v37 =	vor.u32 v4, v55;
	v38 =	vld.idx.msk [tilespmem:v57+s22+$0x0], $0xffff  }
0x322: {  	s20 =	sadd.s32 $0xF, s17;
	v58 =	vor.u32 s18, v1  }
0x323: {  	v59 =	vmov s20  }
0x324: {  	v60 =	vshll.u32 v59, $0x3  }
0x325: {  	v40 =	vand.u32 $0x7F, v59;
	v41 =	vand.u32 $0xC00, v60  }
0x326: {  	v61 =	vor.u32 v40, v41;
	[tilespmem:v37+s4+$0x0] =	vst.idx.msk $0xffff, v38  }
0x327: {  	v62 =	vor.u32 v2, v61;
	v38 =	vld.idx.msk [tilespmem:v58+s30+$0x0], $0xffff  }
0x328: {  	v63 =	vor.u32 s18, v3;
	_ =	sdelay $0x3  }
0x329: {  	[tilespmem:v62+s4+$0x0] =	vst.idx.msk $0xffff, v38  }
0x32a: {  	p0 =	sne.s32 s17, $0x1E0;
	v37 =	vor.u32 v4, v61;
	v38 =	vld.idx.msk [tilespmem:v63+s30+$0x0], $0xffff  }
.Ltmp0:
0x32b: {  	_ = 	snop;
	(pc) =	sbr.rel @p0 .LBB2_2-.Ltmp0, $2  }
0x32c: {  	_ =	sdelay $0x2  }
0x32d: {  	s13 =	sadd.s32 $0x10, s13;
	s17 =	sadd.s32 $0x10, s17;
	[tilespmem:v37+s4+$0x0] =	vst.idx.msk $0xffff, v38  }
0x32e: {  	v37 =	vld [tilespmem:$0x1F8];
	_ =	sdelay $0x4  }
0x32f: {  	(v2sf) =	vpush v37, $0x0;
	_ =	sdelay $0x9  }
0x330: {  	v38 =	vld.msk [tilespmem:$0x280], $0xf;
	_ =	sdelay $0x4  }
0x331: {  	v38 =	vmul.u32 $0x7A1400, v38;
	s13 =	spop (v2sf)  }
0x332: {  	s13 =	sand.u32 $0xFFFFF80, s13  }
0x333: {  	v38 =	vshrl.u32 v38, $0x3;
	s13 =	sadd.s32 s0, s13  }
0x334: {  	v38 =	vadd.s32 s13, v38  }
0x335: {  	(v2sf) =	vpush v38, $0x0;
	_ =	sdelay $0x1  }
0x336: {  	(v2sf) =	vpush v38, $0x1;
	_ =	sdelay $0x1  }
0x337: {  	(v2sf) =	vpush v38, $0x2;
	_ =	sdelay $0x1  }
0x338: {  	(v2sf) =	vpush v38, $0x3;
	_ =	sdelay $0x6  }
0x339: {  	(v2sf) =	vpush v37, $0x1;
	_ =	sdelay $0x1  }
0x33a: {  	s25 =	spop (v2sf)  }
0x33b: {  	[tilespmem:s16], [sflag:$0x2] =	stream.linear.gather [hbm4b:s25+s2], $0x400, $0x38;
	[tilespmem:$0x14300] =	vst v63  }
0x33c: {  	s6 =	spop (v2sf)  }
0x33d: {  	[tilespmem:s31], [sflag:$0x2] =	stream.linear.gather [hbm4b:s6+s2], $0x400, $0x38;
	[tilespmem:$0x14300] =	vst v63  }
0x33e: {  	s17 =	spop (v2sf)  }
0x33f: {  	[tilespmem:s5], [sflag:$0x2] =	stream.linear.gather [hbm4b:s17+s2], $0x400, $0x38;
	[tilespmem:$0x14300] =	vst v63  }
0x340: {  	s20 =	simm.s32 $0x8F00;
	s18 =	spop (v2sf)  }
0x341: {  	[tilespmem:s20], [sflag:$0x2] =	stream.linear.gather [hbm4b:s18+s2], $0x400, $0x38;
	[tilespmem:$0x14300] =	vst v63  }
0x342: {  	v45 =	vld.msk [tilespmem:$0x280], $0xf;
	_ =	sdelay $0x4  }
0x343: {  	s24 =	spop (v2sf);
	v38 =	vmul.u32 $0x7A1400, v45  }
0x344: {  	s13 =	sand.u32 $0xFFFFF80, s24  }
0x345: {  	s13 =	sadd.s32 s0, s13;
	v38 =	vshrl.u32 v38, $0x3  }
0x346: {  	v38 =	vadd.s32 s13, v38  }
0x347: {  	(v2sf) =	vpush v38, $0x0;
	_ =	sdelay $0x1  }
0x348: {  	(v2sf) =	vpush v38, $0x1;
	_ =	sdelay $0x1  }
0x349: {  	(v2sf) =	vpush v38, $0x2;
	_ =	sdelay $0x1  }
0x34a: {  	(v2sf) =	vpush v38, $0x3;
	_ =	sdelay $0x6  }
0x34b: {  	(v2sf) =	vpush v37, $0x2;
	_ =	sdelay $0x1  }
0x34c: {  	s25 =	spop (v2sf)  }
0x34d: {  	[tilespmem:s21], [sflag:$0x2] =	stream.linear.gather [hbm4b:s25+s2], $0x400, $0x38;
	[tilespmem:$0x14300] =	vst v63  }
0x34e: {  	s6 =	simm.s32 $0x9700;
	s5 =	spop (v2sf)  }
0x34f: {  	[tilespmem:s6], [sflag:$0x2] =	stream.linear.gather [hbm4b:s5+s2], $0x400, $0x38;
	[tilespmem:$0x14300] =	vst v63  }
0x350: {  	s18 =	simm.s32 $0x9B00;
	s17 =	spop (v2sf)  }
0x351: {  	[tilespmem:s18], [sflag:$0x2] =	stream.linear.gather [hbm4b:s17+s2], $0x400, $0x38;
	[tilespmem:$0x14300] =	vst v63  }
0x352: {  	s24 =	simm.s32 $0x9F00;
	s20 =	spop (v2sf)  }
0x353: {  	[tilespmem:s24], [sflag:$0x2] =	stream.linear.gather [hbm4b:s20+s2], $0x400, $0x38;
	[tilespmem:$0x14300] =	vst v63  }
0x354: {  	v46 =	vld.msk [tilespmem:$0x280], $0xf;
	_ =	sdelay $0x4  }
0x355: {  	s25 =	spop (v2sf);
	v38 =	vmul.u32 $0x7A1400, v46  }
0x356: {  	s13 =	sand.u32 $0xFFFFF80, s25  }
0x357: {  	s13 =	sadd.s32 s0, s13;
	v38 =	vshrl.u32 v38, $0x3  }
0x358: {  	v38 =	vadd.s32 s13, v38  }
0x359: {  	(v2sf) =	vpush v38, $0x0;
	_ =	sdelay $0x1  }
0x35a: {  	(v2sf) =	vpush v38, $0x1;
	_ =	sdelay $0x1  }
0x35b: {  	(v2sf) =	vpush v38, $0x2;
	_ =	sdelay $0x1  }
0x35c: {  	(v2sf) =	vpush v38, $0x3;
	_ =	sdelay $0x6  }
0x35d: {  	(v2sf) =	vpush v37, $0x3;
	_ =	sdelay $0x1  }
0x35e: {  	s5 =	spop (v2sf)  }
0x35f: {  	[tilespmem:s26], [sflag:$0x2] =	stream.linear.gather [hbm4b:s5+s2], $0x400, $0x38;
	[tilespmem:$0x14300] =	vst v63  }
0x360: {  	s17 =	simm.s32 $0xA700;
	s6 =	spop (v2sf)  }
0x361: {  	[tilespmem:s17], [sflag:$0x2] =	stream.linear.gather [hbm4b:s6+s2], $0x400, $0x38;
	[tilespmem:$0x14300] =	vst v63  }
0x362: {  	s20 =	simm.s32 $0xAB00;
	s18 =	spop (v2sf)  }
0x363: {  	[tilespmem:s20], [sflag:$0x2] =	stream.linear.gather [hbm4b:s18+s2], $0x400, $0x38;
	[tilespmem:$0x14300] =	vst v63  }
0x364: {  	s25 =	simm.s32 $0xAF00;
	s24 =	spop (v2sf)  }
0x365: {  	[tilespmem:s25], [sflag:$0x2] =	stream.linear.gather [hbm4b:s24+s2], $0x400, $0x38;
	[tilespmem:$0x14300] =	vst v63  }
0x366: {  	v47 =	vld.msk [tilespmem:$0x280], $0xf;
	_ =	sdelay $0x4  }
0x367: {  	s6 =	spop (v2sf);
	v38 =	vmul.u32 $0x7A1400, v47  }
0x368: {  	s13 =	sand.u32 $0xFFFFF80, s6  }
0x369: {  	s13 =	sadd.s32 s0, s13;
	v38 =	vshrl.u32 v38, $0x3  }
0x36a: {  	v38 =	vadd.s32 s13, v38  }
0x36b: {  	(v2sf) =	vpush v38, $0x0;
	_ =	sdelay $0x1  }
0x36c: {  	(v2sf) =	vpush v38, $0x1;
	_ =	sdelay $0x1  }
0x36d: {  	(v2sf) =	vpush v38, $0x2;
	_ =	sdelay $0x1  }
0x36e: {  	(v2sf) =	vpush v38, $0x3;
	_ =	sdelay $0x6  }
0x36f: {  	(v2sf) =	vpush v37, $0x4;
	_ =	sdelay $0x1  }
0x370: {  	s17 =	spop (v2sf)  }
0x371: {  	[tilespmem:s3], [sflag:$0x2] =	stream.linear.gather [hbm4b:s17+s2], $0x400, $0x38;
	[tilespmem:$0x14300] =	vst v63  }
0x372: {  	s20 =	simm.s32 $0xB700;
	s18 =	spop (v2sf)  }
0x373: {  	[tilespmem:s20], [sflag:$0x2] =	stream.linear.gather [hbm4b:s18+s2], $0x400, $0x38;
	[tilespmem:$0x14300] =	vst v63  }
0x374: {  	s25 =	simm.s32 $0xBB00;
	s24 =	spop (v2sf)  }
0x375: {  	[tilespmem:s25], [sflag:$0x2] =	stream.linear.gather [hbm4b:s24+s2], $0x400, $0x38;
	[tilespmem:$0x14300] =	vst v63  }
0x376: {  	s17 =	simm.s32 $0xBF00;
	s6 =	spop (v2sf)  }
0x377: {  	[tilespmem:s17], [sflag:$0x2] =	stream.linear.gather [hbm4b:s6+s2], $0x400, $0x38;
	[tilespmem:$0x14300] =	vst v63  }
0x378: {  	v48 =	vld.msk [tilespmem:$0x280], $0xf;
	_ =	sdelay $0x4  }
0x379: {  	s18 =	spop (v2sf);
	v38 =	vmul.u32 $0x7A1400, v48  }
0x37a: {  	s13 =	sand.u32 $0xFFFFF80, s18  }
0x37b: {  	s13 =	sadd.s32 s0, s13;
	v38 =	vshrl.u32 v38, $0x3  }
0x37c: {  	v38 =	vadd.s32 s13, v38  }
0x37d: {  	(v2sf) =	vpush v38, $0x0;
	_ =	sdelay $0x1  }
0x37e: {  	(v2sf) =	vpush v38, $0x1;
	_ =	sdelay $0x1  }
0x37f: {  	(v2sf) =	vpush v38, $0x2;
	_ =	sdelay $0x1  }
0x380: {  	(v2sf) =	vpush v38, $0x3;
	_ =	sdelay $0x6  }
0x381: {  	(v2sf) =	vpush v37, $0x5;
	_ =	sdelay $0x1  }
0x382: {  	s20 =	spop (v2sf)  }
0x383: {  	[tilespmem:s9], [sflag:$0x2] =	stream.linear.gather [hbm4b:s20+s2], $0x400, $0x38;
	[tilespmem:$0x14300] =	vst v63  }
0x384: {  	s25 =	simm.s32 $0xC700;
	s24 =	spop (v2sf)  }
0x385: {  	[tilespmem:s25], [sflag:$0x2] =	stream.linear.gather [hbm4b:s24+s2], $0x400, $0x38;
	[tilespmem:$0x14300] =	vst v63  }
0x386: {  	s17 =	simm.s32 $0xCB00;
	s6 =	spop (v2sf)  }
0x387: {  	[tilespmem:s17], [sflag:$0x2] =	stream.linear.gather [hbm4b:s6+s2], $0x400, $0x38;
	[tilespmem:$0x14300] =	vst v63  }
0x388: {  	s20 =	simm.s32 $0xCF00;
	s18 =	spop (v2sf)  }
0x389: {  	[tilespmem:s20], [sflag:$0x2] =	stream.linear.gather [hbm4b:s18+s2], $0x400, $0x38;
	[tilespmem:$0x14300] =	vst v63  }
0x38a: {  	v49 =	vld.msk [tilespmem:$0x280], $0xf;
	_ =	sdelay $0x4  }
0x38b: {  	s24 =	spop (v2sf);
	v38 =	vmul.u32 $0x7A1400, v49  }
0x38c: {  	s13 =	sand.u32 $0xFFFFF80, s24  }
0x38d: {  	s13 =	sadd.s32 s0, s13;
	v38 =	vshrl.u32 v38, $0x3  }
0x38e: {  	v38 =	vadd.s32 s13, v38  }
0x38f: {  	(v2sf) =	vpush v38, $0x0;
	_ =	sdelay $0x1  }
0x390: {  	(v2sf) =	vpush v38, $0x1;
	_ =	sdelay $0x1  }
0x391: {  	(v2sf) =	vpush v38, $0x2;
	_ =	sdelay $0x1  }
0x392: {  	(v2sf) =	vpush v38, $0x3;
	_ =	sdelay $0x6  }
0x393: {  	(v2sf) =	vpush v37, $0x6;
	_ =	sdelay $0x1  }
0x394: {  	s25 =	spop (v2sf)  }
0x395: {  	[tilespmem:s14], [sflag:$0x2] =	stream.linear.gather [hbm4b:s25+s2], $0x400, $0x38;
	[tilespmem:$0x14300] =	vst v63  }
0x396: {  	s6 =	simm.s32 $0xD700;
	s5 =	spop (v2sf)  }
0x397: {  	[tilespmem:s6], [sflag:$0x2] =	stream.linear.gather [hbm4b:s5+s2], $0x400, $0x38;
	[tilespmem:$0x14300] =	vst v63  }
0x398: {  	s18 =	simm.s32 $0xDB00;
	s17 =	spop (v2sf)  }
0x399: {  	[tilespmem:s18], [sflag:$0x2] =	stream.linear.gather [hbm4b:s17+s2], $0x400, $0x38;
	[tilespmem:$0x14300] =	vst v63  }
0x39a: {  	s24 =	simm.s32 $0xDF00;
	s20 =	spop (v2sf)  }
0x39b: {  	[tilespmem:s24], [sflag:$0x2] =	stream.linear.gather [hbm4b:s20+s2], $0x400, $0x38;
	[tilespmem:$0x14300] =	vst v63  }
0x39c: {  	v50 =	vld.msk [tilespmem:$0x280], $0xf;
	_ =	sdelay $0x4  }
0x39d: {  	s25 =	spop (v2sf);
	v38 =	vmul.u32 $0x7A1400, v50  }
0x39e: {  	s13 =	sand.u32 $0xFFFFF80, s25  }
0x39f: {  	s13 =	sadd.s32 s0, s13;
	v38 =	vshrl.u32 v38, $0x3  }
0x3a0: {  	v38 =	vadd.s32 s13, v38  }
0x3a1: {  	(v2sf) =	vpush v38, $0x0;
	_ =	sdelay $0x1  }
0x3a2: {  	(v2sf) =	vpush v38, $0x1;
	_ =	sdelay $0x1  }
0x3a3: {  	(v2sf) =	vpush v38, $0x2;
	_ =	sdelay $0x1  }
0x3a4: {  	(v2sf) =	vpush v38, $0x3;
	_ =	sdelay $0x6  }
0x3a5: {  	(v2sf) =	vpush v37, $0x7;
	_ =	sdelay $0x1  }
0x3a6: {  	s5 =	spop (v2sf)  }
0x3a7: {  	[tilespmem:s22], [sflag:$0x2] =	stream.linear.gather [hbm4b:s5+s2], $0x400, $0x38;
	[tilespmem:$0x14300] =	vst v63  }
0x3a8: {  	s17 =	simm.s32 $0xE700;
	s6 =	spop (v2sf)  }
0x3a9: {  	[tilespmem:s17], [sflag:$0x2] =	stream.linear.gather [hbm4b:s6+s2], $0x400, $0x38;
	[tilespmem:$0x14300] =	vst v63  }
0x3aa: {  	s20 =	simm.s32 $0xEB00;
	s18 =	spop (v2sf)  }
0x3ab: {  	[tilespmem:s20], [sflag:$0x2] =	stream.linear.gather [hbm4b:s18+s2], $0x400, $0x38;
	[tilespmem:$0x14300] =	vst v63  }
0x3ac: {  	s25 =	simm.s32 $0xEF00;
	s24 =	spop (v2sf)  }
0x3ad: {  	[tilespmem:s25], [sflag:$0x2] =	stream.linear.gather [hbm4b:s24+s2], $0x400, $0x38;
	[tilespmem:$0x14300] =	vst v63  }
0x3ae: {  	v51 =	vld.msk [tilespmem:$0x280], $0xf;
	_ =	sdelay $0x4  }
0x3af: {  	s6 =	spop (v2sf);
	v37 =	vmul.u32 $0x7A1400, v51  }
0x3b0: {  	s13 =	sand.u32 $0xFFFFF80, s6  }
0x3b1: {  	s13 =	sadd.s32 s0, s13;
	v37 =	vshrl.u32 v37, $0x3  }
0x3b2: {  	v37 =	vadd.s32 s13, v37  }
0x3b3: {  	(v2sf) =	vpush v37, $0x0;
	_ =	sdelay $0x1  }
0x3b4: {  	(v2sf) =	vpush v37, $0x1;
	_ =	sdelay $0x1  }
0x3b5: {  	(v2sf) =	vpush v37, $0x2;
	_ =	sdelay $0x1  }
0x3b6: {  	(v2sf) =	vpush v37, $0x3;
	_ =	sdelay $0x8  }
0x3b7: {  	s17 =	spop (v2sf)  }
0x3b8: {  	[tilespmem:s30], [sflag:$0x2] =	stream.linear.gather [hbm4b:s17+s2], $0x400, $0x38;
	[tilespmem:$0x14300] =	vst v63  }
0x3b9: {  	s20 =	simm.s32 $0xF700;
	s18 =	spop (v2sf)  }
0x3ba: {  	[tilespmem:s20], [sflag:$0x2] =	stream.linear.gather [hbm4b:s18+s2], $0x400, $0x38;
	[tilespmem:$0x14300] =	vst v63  }
0x3bb: {  	s25 =	simm.s32 $0xFB00;
	s24 =	spop (v2sf)  }
0x3bc: {  	[tilespmem:s25], [sflag:$0x2] =	stream.linear.gather [hbm4b:s24+s2], $0x400, $0x38;
	[tilespmem:$0x14300] =	vst v63  }
0x3bd: {  	s6 =	simm.s32 $0xFF00;
	s5 =	spop (v2sf)  }
0x3be: {  	[tilespmem:s6], [sflag:$0x2] =	stream.linear.gather [hbm4b:s5+s2], $0x400, $0x38;
	[tilespmem:$0x14300] =	vst v63  }
0x3bf: {  	_ =	swait.ge [sflag:s8], $0x4000  }
0x3c0: {  	[sflag:s8] =	ssyncset.done $0x0  }
0x3c1: {  	[sflag:s8] =	ssyncadd.s32 $0xFFFFC000  }
0x3c2: {  	_ =	swait.ge [sflag:s8], $0x4000  }
0x3c3: {  	[sflag:s8] =	ssyncset.done $0x0  }
0x3c4: {  	[sflag:s8] =	ssyncadd.s32 $0xFFFFC000  }
0x3c5: {  	v52 =	vld [tilespmem:$0x1F0];
	_ =	sdelay $0x4  }
0x3c6: {  	(v2sf) =	vpush v52, $0x0;
	_ =	sdelay $0xb  }
0x3c7: {  	(v2sf) =	vpush v52, $0x1;
	_ =	sdelay $0x2  }
0x3c8: {  	s17 =	spop (v2sf)  }
0x3c9: {  	s13 =	sand.u32 $0x7F, s17  }
0x3ca: {  	v53 =	vor.u32 s13, v1;
	_ =	sdelay $0x4  }
0x3cb: {  	v38 =	vld.idx.msk [tilespmem:v53+s11+$0x0], $0xffff  }
0x3cc: {  	v39 =	vor.u32 s13, v3  }
0x3cd: {  	(v2sf) =	vpush v52, $0x2;
	_ =	sdelay $0x2  }
0x3ce: {  	s18 =	spop (v2sf);
	[tilespmem:v5+s4+$0x0] =	vst.idx.msk $0xffff, v38  }
0x3cf: {  	s13 =	sand.u32 $0x7F, s18;
	v38 =	vld.idx.msk [tilespmem:v39+s11+$0x0], $0xffff  }
0x3d0: {  	v54 =	vor.u32 s13, v1;
	_ =	sdelay $0x3  }
0x3d1: {  	[tilespmem:v6+s4+$0x0] =	vst.idx.msk $0xffff, v38  }
0x3d2: {  	v38 =	vld.idx.msk [tilespmem:v54+s15+$0x0], $0xffff  }
0x3d3: {  	v55 =	vor.u32 s13, v3  }
0x3d4: {  	(v2sf) =	vpush v52, $0x3;
	_ =	sdelay $0x2  }
0x3d5: {  	s20 =	spop (v2sf);
	[tilespmem:v7+s4+$0x0] =	vst.idx.msk $0xffff, v38  }
0x3d6: {  	s13 =	sand.u32 $0x7F, s20;
	v38 =	vld.idx.msk [tilespmem:v55+s15+$0x0], $0xffff  }
0x3d7: {  	v56 =	vor.u32 s13, v1;
	_ =	sdelay $0x3  }
0x3d8: {  	[tilespmem:v8+s4+$0x0] =	vst.idx.msk $0xffff, v38  }
0x3d9: {  	v38 =	vld.idx.msk [tilespmem:v56+s19+$0x0], $0xffff  }
0x3da: {  	v57 =	vor.u32 s13, v3  }
0x3db: {  	(v2sf) =	vpush v52, $0x4;
	_ =	sdelay $0x2  }
0x3dc: {  	s24 =	spop (v2sf);
	[tilespmem:v9+s4+$0x0] =	vst.idx.msk $0xffff, v38  }
0x3dd: {  	s13 =	sand.u32 $0x7F, s24;
	v38 =	vld.idx.msk [tilespmem:v57+s19+$0x0], $0xffff  }
0x3de: {  	v58 =	vor.u32 s13, v1;
	_ =	sdelay $0x3  }
0x3df: {  	[tilespmem:v10+s4+$0x0] =	vst.idx.msk $0xffff, v38  }
0x3e0: {  	v38 =	vld.idx.msk [tilespmem:v58+s23+$0x0], $0xffff  }
0x3e1: {  	v59 =	vor.u32 s13, v3  }
0x3e2: {  	(v2sf) =	vpush v52, $0x5;
	_ =	sdelay $0x2  }
0x3e3: {  	s25 =	spop (v2sf);
	[tilespmem:v11+s4+$0x0] =	vst.idx.msk $0xffff, v38  }
0x3e4: {  	s13 =	sand.u32 $0x7F, s25;
	v38 =	vld.idx.msk [tilespmem:v59+s23+$0x0], $0xffff  }
0x3e5: {  	v60 =	vor.u32 s13, v1;
	_ =	sdelay $0x3  }
0x3e6: {  	[tilespmem:v12+s4+$0x0] =	vst.idx.msk $0xffff, v38  }
0x3e7: {  	v38 =	vld.idx.msk [tilespmem:v60+s28+$0x0], $0xffff  }
0x3e8: {  	v61 =	vor.u32 s13, v3  }
0x3e9: {  	(v2sf) =	vpush v52, $0x6;
	_ =	sdelay $0x2  }
0x3ea: {  	s5 =	spop (v2sf);
	[tilespmem:v13+s4+$0x0] =	vst.idx.msk $0xffff, v38  }
0x3eb: {  	s13 =	sand.u32 $0x7F, s5;
	v38 =	vld.idx.msk [tilespmem:v61+s28+$0x0], $0xffff  }
0x3ec: {  	v62 =	vor.u32 s13, v1;
	_ =	sdelay $0x3  }
0x3ed: {  	[tilespmem:v14+s4+$0x0] =	vst.idx.msk $0xffff, v38  }
0x3ee: {  	v38 =	vld.idx.msk [tilespmem:v62+s1+$0x0], $0xffff  }
0x3ef: {  	v63 =	vor.u32 s13, v3  }
0x3f0: {  	(v2sf) =	vpush v52, $0x7;
	_ =	sdelay $0x2  }
0x3f1: {  	s6 =	spop (v2sf);
	[tilespmem:v15+s4+$0x0] =	vst.idx.msk $0xffff, v38  }
0x3f2: {  	s13 =	sand.u32 $0x7F, s6;
	v41 =	vld.idx.msk [tilespmem:v63+s1+$0x0], $0xffff  }
0x3f3: {  	v42 =	vor.u32 s13, v1;
	_ =	sdelay $0x3  }
0x3f4: {  	[tilespmem:v16+s4+$0x0] =	vst.idx.msk $0xffff, v41  }
0x3f5: {  	v37 =	vld.idx.msk [tilespmem:v42+s7+$0x0], $0xffff  }
0x3f6: {  	v43 =	vor.u32 s13, v3;
	_ =	sdelay $0x3  }
0x3f7: {  	s17 =	spop (v2sf);
	[tilespmem:v17+s4+$0x0] =	vst.idx.msk $0xffff, v37  }
0x3f8: {  	s13 =	sand.u32 $0x7F, s17;
	v37 =	vld.idx.msk [tilespmem:v43+s7+$0x0], $0xffff  }
0x3f9: {  	v44 =	vor.u32 s13, v1;
	_ =	sdelay $0x3  }
0x3fa: {  	[tilespmem:v18+s4+$0x0] =	vst.idx.msk $0xffff, v37  }
0x3fb: {  	v37 =	vld.idx.msk [tilespmem:v44+s10+$0x0], $0xffff  }
0x3fc: {  	v45 =	vor.u32 s13, v3;
	_ =	sdelay $0x3  }
0x3fd: {  	[tilespmem:v19+s4+$0x0] =	vst.idx.msk $0xffff, v37  }
0x3fe: {  	v37 =	vld.idx.msk [tilespmem:v45+s10+$0x0], $0xffff;
	_ =	sdelay $0x4  }
0x3ff: {  	[tilespmem:v20+s4+$0x0] =	vst.idx.msk $0xffff, v37  }
0x400: {  	_ =	swait.ge [sflag:s12], $0x4000  }
0x401: {  	[sflag:s12] =	ssyncset.done $0x0  }
0x402: {  	[sflag:s12] =	ssyncadd.s32 $0xFFFFC000  }
0x403: {  	_ =	swait.ge [sflag:s12], $0x4000  }
0x404: {  	[sflag:s12] =	ssyncset.done $0x0  }
0x405: {  	[sflag:s12] =	ssyncadd.s32 $0xFFFFC000  }
0x406: {  	v46 =	vld [tilespmem:$0x1F8];
	_ =	sdelay $0x4  }
0x407: {  	(v2sf) =	vpush v46, $0x0;
	_ =	sdelay $0xb  }
0x408: {  	(v2sf) =	vpush v46, $0x1;
	_ =	sdelay $0x2  }
0x409: {  	s18 =	spop (v2sf)  }
0x40a: {  	s13 =	sand.u32 $0x7F, s18  }
0x40b: {  	v47 =	vor.u32 s13, v1;
	_ =	sdelay $0x4  }
0x40c: {  	v38 =	vld.idx.msk [tilespmem:v47+s16+$0x0], $0xffff  }
0x40d: {  	v48 =	vor.u32 s13, v3  }
0x40e: {  	(v2sf) =	vpush v46, $0x2;
	_ =	sdelay $0x2  }
0x40f: {  	s20 =	spop (v2sf);
	[tilespmem:v21+s4+$0x0] =	vst.idx.msk $0xffff, v38  }
0x410: {  	s13 =	sand.u32 $0x7F, s20;
	v38 =	vld.idx.msk [tilespmem:v48+s16+$0x0], $0xffff  }
0x411: {  	v49 =	vor.u32 s13, v1;
	_ =	sdelay $0x3  }
0x412: {  	[tilespmem:v22+s4+$0x0] =	vst.idx.msk $0xffff, v38  }
0x413: {  	v38 =	vld.idx.msk [tilespmem:v49+s21+$0x0], $0xffff  }
0x414: {  	v50 =	vor.u32 s13, v3  }
0x415: {  	(v2sf) =	vpush v46, $0x3;
	_ =	sdelay $0x2  }
0x416: {  	s24 =	spop (v2sf);
	[tilespmem:v23+s4+$0x0] =	vst.idx.msk $0xffff, v38  }
0x417: {  	s13 =	sand.u32 $0x7F, s24;
	v38 =	vld.idx.msk [tilespmem:v50+s21+$0x0], $0xffff  }
0x418: {  	v51 =	vor.u32 s13, v1;
	_ =	sdelay $0x3  }
0x419: {  	[tilespmem:v24+s4+$0x0] =	vst.idx.msk $0xffff, v38  }
0x41a: {  	v38 =	vld.idx.msk [tilespmem:v51+s26+$0x0], $0xffff  }
0x41b: {  	v52 =	vor.u32 s13, v3  }
0x41c: {  	(v2sf) =	vpush v46, $0x4;
	_ =	sdelay $0x2  }
0x41d: {  	s25 =	spop (v2sf);
	[tilespmem:v25+s4+$0x0] =	vst.idx.msk $0xffff, v38  }
0x41e: {  	s13 =	sand.u32 $0x7F, s25;
	v38 =	vld.idx.msk [tilespmem:v52+s26+$0x0], $0xffff  }
0x41f: {  	v53 =	vor.u32 s13, v1;
	_ =	sdelay $0x3  }
0x420: {  	[tilespmem:v26+s4+$0x0] =	vst.idx.msk $0xffff, v38  }
0x421: {  	v38 =	vld.idx.msk [tilespmem:v53+s3+$0x0], $0xffff  }
0x422: {  	v54 =	vor.u32 s13, v3  }
0x423: {  	(v2sf) =	vpush v46, $0x5;
	_ =	sdelay $0x2  }
0x424: {  	s5 =	spop (v2sf);
	[tilespmem:v27+s4+$0x0] =	vst.idx.msk $0xffff, v38  }
0x425: {  	s13 =	sand.u32 $0x7F, s5;
	v38 =	vld.idx.msk [tilespmem:v54+s3+$0x0], $0xffff  }
0x426: {  	v55 =	vor.u32 s13, v1;
	_ =	sdelay $0x3  }
0x427: {  	[tilespmem:v28+s4+$0x0] =	vst.idx.msk $0xffff, v38  }
0x428: {  	v38 =	vld.idx.msk [tilespmem:v55+s9+$0x0], $0xffff  }
0x429: {  	v56 =	vor.u32 s13, v3  }
0x42a: {  	(v2sf) =	vpush v46, $0x6;
	_ =	sdelay $0x2  }
0x42b: {  	s6 =	spop (v2sf);
	[tilespmem:v29+s4+$0x0] =	vst.idx.msk $0xffff, v38  }
0x42c: {  	s13 =	sand.u32 $0x7F, s6;
	v38 =	vld.idx.msk [tilespmem:v56+s9+$0x0], $0xffff  }
0x42d: {  	v57 =	vor.u32 s13, v1;
	_ =	sdelay $0x3  }
0x42e: {  	[tilespmem:v30+s4+$0x0] =	vst.idx.msk $0xffff, v38  }
0x42f: {  	v38 =	vld.idx.msk [tilespmem:v57+s14+$0x0], $0xffff  }
0x430: {  	v58 =	vor.u32 s13, v3  }
0x431: {  	(v2sf) =	vpush v46, $0x7;
	_ =	sdelay $0x2  }
0x432: {  	s17 =	spop (v2sf);
	[tilespmem:v31+s4+$0x0] =	vst.idx.msk $0xffff, v38  }
0x433: {  	s13 =	sand.u32 $0x7F, s17;
	v59 =	vld.idx.msk [tilespmem:v58+s14+$0x0], $0xffff  }
0x434: {  	v60 =	vor.u32 s13, v1;
	_ =	sdelay $0x3  }
0x435: {  	[tilespmem:v32+s4+$0x0] =	vst.idx.msk $0xffff, v59  }
0x436: {  	v37 =	vld.idx.msk [tilespmem:v60+s22+$0x0], $0xffff  }
0x437: {  	v61 =	vor.u32 s13, v3;
	_ =	sdelay $0x3  }
0x438: {  	s18 =	spop (v2sf);
	[tilespmem:v33+s4+$0x0] =	vst.idx.msk $0xffff, v37  }
0x439: {  	s13 =	sand.u32 $0x7F, s18;
	v37 =	vld.idx.msk [tilespmem:v61+s22+$0x0], $0xffff  }
0x43a: {  	v62 =	vor.u32 s13, v1;
	_ =	sdelay $0x3  }
0x43b: {  	[tilespmem:v34+s4+$0x0] =	vst.idx.msk $0xffff, v37  }
0x43c: {  	v37 =	vld.idx.msk [tilespmem:v62+s30+$0x0], $0xffff  }
0x43d: {  	v63 =	vor.u32 s13, v3;
	_ =	sdelay $0x3  }
0x43e: {  	[tilespmem:v35+s4+$0x0] =	vst.idx.msk $0xffff, v37  }
0x43f: {  	v37 =	vld.idx.msk [tilespmem:v63+s30+$0x0], $0xffff;
	_ =	sdelay $0x4  }
0x440: {  	s20 =	rddreg [dreg:$0x4];
	[tilespmem:v36+s4+$0x0] =	vst.idx.msk $0xffff, v37  }
0x441: {  	[hbm4b:s20+s2] =	stream.linear.scatter [tilespmem:s4], [sflag:$0x3], $0x1000, $0x38;
	[tilespmem:$0x14300] =	vst v63  }
0x442: {  	s24 =	rddreg [dreg:$0x6];
	s25 =	simm.s32 $0x11300  }
0x443: {  	[hbm4b:s24+s2] =	stream.linear.scatter [tilespmem:s25], [sflag:$0x3], $0x1000, $0x38;
	[tilespmem:$0x14300] =	vst v63  }
0x444: {  	s6 =	rddreg [dreg:$0x7];
	s17 =	simm.s32 $0x12300  }
0x445: {  	[hbm4b:s6+s2] =	stream.linear.scatter [tilespmem:s17], [sflag:$0x3], $0x1000, $0x38;
	[tilespmem:$0x14300] =	vst v63  }
0x446: {  	s18 =	rddreg [dreg:$0x8];
	s20 =	simm.s32 $0x13300;
	s24 =	simm.s32 $0x3  }
0x447: {  	[hbm4b:s18+s2] =	stream.linear.scatter [tilespmem:s20], [sflag:$0x3], $0x1000, $0x38;
	[tilespmem:$0x14300] =	vst v63  }
0x448: {  	_ =	swait.ge [sflag:s24], $0x1000  }
0x449: {  	[sflag:s24] =	ssyncset.done $0x0  }
0x44a: {  	[sflag:s24] =	ssyncadd.s32 $0xFFFFF000  }
0x44b: {  	_ =	swait.ge [sflag:s24], $0x1000  }
0x44c: {  	[sflag:s24] =	ssyncset.done $0x0  }
0x44d: {  	[sflag:s24] =	ssyncadd.s32 $0xFFFFF000  }
0x44e: {  	_ =	swait.ge [sflag:s24], $0x1000  }
0x44f: {  	[sflag:s24] =	ssyncset.done $0x0  }
0x450: {  	[sflag:s24] =	ssyncadd.s32 $0xFFFFF000  }
0x451: {  	_ =	swait.ge [sflag:s24], $0x1000  }
0x452: {  	s6 =	rddreg [dreg:$0xa]  }
0x453: {  	s25 =	rddreg [dreg:$0x9];
	s6 =	sadd.s32 $0x1, s6  }
0x454: {  	p0 =	sne.s32 s6, s25  }
.Ltmp1:
0x455: {  	_ = 	snop;
	(pc) =	sbr.rel @p0 .LBB2_1-.Ltmp1, $4  }
0x456: {  	s29 =	simm.s32 $0x2B00;
	s31 =	simm.s32 $0x2F00;
	s5 =	simm.s32 $0x1B00  }
0x457: {  	s17 =	simm.s32 $0x700;
	s18 =	simm.s32 $0xB00;
	[sflag:s24] =	ssyncset.done $0x0  }
0x458: {  	s20 =	simm.s32 $0xF00;
	[sflag:s24] =	ssyncadd.s32 $0xFFFFF000;
	s24 =	simm.s32 $0x1700  }
0x459: {  	[dreg:$0xa] =	wrdreg s6;
	s6 =	simm.s32 $0x1F00;
	s25 =	simm.s32 $0x2700  }
0x45a: {  	_ =	sfence.sel $0x180000  }
0x45b: {  	[bflag:$0x0] =	sbarrier.arrive $0xFFFF  }
0x45c: {  	_ =	strace $0x90000047  }
0x45d: {  	s0 =	stileid.u32;
	[bflag:$0x2] =	sbarrier.arrive $0xFFFF  }
0x45e: {  	p0 =	sne.s32 s0, $0x0;
	s0 =	rddreg [dreg:$0x3]  }
0x45f: {  	s0 =	sadd.s32 @!p0 $0x100000, s0  }
0x460: {  	[sflag:s0] =	ssyncadd.tile.s32 @!p0 $0x1;
	_ =	shalt  }
.Lfunc_end2:
_tile_overlayer_lowered:
.L_overlay_start_2:
0x461: {  	(tag) =	ssettag $0x2  }
0x462: {  	s0 =	rddreg [dreg:$0x0];
	s2 =	stileid.u32  }
0x463: {  	s1 =	rddreg [dreg:$0x1];
	p0 =	sne.s32 s2, $0x0  }
0x464: {  	s3 =	rddreg [dreg:$0x2];
	[bflag:$0x3] =	sbarrier.arrive $0xFFFF;
	s2 =	simm.s32 @!p0 $0x1C04  }
0x465: {  	[timem:s3], [sflag:s2] =	dma.local @!p0 [hbm:s0], s1  }
0x466: {  	s0 =	simm.s32 @!p0 $0x4  }
0x467: {  	_ =	swait.ge @!p0 [sflag:s0], s1  }
0x468: {  	s1 =	ssub.s32 @!p0 $0x0, s1;
	[sflag:s0] =	ssyncset.done @!p0 $0x0  }
0x469: {  	[sflag:s0] =	ssyncadd.s32 @!p0 s1  }
0x46a: {  	[bflag:$0x3] =	sbarrier.arrive $0xFFFF  }
0x46b: {  	_ =	shalt  }

</sc_bundles>
